<compile_context>
chip_gen: v7x
topology: tpu7x:2x2x1
jax: 0.10.2.dev20260603
libtpu: 0.0.44.dev20260713+nightly
codegen_flags: <defaults>
</compile_context>

<pallas_src>
import jax
import jax.numpy as jnp
from jax import lax
from jax.experimental import pallas as pl
from jax.experimental.pallas import tpu as pltpu
from jax.experimental.pallas import tpu_sc as plsc

B = 4
N = 512
C = 16
D = 1024
NBITS = 6
R = B * N

SC_TOK = 768

NW = 32
RPW = SC_TOK // NW
ROWB = 2
NBUF = 3
NSTEP = RPW // ROWB
NGRP = D // 16

TOK_BLK = 128
TC_TOK = R - SC_TOK


def _sc_body(x_hbm, ht_hbm, eidx_hbm, conf_hbm,
             xbuf, htbuf, eidx_v, conf_v, sems):
    cid = lax.axis_index("c")
    sid = lax.axis_index("s")
    wid = sid * 2 + cid
    base = wid * RPW

    pltpu.sync_copy(ht_hbm, htbuf)

    lane = jnp.arange(16, dtype=jnp.int32)
    mask2 = lane < 2
    mask1 = lane < 1

    def issue(buf, step):
        pltpu.make_async_copy(
            x_hbm.at[pl.ds((base + step * ROWB) * C, ROWB * C)],
            xbuf.at[buf], sems.at[buf]).start()

    def wait(buf):
        pltpu.make_async_copy(
            x_hbm.at[pl.ds(0, ROWB * C)], xbuf.at[buf], sems.at[buf]).wait()

    for bf in range(NBUF):
        issue(bf, bf)

    def compute(buf, step):
        def gbody(g, paccs):
            col = g * 16
            hts = [htbuf[j, pl.ds(col, 16)] for j in range(NBITS)]
            out = []
            for r in range(ROWB):
                acc = xbuf[buf, r * C, pl.ds(col, 16)]
                for c in range(1, C):
                    acc = acc + xbuf[buf, r * C + c, pl.ds(col, 16)]
                u = plsc.bitcast(acc * (1.0 / C), jnp.int32)
                u = (u + jnp.int32(0x7FFF) +
                     (lax.shift_right_logical(u, jnp.int32(16)) &
                      jnp.int32(1))) & jnp.int32(-65536)
                emb = plsc.bitcast(u, jnp.float32)
                for j in range(NBITS):
                    out.append(paccs[r * NBITS + j] + emb * hts[j])
            return tuple(out)

        z = jnp.zeros((16,), dtype=jnp.float32)
        paccs = lax.fori_loop(0, NGRP, gbody, (z,) * (ROWB * NBITS))

        for r in range(ROWB):
            ps = [jnp.sum(paccs[r * NBITS + j]) for j in range(NBITS)]
            eid = jnp.int32(0)
            for j in range(NBITS):
                eid = eid + jnp.where(ps[j] > 0, jnp.int32(1 << j),
                                      jnp.int32(0))
            aj = [jnp.abs(p) for p in ps]
            m = aj[0]
            flip = jnp.int32(1)
            for j in range(1, NBITS):
                cnd = aj[j] < m
                m = jnp.where(cnd, aj[j], m)
                flip = jnp.where(cnd, jnp.int32(1 << j), flip)
            e2 = lax.bitwise_xor(eid, flip)
            conf = (aj[0] + aj[1] + aj[2] + aj[3] + aj[4] + aj[5]) \
                * (1.0 / NBITS)

            rl = step * ROWB + r
            ev = jnp.where(lane == 0, jnp.full((16,), eid, jnp.int32),
                           jnp.full((16,), e2, jnp.int32))
            plsc.store_scatter(eidx_v, [2 * rl + lane], ev, mask=mask2)
            plsc.store_scatter(conf_v, [rl + lane * 0],
                               jnp.full((16,), conf, jnp.float32),
                               mask=mask1)

    def sbody(s2, carry):
        for bf in range(NBUF):
            step = s2 * NBUF + bf
            wait(bf)
            compute(bf, step)
            nxt = step + NBUF

            @pl.when(nxt < NSTEP)
            def _():
                issue(bf, nxt)
        return carry

    lax.fori_loop(0, NSTEP // NBUF, sbody, jnp.int32(0))

    pltpu.sync_copy(eidx_v, eidx_hbm.at[pl.ds(base * 2, RPW * 2)])
    pltpu.sync_copy(conf_v, conf_hbm.at[pl.ds(base, RPW)])


def _sc_router(x2, ht):
    mesh = plsc.VectorSubcoreMesh(core_axis_name="c", subcore_axis_name="s")
    return pl.kernel(
        _sc_body,
        out_type=[
            jax.ShapeDtypeStruct((SC_TOK * 2,), jnp.int32),
            jax.ShapeDtypeStruct((SC_TOK,), jnp.float32),
        ],
        mesh=mesh,
        scratch_types=[
            pltpu.VMEM((NBUF, ROWB * C, D), jnp.float32),
            pltpu.VMEM((NBITS, D), jnp.float32),
            pltpu.VMEM((RPW * 2,), jnp.int32),
            pltpu.VMEM((RPW,), jnp.float32),
            pltpu.SemaphoreType.DMA((NBUF,)),
        ],
        compiler_params=pltpu.CompilerParams(needs_layout_passes=False),
    )(x2, ht)


def _tc_body(x_ref, h_ref, e1_ref, e2_ref, conf_ref):
    xb = x_ref[...]
    xs = jnp.sum(xb.reshape(TOK_BLK, C, D), axis=1) * (1.0 / C)
    xs16 = xs.astype(jnp.bfloat16)
    h16 = h_ref[...].astype(jnp.bfloat16)
    proj = jax.lax.dot_general(
        xs16, h16, (((1,), (0,)), ((), ())),
        preferred_element_type=jnp.float32)
    lane = lax.broadcasted_iota(jnp.int32, proj.shape, 1)
    valid = lane < NBITS
    pw = jnp.where(valid & (proj > 0), jnp.int32(1) << lane, jnp.int32(0))
    e1 = jnp.sum(pw, axis=1)
    a = jnp.abs(proj)
    am = jnp.where(valid, a, jnp.float32(3.4e38))
    m = jnp.min(am, axis=1, keepdims=True)
    weakest = jnp.min(jnp.where(am == m, lane, jnp.int32(127)), axis=1)
    e2 = lax.bitwise_xor(e1, jnp.int32(1) << weakest)
    conf = jnp.sum(jnp.where(valid, a, 0.0), axis=1) * (1.0 / NBITS)
    e1_ref[...] = e1.reshape(1, 1, TOK_BLK)
    e2_ref[...] = e2.reshape(1, 1, TOK_BLK)
    conf_ref[...] = conf.reshape(1, 1, TOK_BLK)


def _tc_router(x2, hpad):
    nblk = TC_TOK // TOK_BLK
    blk0 = SC_TOK // TOK_BLK
    e1, e2, conf = pl.pallas_call(
        _tc_body,
        grid=(nblk,),
        in_specs=[
            pl.BlockSpec((TOK_BLK * C, D), lambda i: (blk0 + i, 0)),
            pl.BlockSpec((D, 128), lambda i: (0, 0)),
        ],
        out_specs=[
            pl.BlockSpec((1, 1, TOK_BLK), lambda i: (i, 0, 0)),
            pl.BlockSpec((1, 1, TOK_BLK), lambda i: (i, 0, 0)),
            pl.BlockSpec((1, 1, TOK_BLK), lambda i: (i, 0, 0)),
        ],
        out_shape=[
            jax.ShapeDtypeStruct((nblk, 1, TOK_BLK), jnp.int32),
            jax.ShapeDtypeStruct((nblk, 1, TOK_BLK), jnp.int32),
            jax.ShapeDtypeStruct((nblk, 1, TOK_BLK), jnp.float32),
        ],
    )(x2, hpad)
    return e1.reshape(TC_TOK), e2.reshape(TC_TOK), conf.reshape(TC_TOK)


def _round_bf16(v):
    u = lax.bitcast_convert_type(v, jnp.int32)
    u = (u + jnp.int32(0x7FFF) +
         (lax.shift_right_logical(u, 16) & jnp.int32(1))) & jnp.int32(-65536)
    return lax.bitcast_convert_type(u, jnp.float32)


@jax.jit
def _router(x2, ht, hpad):
    tc_e1, tc_e2, tc_conf = _tc_router(x2, hpad)
    sc_eidx, sc_conf = _sc_router(x2, ht)
    eidx = jnp.concatenate(
        [sc_eidx.reshape(SC_TOK, 2),
         jnp.stack([tc_e1, tc_e2], axis=-1)], axis=0)
    conf = jnp.concatenate([sc_conf, tc_conf], axis=0)
    return eidx, conf


def kernel(x, hyperplanes):
    x2 = x.reshape(R * C, D)
    ht = _round_bf16(hyperplanes.T.reshape(NBITS, D))
    hpad = jnp.zeros((D, 128), jnp.float32).at[:, :NBITS].set(hyperplanes)
    eidx, conf = _router(x2, ht, hpad)
    return (eidx.reshape(B, N, 2),
            jnp.ones((B, N, 2), x.dtype),
            conf.reshape(B, N))

# --- scband reference (transcript-rebuilt; emitter-appended) ---
"""Pipeline reference for scband-lshrouter-44341242364338 (READ-ONLY COPY).

The authoritative reference and input builder live on the scoring server;
editing this copy changes nothing except your own understanding.
"""

import jax, jax.numpy as jnp
import numpy as np

def setup_inputs(seed: int = 0) -> dict:
    key = jax.random.key(seed)
    k1, k2 = jax.random.split(key)
    x = jax.random.normal(k1, (4, 512, 16, 1024), dtype=jnp.float32)
    hyperplanes = jax.random.normal(k2, (1024, 6), dtype=jnp.float32)
    return {"x": x, "hyperplanes": hyperplanes}

def reference(x, hyperplanes):
    num_bits = hyperplanes.shape[1]
    # powers buffer: 2 ** arange(num_bits)
    powers = jnp.left_shift(jnp.int32(1), jnp.arange(num_bits, dtype=jnp.int32))
    # chunk embedding: mean over ChunkSize dim
    chunk_emb = jnp.mean(x, axis=2)  # [B, NumChunks, Dim]
    projections = jnp.matmul(chunk_emb, hyperplanes)  # [B, NumChunks, num_bits]
    bits = (projections > 0).astype(jnp.int32)
    expert_ids = jnp.sum(bits * powers, axis=-1)  # [B, NumChunks]
    abs_proj = jnp.abs(projections)
    weakest_bit_idx = jnp.argmin(abs_proj, axis=-1)  # [B, NumChunks]
    flip_mask = jnp.take(powers, weakest_bit_idx)  # 2 ** weakest_bit_idx
    expert_1 = expert_ids
    expert_2 = jnp.bitwise_xor(expert_ids, flip_mask)
    expert_indices = jnp.stack([expert_1, expert_2], axis=-1)  # [B, NumChunks, 2]
    gates = jnp.ones(expert_indices.shape, dtype=x.dtype)
    confidence = jnp.mean(abs_proj, axis=-1)  # [B, NumChunks]
    return (expert_indices, gates, confidence)

if __name__ == "__main__":
    import jax
    _d = setup_inputs()
    print(jax.jit(kernel)(*tuple(_d.values())))

</pallas_src>

<mosaic_0001>
#map = affine_map<(d0, d1) -> (0, 0)>
#map1 = affine_map<(d0, d1) -> (0)>
module attributes {stable_mosaic.version = 14 : i64} {
  func.func @_sc_body(%arg0: i32, %arg1: i32, %arg2: memref<32768x1024xf32, #tpu.memory_space<hbm>>, %arg3: memref<6x1024xf32, #tpu.memory_space<hbm>>, %arg4: memref<1536xi32, #tpu.memory_space<hbm>>, %arg5: memref<768xf32, #tpu.memory_space<hbm>>, %arg6: memref<3x32x1024xf32, #tpu.memory_space<vmem>>, %arg7: memref<6x1024xf32, #tpu.memory_space<vmem>>, %arg8: memref<48xi32, #tpu.memory_space<vmem>>, %arg9: memref<24xf32, #tpu.memory_space<vmem>>, %arg10: memref<3x!tpu.dma_semaphore, #tpu.memory_space<semaphore_mem>>) attributes {dimension_semantics = [#tpu.dimension_semantics<core_parallel>, #tpu.dimension_semantics<subcore_parallel>], iteration_bounds = array<i64: 2, 16>, scalar_prefetch = 0 : i64, scratch_operands = 5 : i64, tpu.core_type = #tpu.core_type<sc_vector_subcore>, window_params = [{transform_indices = #map}, {transform_indices = #map}, {transform_indices = #map1}, {transform_indices = #map1}]} {
    %mul3A = arith.constant 2 : i32
    %mul3A_0 = arith.muli %arg1, %mul3A : i32
    %add3A = arith.addi %mul3A_0, %arg0 : i32
    %mul3A_1 = arith.constant 24 : i32
    %mul3A_2 = arith.muli %add3A, %mul3A_1 : i32
    "tpu.region"() ({
      %run_scoped3A = tpu.sem_alloc : memref<!tpu.dma_semaphore, #tpu.memory_space<semaphore_mem>>
      tpu.enqueue_dma source(%arg3 : memref<6x1024xf32, #tpu.memory_space<hbm>>) target(%arg7 : memref<6x1024xf32, #tpu.memory_space<vmem>>) target_semaphore(%run_scoped3A : memref<!tpu.dma_semaphore, #tpu.memory_space<semaphore_mem>>)
      tpu.wait_dma2 semaphore(%run_scoped3A : memref<!tpu.dma_semaphore, #tpu.memory_space<semaphore_mem>>) src(%arg3 : memref<6x1024xf32, #tpu.memory_space<hbm>>) dst(%arg7 : memref<6x1024xf32, #tpu.memory_space<vmem>>)
      tpu.yield
    }) : () -> ()
    %iota3A = tpu.iota {dimensions = array<i32: 0>} : vector<16xi32>
    %lt3A = arith.constant 2 : i32
    %lt3A_3 = vector.broadcast %lt3A : i32 to vector<16xi32>
    %lt3A_4 = arith.cmpi slt, %iota3A, %lt3A_3 : vector<16xi32>
    %lt3A_5 = arith.constant 1 : i32
    %lt3A_6 = vector.broadcast %lt3A_5 : i32 to vector<16xi32>
    %lt3A_7 = arith.cmpi slt, %iota3A, %lt3A_6 : vector<16xi32>
    %add3A_8 = arith.constant 0 : i32
    %add3A_9 = arith.addi %mul3A_2, %add3A_8 : i32
    %mul3A_10 = arith.constant 16 : i32
    %mul3A_11 = arith.muli %add3A_9, %mul3A_10 : i32
    %dma_start3A = arith.constant 0 : i32
    %dma_start3A_12 = arith.constant 0 : i32
    %dma_start3A_13 = arith.constant 0 : i32
    %dma_start3A_14 = arith.constant 0 : i32
    %dma_start3A_15 = tpu.memref_slice %arg6[%dma_start3A, %dma_start3A_13, %dma_start3A_14] : memref<3x32x1024xf32, #tpu.memory_space<vmem>> -> memref<1x32x1024xf32, #tpu.memory_space<vmem>>
    %dma_start3A_16 = tpu.memref_squeeze %dma_start3A_15 : memref<1x32x1024xf32, #tpu.memory_space<vmem>> -> memref<32x1024xf32, #tpu.memory_space<vmem>>
    %dma_start3A_17 = arith.constant 0 : i32
    %dma_start3A_18 = tpu.memref_slice %arg2[%mul3A_11, %dma_start3A_17] : memref<32768x1024xf32, #tpu.memory_space<hbm>> -> memref<32x1024xf32, #tpu.memory_space<hbm>>
    %dma_start3A_19 = tpu.memref_slice %arg10[%dma_start3A_12] : memref<3x!tpu.dma_semaphore, #tpu.memory_space<semaphore_mem>> -> memref<1x!tpu.dma_semaphore, #tpu.memory_space<semaphore_mem>>
    %dma_start3A_20 = tpu.memref_squeeze %dma_start3A_19 : memref<1x!tpu.dma_semaphore, #tpu.memory_space<semaphore_mem>> -> memref<!tpu.dma_semaphore, #tpu.memory_space<semaphore_mem>>
    %dma_start3A_21 = arith.constant 0 : i32
    %dma_start3A_22 = arith.constant 0 : i32
    %dma_start3A_23 = tpu.memref_slice %arg6[%dma_start3A, %dma_start3A_21, %dma_start3A_22] : memref<3x32x1024xf32, #tpu.memory_space<vmem>> -> memref<1x32x1024xf32, #tpu.memory_space<vmem>>
    %dma_start3A_24 = tpu.memref_squeeze %dma_start3A_23 : memref<1x32x1024xf32, #tpu.memory_space<vmem>> -> memref<32x1024xf32, #tpu.memory_space<vmem>>
    %dma_start3A_25 = arith.constant 0 : i32
    %dma_start3A_26 = tpu.memref_slice %arg2[%mul3A_11, %dma_start3A_25] : memref<32768x1024xf32, #tpu.memory_space<hbm>> -> memref<32x1024xf32, #tpu.memory_space<hbm>>
    tpu.enqueue_dma source(%dma_start3A_26 : memref<32x1024xf32, #tpu.memory_space<hbm>>) target(%dma_start3A_24 : memref<32x1024xf32, #tpu.memory_space<vmem>>) target_semaphore(%dma_start3A_20 : memref<!tpu.dma_semaphore, #tpu.memory_space<semaphore_mem>>)
    %add3A_27 = arith.constant 2 : i32
    %add3A_28 = arith.addi %mul3A_2, %add3A_27 : i32
    %mul3A_29 = arith.constant 16 : i32
    %mul3A_30 = arith.muli %add3A_28, %mul3A_29 : i32
    %dma_start3A_31 = arith.constant 1 : i32
    %dma_start3A_32 = arith.constant 1 : i32
    %dma_start3A_33 = arith.constant 0 : i32
    %dma_start3A_34 = arith.constant 0 : i32
    %dma_start3A_35 = tpu.memref_slice %arg6[%dma_start3A_31, %dma_start3A_33, %dma_start3A_34] : memref<3x32x1024xf32, #tpu.memory_space<vmem>> -> memref<1x32x1024xf32, #tpu.memory_space<vmem>>
    %dma_start3A_36 = tpu.memref_squeeze %dma_start3A_35 : memref<1x32x1024xf32, #tpu.memory_space<vmem>> -> memref<32x1024xf32, #tpu.memory_space<vmem>>
    %dma_start3A_37 = arith.constant 0 : i32
    %dma_start3A_38 = tpu.memref_slice %arg2[%mul3A_30, %dma_start3A_37] : memref<32768x1024xf32, #tpu.memory_space<hbm>> -> memref<32x1024xf32, #tpu.memory_space<hbm>>
    %dma_start3A_39 = tpu.memref_slice %arg10[%dma_start3A_32] : memref<3x!tpu.dma_semaphore, #tpu.memory_space<semaphore_mem>> -> memref<1x!tpu.dma_semaphore, #tpu.memory_space<semaphore_mem>>
    %dma_start3A_40 = tpu.memref_squeeze %dma_start3A_39 : memref<1x!tpu.dma_semaphore, #tpu.memory_space<semaphore_mem>> -> memref<!tpu.dma_semaphore, #tpu.memory_space<semaphore_mem>>
    %dma_start3A_41 = arith.constant 0 : i32
    %dma_start3A_42 = arith.constant 0 : i32
    %dma_start3A_43 = tpu.memref_slice %arg6[%dma_start3A_31, %dma_start3A_41, %dma_start3A_42] : memref<3x32x1024xf32, #tpu.memory_space<vmem>> -> memref<1x32x1024xf32, #tpu.memory_space<vmem>>
    %dma_start3A_44 = tpu.memref_squeeze %dma_start3A_43 : memref<1x32x1024xf32, #tpu.memory_space<vmem>> -> memref<32x1024xf32, #tpu.memory_space<vmem>>
    %dma_start3A_45 = arith.constant 0 : i32
    %dma_start3A_46 = tpu.memref_slice %arg2[%mul3A_30, %dma_start3A_45] : memref<32768x1024xf32, #tpu.memory_space<hbm>> -> memref<32x1024xf32, #tpu.memory_space<hbm>>
    tpu.enqueue_dma source(%dma_start3A_46 : memref<32x1024xf32, #tpu.memory_space<hbm>>) target(%dma_start3A_44 : memref<32x1024xf32, #tpu.memory_space<vmem>>) target_semaphore(%dma_start3A_40 : memref<!tpu.dma_semaphore, #tpu.memory_space<semaphore_mem>>)
    %add3A_47 = arith.constant 4 : i32
    %add3A_48 = arith.addi %mul3A_2, %add3A_47 : i32
    %mul3A_49 = arith.constant 16 : i32
    %mul3A_50 = arith.muli %add3A_48, %mul3A_49 : i32
    %dma_start3A_51 = arith.constant 2 : i32
    %dma_start3A_52 = arith.constant 2 : i32
    %dma_start3A_53 = arith.constant 0 : i32
    %dma_start3A_54 = arith.constant 0 : i32
    %dma_start3A_55 = tpu.memref_slice %arg6[%dma_start3A_51, %dma_start3A_53, %dma_start3A_54] : memref<3x32x1024xf32, #tpu.memory_space<vmem>> -> memref<1x32x1024xf32, #tpu.memory_space<vmem>>
    %dma_start3A_56 = tpu.memref_squeeze %dma_start3A_55 : memref<1x32x1024xf32, #tpu.memory_space<vmem>> -> memref<32x1024xf32, #tpu.memory_space<vmem>>
    %dma_start3A_57 = arith.constant 0 : i32
    %dma_start3A_58 = tpu.memref_slice %arg2[%mul3A_50, %dma_start3A_57] : memref<32768x1024xf32, #tpu.memory_space<hbm>> -> memref<32x1024xf32, #tpu.memory_space<hbm>>
    %dma_start3A_59 = tpu.memref_slice %arg10[%dma_start3A_52] : memref<3x!tpu.dma_semaphore, #tpu.memory_space<semaphore_mem>> -> memref<1x!tpu.dma_semaphore, #tpu.memory_space<semaphore_mem>>
    %dma_start3A_60 = tpu.memref_squeeze %dma_start3A_59 : memref<1x!tpu.dma_semaphore, #tpu.memory_space<semaphore_mem>> -> memref<!tpu.dma_semaphore, #tpu.memory_space<semaphore_mem>>
    %dma_start3A_61 = arith.constant 0 : i32
    %dma_start3A_62 = arith.constant 0 : i32
    %dma_start3A_63 = tpu.memref_slice %arg6[%dma_start3A_51, %dma_start3A_61, %dma_start3A_62] : memref<3x32x1024xf32, #tpu.memory_space<vmem>> -> memref<1x32x1024xf32, #tpu.memory_space<vmem>>
    %dma_start3A_64 = tpu.memref_squeeze %dma_start3A_63 : memref<1x32x1024xf32, #tpu.memory_space<vmem>> -> memref<32x1024xf32, #tpu.memory_space<vmem>>
    %dma_start3A_65 = arith.constant 0 : i32
    %dma_start3A_66 = tpu.memref_slice %arg2[%mul3A_50, %dma_start3A_65] : memref<32768x1024xf32, #tpu.memory_space<hbm>> -> memref<32x1024xf32, #tpu.memory_space<hbm>>
    tpu.enqueue_dma source(%dma_start3A_66 : memref<32x1024xf32, #tpu.memory_space<hbm>>) target(%dma_start3A_64 : memref<32x1024xf32, #tpu.memory_space<vmem>>) target_semaphore(%dma_start3A_60 : memref<!tpu.dma_semaphore, #tpu.memory_space<semaphore_mem>>)
    %scan3A = arith.constant 0 : i32
    %scan3A_67 = arith.constant 0 : i32
    %scan3A_68 = arith.constant 4 : i32
    %scan3A_69 = arith.addi %scan3A_67, %scan3A_68 : i32
    %scan3A_70 = arith.constant 1 : i32
    scf.for %scan3A_74 = %scan3A_67 to %scan3A_69 step %scan3A_70  : i32 {
      %mul3A_75 = arith.constant 3 : i32
      %mul3A_76 = arith.muli %scan3A_74, %mul3A_75 : i32
      %add3A_77 = arith.constant 0 : i32
      %add3A_78 = arith.addi %mul3A_76, %add3A_77 : i32
      %dma_wait3A = arith.constant 0 : i32
      %dma_wait3A_79 = arith.constant 0 : i32
      %dma_wait3A_80 = arith.constant 0 : i32
      %dma_wait3A_81 = arith.constant 0 : i32
      %dma_wait3A_82 = tpu.memref_slice %arg6[%dma_wait3A, %dma_wait3A_80, %dma_wait3A_81] : memref<3x32x1024xf32, #tpu.memory_space<vmem>> -> memref<1x32x1024xf32, #tpu.memory_space<vmem>>
      %dma_wait3A_83 = tpu.memref_squeeze %dma_wait3A_82 : memref<1x32x1024xf32, #tpu.memory_space<vmem>> -> memref<32x1024xf32, #tpu.memory_space<vmem>>
      %dma_wait3A_84 = arith.constant 0 : i32
      %dma_wait3A_85 = arith.constant 0 : i32
      %dma_wait3A_86 = tpu.memref_slice %arg2[%dma_wait3A_84, %dma_wait3A_85] : memref<32768x1024xf32, #tpu.memory_space<hbm>> -> memref<32x1024xf32, #tpu.memory_space<hbm>>
      %dma_wait3A_87 = tpu.memref_slice %arg10[%dma_wait3A_79] : memref<3x!tpu.dma_semaphore, #tpu.memory_space<semaphore_mem>> -> memref<1x!tpu.dma_semaphore, #tpu.memory_space<semaphore_mem>>
      %dma_wait3A_88 = tpu.memref_squeeze %dma_wait3A_87 : memref<1x!tpu.dma_semaphore, #tpu.memory_space<semaphore_mem>> -> memref<!tpu.dma_semaphore, #tpu.memory_space<semaphore_mem>>
      %dma_wait3A_89 = arith.constant 0 : i32
      %dma_wait3A_90 = arith.constant 0 : i32
      %dma_wait3A_91 = tpu.memref_slice %arg6[%dma_wait3A, %dma_wait3A_89, %dma_wait3A_90] : memref<3x32x1024xf32, #tpu.memory_space<vmem>> -> memref<1x32x1024xf32, #tpu.memory_space<vmem>>
      %dma_wait3A_92 = tpu.memref_squeeze %dma_wait3A_91 : memref<1x32x1024xf32, #tpu.memory_space<vmem>> -> memref<32x1024xf32, #tpu.memory_space<vmem>>
      %dma_wait3A_93 = arith.constant 0 : i32
      %dma_wait3A_94 = arith.constant 0 : i32
      %dma_wait3A_95 = tpu.memref_slice %arg2[%dma_wait3A_93, %dma_wait3A_94] : memref<32768x1024xf32, #tpu.memory_space<hbm>> -> memref<32x1024xf32, #tpu.memory_space<hbm>>
      tpu.wait_dma2 semaphore(%dma_wait3A_88 : memref<!tpu.dma_semaphore, #tpu.memory_space<semaphore_mem>>) src(%dma_wait3A_95 : memref<32x1024xf32, #tpu.memory_space<hbm>>) dst(%dma_wait3A_92 : memref<32x1024xf32, #tpu.memory_space<vmem>>)
      %broadcast_in_dim3A = arith.constant 0.000000e+00 : f32
      %broadcast_in_dim3A_96 = vector.broadcast %broadcast_in_dim3A : f32 to vector<16xf32>
      %scan3A_97 = arith.constant 0 : i32
      %scan3A_98 = arith.constant 64 : i32
      %scan3A_99 = arith.addi %scan3A_97, %scan3A_98 : i32
      %scan3A_100 = arith.constant 1 : i32
      %scan3A_101:12 = scf.for %scan3A_871 = %scan3A_97 to %scan3A_99 step %scan3A_100 iter_args(%scan3A_872 = %broadcast_in_dim3A_96, %scan3A_873 = %broadcast_in_dim3A_96, %scan3A_874 = %broadcast_in_dim3A_96, %scan3A_875 = %broadcast_in_dim3A_96, %scan3A_876 = %broadcast_in_dim3A_96, %scan3A_877 = %broadcast_in_dim3A_96, %scan3A_878 = %broadcast_in_dim3A_96, %scan3A_879 = %broadcast_in_dim3A_96, %scan3A_880 = %broadcast_in_dim3A_96, %scan3A_881 = %broadcast_in_dim3A_96, %scan3A_882 = %broadcast_in_dim3A_96, %scan3A_883 = %broadcast_in_dim3A_96) -> (vector<16xf32>, vector<16xf32>, vector<16xf32>, vector<16xf32>, vector<16xf32>, vector<16xf32>, vector<16xf32>, vector<16xf32>, vector<16xf32>, vector<16xf32>, vector<16xf32>, vector<16xf32>)  : i32 {
        %mul3A_884 = arith.constant 16 : i32
        %mul3A_885 = arith.muli %scan3A_871, %mul3A_884 : i32
        %get3A = arith.constant 0 : i32
        %get3A_886 = arith.index_cast %get3A : i32 to index
        %get3A_887 = arith.index_cast %mul3A_885 : i32 to index
        %get3A_888 = tpu.vector_load %arg7[%get3A_886, %get3A_887] {strides = array<i32>} : memref<6x1024xf32, #tpu.memory_space<vmem>>, vector<16xf32>,
        %get3A_889 = arith.constant 1 : i32
        %get3A_890 = arith.index_cast %get3A_889 : i32 to index
        %get3A_891 = arith.index_cast %mul3A_885 : i32 to index
        %get3A_892 = tpu.vector_load %arg7[%get3A_890, %get3A_891] {strides = array<i32>} : memref<6x1024xf32, #tpu.memory_space<vmem>>, vector<16xf32>,
        %get3A_893 = arith.constant 2 : i32
        %get3A_894 = arith.index_cast %get3A_893 : i32 to index
        %get3A_895 = arith.index_cast %mul3A_885 : i32 to index
        %get3A_896 = tpu.vector_load %arg7[%get3A_894, %get3A_895] {strides = array<i32>} : memref<6x1024xf32, #tpu.memory_space<vmem>>, vector<16xf32>,
        %get3A_897 = arith.constant 3 : i32
        %get3A_898 = arith.index_cast %get3A_897 : i32 to index
        %get3A_899 = arith.index_cast %mul3A_885 : i32 to index
        %get3A_900 = tpu.vector_load %arg7[%get3A_898, %get3A_899] {strides = array<i32>} : memref<6x1024xf32, #tpu.memory_space<vmem>>, vector<16xf32>,
        %get3A_901 = arith.constant 4 : i32
        %get3A_902 = arith.index_cast %get3A_901 : i32 to index
        %get3A_903 = arith.index_cast %mul3A_885 : i32 to index
        %get3A_904 = tpu.vector_load %arg7[%get3A_902, %get3A_903] {strides = array<i32>} : memref<6x1024xf32, #tpu.memory_space<vmem>>, vector<16xf32>,
        %get3A_905 = arith.constant 5 : i32
        %get3A_906 = arith.index_cast %get3A_905 : i32 to index
        %get3A_907 = arith.index_cast %mul3A_885 : i32 to index
        %get3A_908 = tpu.vector_load %arg7[%get3A_906, %get3A_907] {strides = array<i32>} : memref<6x1024xf32, #tpu.memory_space<vmem>>, vector<16xf32>,
        %get3A_909 = arith.constant 0 : i32
        %get3A_910 = arith.constant 0 : i32
        %get3A_911 = arith.index_cast %get3A_909 : i32 to index
        %get3A_912 = arith.index_cast %get3A_910 : i32 to index
        %get3A_913 = arith.index_cast %mul3A_885 : i32 to index
        %get3A_914 = tpu.vector_load %arg6[%get3A_911, %get3A_912, %get3A_913] {strides = array<i32>} : memref<3x32x1024xf32, #tpu.memory_space<vmem>>, vector<16xf32>,
        %get3A_915 = arith.constant 0 : i32
        %get3A_916 = arith.constant 1 : i32
        %get3A_917 = arith.index_cast %get3A_915 : i32 to index
        %get3A_918 = arith.index_cast %get3A_916 : i32 to index
        %get3A_919 = arith.index_cast %mul3A_885 : i32 to index
        %get3A_920 = tpu.vector_load %arg6[%get3A_917, %get3A_918, %get3A_919] {strides = array<i32>} : memref<3x32x1024xf32, #tpu.memory_space<vmem>>, vector<16xf32>,
        %add3A_921 = arith.addf %get3A_914, %get3A_920 : vector<16xf32>
        %get3A_922 = arith.constant 0 : i32
        %get3A_923 = arith.constant 2 : i32
        %get3A_924 = arith.index_cast %get3A_922 : i32 to index
        %get3A_925 = arith.index_cast %get3A_923 : i32 to index
        %get3A_926 = arith.index_cast %mul3A_885 : i32 to index
        %get3A_927 = tpu.vector_load %arg6[%get3A_924, %get3A_925, %get3A_926] {strides = array<i32>} : memref<3x32x1024xf32, #tpu.memory_space<vmem>>, vector<16xf32>,
        %add3A_928 = arith.addf %add3A_921, %get3A_927 : vector<16xf32>
        %get3A_929 = arith.constant 0 : i32
        %get3A_930 = arith.constant 3 : i32
        %get3A_931 = arith.index_cast %get3A_929 : i32 to index
        %get3A_932 = arith.index_cast %get3A_930 : i32 to index
        %get3A_933 = arith.index_cast %mul3A_885 : i32 to index
        %get3A_934 = tpu.vector_load %arg6[%get3A_931, %get3A_932, %get3A_933] {strides = array<i32>} : memref<3x32x1024xf32, #tpu.memory_space<vmem>>, vector<16xf32>,
        %add3A_935 = arith.addf %add3A_928, %get3A_934 : vector<16xf32>
        %get3A_936 = arith.constant 0 : i32
        %get3A_937 = arith.constant 4 : i32
        %get3A_938 = arith.index_cast %get3A_936 : i32 to index
        %get3A_939 = arith.index_cast %get3A_937 : i32 to index
        %get3A_940 = arith.index_cast %mul3A_885 : i32 to index
        %get3A_941 = tpu.vector_load %arg6[%get3A_938, %get3A_939, %get3A_940] {strides = array<i32>} : memref<3x32x1024xf32, #tpu.memory_space<vmem>>, vector<16xf32>,
        %add3A_942 = arith.addf %add3A_935, %get3A_941 : vector<16xf32>
        %get3A_943 = arith.constant 0 : i32
        %get3A_944 = arith.constant 5 : i32
        %get3A_945 = arith.index_cast %get3A_943 : i32 to index
        %get3A_946 = arith.index_cast %get3A_944 : i32 to index
        %get3A_947 = arith.index_cast %mul3A_885 : i32 to index
        %get3A_948 = tpu.vector_load %arg6[%get3A_945, %get3A_946, %get3A_947] {strides = array<i32>} : memref<3x32x1024xf32, #tpu.memory_space<vmem>>, vector<16xf32>,
        %add3A_949 = arith.addf %add3A_942, %get3A_948 : vector<16xf32>
        %get3A_950 = arith.constant 0 : i32
        %get3A_951 = arith.constant 6 : i32
        %get3A_952 = arith.index_cast %get3A_950 : i32 to index
        %get3A_953 = arith.index_cast %get3A_951 : i32 to index
        %get3A_954 = arith.index_cast %mul3A_885 : i32 to index
        %get3A_955 = tpu.vector_load %arg6[%get3A_952, %get3A_953, %get3A_954] {strides = array<i32>} : memref<3x32x1024xf32, #tpu.memory_space<vmem>>, vector<16xf32>,
        %add3A_956 = arith.addf %add3A_949, %get3A_955 : vector<16xf32>
        %get3A_957 = arith.constant 0 : i32
        %get3A_958 = arith.constant 7 : i32
        %get3A_959 = arith.index_cast %get3A_957 : i32 to index
        %get3A_960 = arith.index_cast %get3A_958 : i32 to index
        %get3A_961 = arith.index_cast %mul3A_885 : i32 to index
        %get3A_962 = tpu.vector_load %arg6[%get3A_959, %get3A_960, %get3A_961] {strides = array<i32>} : memref<3x32x1024xf32, #tpu.memory_space<vmem>>, vector<16xf32>,
        %add3A_963 = arith.addf %add3A_956, %get3A_962 : vector<16xf32>
        %get3A_964 = arith.constant 0 : i32
        %get3A_965 = arith.constant 8 : i32
        %get3A_966 = arith.index_cast %get3A_964 : i32 to index
        %get3A_967 = arith.index_cast %get3A_965 : i32 to index
        %get3A_968 = arith.index_cast %mul3A_885 : i32 to index
        %get3A_969 = tpu.vector_load %arg6[%get3A_966, %get3A_967, %get3A_968] {strides = array<i32>} : memref<3x32x1024xf32, #tpu.memory_space<vmem>>, vector<16xf32>,
        %add3A_970 = arith.addf %add3A_963, %get3A_969 : vector<16xf32>
        %get3A_971 = arith.constant 0 : i32
        %get3A_972 = arith.constant 9 : i32
        %get3A_973 = arith.index_cast %get3A_971 : i32 to index
        %get3A_974 = arith.index_cast %get3A_972 : i32 to index
        %get3A_975 = arith.index_cast %mul3A_885 : i32 to index
        %get3A_976 = tpu.vector_load %arg6[%get3A_973, %get3A_974, %get3A_975] {strides = array<i32>} : memref<3x32x1024xf32, #tpu.memory_space<vmem>>, vector<16xf32>,
        %add3A_977 = arith.addf %add3A_970, %get3A_976 : vector<16xf32>
        %get3A_978 = arith.constant 0 : i32
        %get3A_979 = arith.constant 10 : i32
        %get3A_980 = arith.index_cast %get3A_978 : i32 to index
        %get3A_981 = arith.index_cast %get3A_979 : i32 to index
        %get3A_982 = arith.index_cast %mul3A_885 : i32 to index
        %get3A_983 = tpu.vector_load %arg6[%get3A_980, %get3A_981, %get3A_982] {strides = array<i32>} : memref<3x32x1024xf32, #tpu.memory_space<vmem>>, vector<16xf32>,
        %add3A_984 = arith.addf %add3A_977, %get3A_983 : vector<16xf32>
        %get3A_985 = arith.constant 0 : i32
        %get3A_986 = arith.constant 11 : i32
        %get3A_987 = arith.index_cast %get3A_985 : i32 to index
        %get3A_988 = arith.index_cast %get3A_986 : i32 to index
        %get3A_989 = arith.index_cast %mul3A_885 : i32 to index
        %get3A_990 = tpu.vector_load %arg6[%get3A_987, %get3A_988, %get3A_989] {strides = array<i32>} : memref<3x32x1024xf32, #tpu.memory_space<vmem>>, vector<16xf32>,
        %add3A_991 = arith.addf %add3A_984, %get3A_990 : vector<16xf32>
        %get3A_992 = arith.constant 0 : i32
        %get3A_993 = arith.constant 12 : i32
        %get3A_994 = arith.index_cast %get3A_992 : i32 to index
        %get3A_995 = arith.index_cast %get3A_993 : i32 to index
        %get3A_996 = arith.index_cast %mul3A_885 : i32 to index
        %get3A_997 = tpu.vector_load %arg6[%get3A_994, %get3A_995, %get3A_996] {strides = array<i32>} : memref<3x32x1024xf32, #tpu.memory_space<vmem>>, vector<16xf32>,
        %add3A_998 = arith.addf %add3A_991, %get3A_997 : vector<16xf32>
        %get3A_999 = arith.constant 0 : i32
        %get3A_1000 = arith.constant 13 : i32
        %get3A_1001 = arith.index_cast %get3A_999 : i32 to index
        %get3A_1002 = arith.index_cast %get3A_1000 : i32 to index
        %get3A_1003 = arith.index_cast %mul3A_885 : i32 to index
        %get3A_1004 = tpu.vector_load %arg6[%get3A_1001, %get3A_1002, %get3A_1003] {strides = array<i32>} : memref<3x32x1024xf32, #tpu.memory_space<vmem>>, vector<16xf32>,
        %add3A_1005 = arith.addf %add3A_998, %get3A_1004 : vector<16xf32>
        %get3A_1006 = arith.constant 0 : i32
        %get3A_1007 = arith.constant 14 : i32
        %get3A_1008 = arith.index_cast %get3A_1006 : i32 to index
        %get3A_1009 = arith.index_cast %get3A_1007 : i32 to index
        %get3A_1010 = arith.index_cast %mul3A_885 : i32 to index
        %get3A_1011 = tpu.vector_load %arg6[%get3A_1008, %get3A_1009, %get3A_1010] {strides = array<i32>} : memref<3x32x1024xf32, #tpu.memory_space<vmem>>, vector<16xf32>,
        %add3A_1012 = arith.addf %add3A_1005, %get3A_1011 : vector<16xf32>
        %get3A_1013 = arith.constant 0 : i32
        %get3A_1014 = arith.constant 15 : i32
        %get3A_1015 = arith.index_cast %get3A_1013 : i32 to index
        %get3A_1016 = arith.index_cast %get3A_1014 : i32 to index
        %get3A_1017 = arith.index_cast %mul3A_885 : i32 to index
        %get3A_1018 = tpu.vector_load %arg6[%get3A_1015, %get3A_1016, %get3A_1017] {strides = array<i32>} : memref<3x32x1024xf32, #tpu.memory_space<vmem>>, vector<16xf32>,
        %add3A_1019 = arith.addf %add3A_1012, %get3A_1018 : vector<16xf32>
        %mul3A_1020 = arith.constant 6.250000e-02 : f32
        %mul3A_1021 = vector.broadcast %mul3A_1020 : f32 to vector<16xf32>
        %mul3A_1022 = arith.mulf %add3A_1019, %mul3A_1021 : vector<16xf32>
        %bitcast3A = vector.bitcast %mul3A_1022 : vector<16xf32> to vector<16xi32>
        %add3A_1023 = arith.constant 32767 : i32
        %add3A_1024 = vector.broadcast %add3A_1023 : i32 to vector<16xi32>
        %add3A_1025 = arith.addi %bitcast3A, %add3A_1024 : vector<16xi32>
        %shift_right_logical3A = arith.constant 16 : i32
        %shift_right_logical3A_1026 = vector.broadcast %shift_right_logical3A : i32 to vector<16xi32>
        %shift_right_logical3A_1027 = arith.shrui %bitcast3A, %shift_right_logical3A_1026 : vector<16xi32>
        %and3A = arith.constant 1 : i32
        %and3A_1028 = vector.broadcast %and3A : i32 to vector<16xi32>
        %and3A_1029 = arith.andi %shift_right_logical3A_1027, %and3A_1028 : vector<16xi32>
        %add3A_1030 = arith.addi %add3A_1025, %and3A_1029 : vector<16xi32>
        %and3A_1031 = arith.constant -65536 : i32
        %and3A_1032 = vector.broadcast %and3A_1031 : i32 to vector<16xi32>
        %and3A_1033 = arith.andi %add3A_1030, %and3A_1032 : vector<16xi32>
        %bitcast3A_1034 = vector.bitcast %and3A_1033 : vector<16xi32> to vector<16xf32>
        %mul3A_1035 = arith.mulf %bitcast3A_1034, %get3A_888 : vector<16xf32>
        %add3A_1036 = arith.addf %scan3A_872, %mul3A_1035 : vector<16xf32>
        %mul3A_1037 = arith.mulf %bitcast3A_1034, %get3A_892 : vector<16xf32>
        %add3A_1038 = arith.addf %scan3A_873, %mul3A_1037 : vector<16xf32>
        %mul3A_1039 = arith.mulf %bitcast3A_1034, %get3A_896 : vector<16xf32>
        %add3A_1040 = arith.addf %scan3A_874, %mul3A_1039 : vector<16xf32>
        %mul3A_1041 = arith.mulf %bitcast3A_1034, %get3A_900 : vector<16xf32>
        %add3A_1042 = arith.addf %scan3A_875, %mul3A_1041 : vector<16xf32>
        %mul3A_1043 = arith.mulf %bitcast3A_1034, %get3A_904 : vector<16xf32>
        %add3A_1044 = arith.addf %scan3A_876, %mul3A_1043 : vector<16xf32>
        %mul3A_1045 = arith.mulf %bitcast3A_1034, %get3A_908 : vector<16xf32>
        %add3A_1046 = arith.addf %scan3A_877, %mul3A_1045 : vector<16xf32>
        %get3A_1047 = arith.constant 0 : i32
        %get3A_1048 = arith.constant 16 : i32
        %get3A_1049 = arith.index_cast %get3A_1047 : i32 to index
        %get3A_1050 = arith.index_cast %get3A_1048 : i32 to index
        %get3A_1051 = arith.index_cast %mul3A_885 : i32 to index
        %get3A_1052 = tpu.vector_load %arg6[%get3A_1049, %get3A_1050, %get3A_1051] {strides = array<i32>} : memref<3x32x1024xf32, #tpu.memory_space<vmem>>, vector<16xf32>,
        %get3A_1053 = arith.constant 0 : i32
        %get3A_1054 = arith.constant 17 : i32
        %get3A_1055 = arith.index_cast %get3A_1053 : i32 to index
        %get3A_1056 = arith.index_cast %get3A_1054 : i32 to index
        %get3A_1057 = arith.index_cast %mul3A_885 : i32 to index
        %get3A_1058 = tpu.vector_load %arg6[%get3A_1055, %get3A_1056, %get3A_1057] {strides = array<i32>} : memref<3x32x1024xf32, #tpu.memory_space<vmem>>, vector<16xf32>,
        %add3A_1059 = arith.addf %get3A_1052, %get3A_1058 : vector<16xf32>
        %get3A_1060 = arith.constant 0 : i32
        %get3A_1061 = arith.constant 18 : i32
        %get3A_1062 = arith.index_cast %get3A_1060 : i32 to index
        %get3A_1063 = arith.index_cast %get3A_1061 : i32 to index
        %get3A_1064 = arith.index_cast %mul3A_885 : i32 to index
        %get3A_1065 = tpu.vector_load %arg6[%get3A_1062, %get3A_1063, %get3A_1064] {strides = array<i32>} : memref<3x32x1024xf32, #tpu.memory_space<vmem>>, vector<16xf32>,
        %add3A_1066 = arith.addf %add3A_1059, %get3A_1065 : vector<16xf32>
        %get3A_1067 = arith.constant 0 : i32
        %get3A_1068 = arith.constant 19 : i32
        %get3A_1069 = arith.index_cast %get3A_1067 : i32 to index
        %get3A_1070 = arith.index_cast %get3A_1068 : i32 to index
        %get3A_1071 = arith.index_cast %mul3A_885 : i32 to index
        %get3A_1072 = tpu.vector_load %arg6[%get3A_1069, %get3A_1070, %get3A_1071] {strides = array<i32>} : memref<3x32x1024xf32, #tpu.memory_space<vmem>>, vector<16xf32>,
        %add3A_1073 = arith.addf %add3A_1066, %get3A_1072 : vector<16xf32>
        %get3A_1074 = arith.constant 0 : i32
        %get3A_1075 = arith.constant 20 : i32
        %get3A_1076 = arith.index_cast %get3A_1074 : i32 to index
        %get3A_1077 = arith.index_cast %get3A_1075 : i32 to index
        %get3A_1078 = arith.index_cast %mul3A_885 : i32 to index
        %get3A_1079 = tpu.vector_load %arg6[%get3A_1076, %get3A_1077, %get3A_1078] {strides = array<i32>} : memref<3x32x1024xf32, #tpu.memory_space<vmem>>, vector<16xf32>,
        %add3A_1080 = arith.addf %add3A_1073, %get3A_1079 : vector<16xf32>
        %get3A_1081 = arith.constant 0 : i32
        %get3A_1082 = arith.constant 21 : i32
        %get3A_1083 = arith.index_cast %get3A_1081 : i32 to index
        %get3A_1084 = arith.index_cast %get3A_1082 : i32 to index
        %get3A_1085 = arith.index_cast %mul3A_885 : i32 to index
        %get3A_1086 = tpu.vector_load %arg6[%get3A_1083, %get3A_1084, %get3A_1085] {strides = array<i32>} : memref<3x32x1024xf32, #tpu.memory_space<vmem>>, vector<16xf32>,
        %add3A_1087 = arith.addf %add3A_1080, %get3A_1086 : vector<16xf32>
        %get3A_1088 = arith.constant 0 : i32
        %get3A_1089 = arith.constant 22 : i32
        %get3A_1090 = arith.index_cast %get3A_1088 : i32 to index
        %get3A_1091 = arith.index_cast %get3A_1089 : i32 to index
        %get3A_1092 = arith.index_cast %mul3A_885 : i32 to index
        %get3A_1093 = tpu.vector_load %arg6[%get3A_1090, %get3A_1091, %get3A_1092] {strides = array<i32>} : memref<3x32x1024xf32, #tpu.memory_space<vmem>>, vector<16xf32>,
        %add3A_1094 = arith.addf %add3A_1087, %get3A_1093 : vector<16xf32>
        %get3A_1095 = arith.constant 0 : i32
        %get3A_1096 = arith.constant 23 : i32
        %get3A_1097 = arith.index_cast %get3A_1095 : i32 to index
        %get3A_1098 = arith.index_cast %get3A_1096 : i32 to index
        %get3A_1099 = arith.index_cast %mul3A_885 : i32 to index
        %get3A_1100 = tpu.vector_load %arg6[%get3A_1097, %get3A_1098, %get3A_1099] {strides = array<i32>} : memref<3x32x1024xf32, #tpu.memory_space<vmem>>, vector<16xf32>,
        %add3A_1101 = arith.addf %add3A_1094, %get3A_1100 : vector<16xf32>
        %get3A_1102 = arith.constant 0 : i32
        %get3A_1103 = arith.constant 24 : i32
        %get3A_1104 = arith.index_cast %get3A_1102 : i32 to index
        %get3A_1105 = arith.index_cast %get3A_1103 : i32 to index
        %get3A_1106 = arith.index_cast %mul3A_885 : i32 to index
        %get3A_1107 = tpu.vector_load %arg6[%get3A_1104, %get3A_1105, %get3A_1106] {strides = array<i32>} : memref<3x32x1024xf32, #tpu.memory_space<vmem>>, vector<16xf32>,
        %add3A_1108 = arith.addf %add3A_1101, %get3A_1107 : vector<16xf32>
        %get3A_1109 = arith.constant 0 : i32
        %get3A_1110 = arith.constant 25 : i32
        %get3A_1111 = arith.index_cast %get3A_1109 : i32 to index
        %get3A_1112 = arith.index_cast %get3A_1110 : i32 to index
        %get3A_1113 = arith.index_cast %mul3A_885 : i32 to index
        %get3A_1114 = tpu.vector_load %arg6[%get3A_1111, %get3A_1112, %get3A_1113] {strides = array<i32>} : memref<3x32x1024xf32, #tpu.memory_space<vmem>>, vector<16xf32>,
        %add3A_1115 = arith.addf %add3A_1108, %get3A_1114 : vector<16xf32>
        %get3A_1116 = arith.constant 0 : i32
        %get3A_1117 = arith.constant 26 : i32
        %get3A_1118 = arith.index_cast %get3A_1116 : i32 to index
        %get3A_1119 = arith.index_cast %get3A_1117 : i32 to index
        %get3A_1120 = arith.index_cast %mul3A_885 : i32 to index
        %get3A_1121 = tpu.vector_load %arg6[%get3A_1118, %get3A_1119, %get3A_1120] {strides = array<i32>} : memref<3x32x1024xf32, #tpu.memory_space<vmem>>, vector<16xf32>,
        %add3A_1122 = arith.addf %add3A_1115, %get3A_1121 : vector<16xf32>
        %get3A_1123 = arith.constant 0 : i32
        %get3A_1124 = arith.constant 27 : i32
        %get3A_1125 = arith.index_cast %get3A_1123 : i32 to index
        %get3A_1126 = arith.index_cast %get3A_1124 : i32 to index
        %get3A_1127 = arith.index_cast %mul3A_885 : i32 to index
        %get3A_1128 = tpu.vector_load %arg6[%get3A_1125, %get3A_1126, %get3A_1127] {strides = array<i32>} : memref<3x32x1024xf32, #tpu.memory_space<vmem>>, vector<16xf32>,
        %add3A_1129 = arith.addf %add3A_1122, %get3A_1128 : vector<16xf32>
        %get3A_1130 = arith.constant 0 : i32
        %get3A_1131 = arith.constant 28 : i32
        %get3A_1132 = arith.index_cast %get3A_1130 : i32 to index
        %get3A_1133 = arith.index_cast %get3A_1131 : i32 to index
        %get3A_1134 = arith.index_cast %mul3A_885 : i32 to index
        %get3A_1135 = tpu.vector_load %arg6[%get3A_1132, %get3A_1133, %get3A_1134] {strides = array<i32>} : memref<3x32x1024xf32, #tpu.memory_space<vmem>>, vector<16xf32>,
        %add3A_1136 = arith.addf %add3A_1129, %get3A_1135 : vector<16xf32>
        %get3A_1137 = arith.constant 0 : i32
        %get3A_1138 = arith.constant 29 : i32
        %get3A_1139 = arith.index_cast %get3A_1137 : i32 to index
        %get3A_1140 = arith.index_cast %get3A_1138 : i32 to index
        %get3A_1141 = arith.index_cast %mul3A_885 : i32 to index
        %get3A_1142 = tpu.vector_load %arg6[%get3A_1139, %get3A_1140, %get3A_1141] {strides = array<i32>} : memref<3x32x1024xf32, #tpu.memory_space<vmem>>, vector<16xf32>,
        %add3A_1143 = arith.addf %add3A_1136, %get3A_1142 : vector<16xf32>
        %get3A_1144 = arith.constant 0 : i32
        %get3A_1145 = arith.constant 30 : i32
        %get3A_1146 = arith.index_cast %get3A_1144 : i32 to index
        %get3A_1147 = arith.index_cast %get3A_1145 : i32 to index
        %get3A_1148 = arith.index_cast %mul3A_885 : i32 to index
        %get3A_1149 = tpu.vector_load %arg6[%get3A_1146, %get3A_1147, %get3A_1148] {strides = array<i32>} : memref<3x32x1024xf32, #tpu.memory_space<vmem>>, vector<16xf32>,
        %add3A_1150 = arith.addf %add3A_1143, %get3A_1149 : vector<16xf32>
        %get3A_1151 = arith.constant 0 : i32
        %get3A_1152 = arith.constant 31 : i32
        %get3A_1153 = arith.index_cast %get3A_1151 : i32 to index
        %get3A_1154 = arith.index_cast %get3A_1152 : i32 to index
        %get3A_1155 = arith.index_cast %mul3A_885 : i32 to index
        %get3A_1156 = tpu.vector_load %arg6[%get3A_1153, %get3A_1154, %get3A_1155] {strides = array<i32>} : memref<3x32x1024xf32, #tpu.memory_space<vmem>>, vector<16xf32>,
        %add3A_1157 = arith.addf %add3A_1150, %get3A_1156 : vector<16xf32>
        %mul3A_1158 = arith.constant 6.250000e-02 : f32
        %mul3A_1159 = vector.broadcast %mul3A_1158 : f32 to vector<16xf32>
        %mul3A_1160 = arith.mulf %add3A_1157, %mul3A_1159 : vector<16xf32>
        %bitcast3A_1161 = vector.bitcast %mul3A_1160 : vector<16xf32> to vector<16xi32>
        %add3A_1162 = arith.constant 32767 : i32
        %add3A_1163 = vector.broadcast %add3A_1162 : i32 to vector<16xi32>
        %add3A_1164 = arith.addi %bitcast3A_1161, %add3A_1163 : vector<16xi32>
        %shift_right_logical3A_1165 = arith.constant 16 : i32
        %shift_right_logical3A_1166 = vector.broadcast %shift_right_logical3A_1165 : i32 to vector<16xi32>
        %shift_right_logical3A_1167 = arith.shrui %bitcast3A_1161, %shift_right_logical3A_1166 : vector<16xi32>
        %and3A_1168 = arith.constant 1 : i32
        %and3A_1169 = vector.broadcast %and3A_1168 : i32 to vector<16xi32>
        %and3A_1170 = arith.andi %shift_right_logical3A_1167, %and3A_1169 : vector<16xi32>
        %add3A_1171 = arith.addi %add3A_1164, %and3A_1170 : vector<16xi32>
        %and3A_1172 = arith.constant -65536 : i32
        %and3A_1173 = vector.broadcast %and3A_1172 : i32 to vector<16xi32>
        %and3A_1174 = arith.andi %add3A_1171, %and3A_1173 : vector<16xi32>
        %bitcast3A_1175 = vector.bitcast %and3A_1174 : vector<16xi32> to vector<16xf32>
        %mul3A_1176 = arith.mulf %bitcast3A_1175, %get3A_888 : vector<16xf32>
        %add3A_1177 = arith.addf %scan3A_878, %mul3A_1176 : vector<16xf32>
        %mul3A_1178 = arith.mulf %bitcast3A_1175, %get3A_892 : vector<16xf32>
        %add3A_1179 = arith.addf %scan3A_879, %mul3A_1178 : vector<16xf32>
        %mul3A_1180 = arith.mulf %bitcast3A_1175, %get3A_896 : vector<16xf32>
        %add3A_1181 = arith.addf %scan3A_880, %mul3A_1180 : vector<16xf32>
        %mul3A_1182 = arith.mulf %bitcast3A_1175, %get3A_900 : vector<16xf32>
        %add3A_1183 = arith.addf %scan3A_881, %mul3A_1182 : vector<16xf32>
        %mul3A_1184 = arith.mulf %bitcast3A_1175, %get3A_904 : vector<16xf32>
        %add3A_1185 = arith.addf %scan3A_882, %mul3A_1184 : vector<16xf32>
        %mul3A_1186 = arith.mulf %bitcast3A_1175, %get3A_908 : vector<16xf32>
        %add3A_1187 = arith.addf %scan3A_883, %mul3A_1186 : vector<16xf32>
        scf.yield %add3A_1036, %add3A_1038, %add3A_1040, %add3A_1042, %add3A_1044, %add3A_1046, %add3A_1177, %add3A_1179, %add3A_1181, %add3A_1183, %add3A_1185, %add3A_1187 : vector<16xf32>, vector<16xf32>, vector<16xf32>, vector<16xf32>, vector<16xf32>, vector<16xf32>, vector<16xf32>, vector<16xf32>, vector<16xf32>, vector<16xf32>, vector<16xf32>, vector<16xf32>
      }
      %scan3A_102 = arith.constant 64 : i32
      %reduce_sum3A = arith.constant true
      %reduce_sum3A_103 = vector.broadcast %reduce_sum3A : i1 to vector<16xi1>
      %reduce_sum3A_104 = tpu.scan <sum>, %scan3A_101#0 masked %reduce_sum3A_103 : vector<16xf32>, vector<16xi1> -> vector<16xf32>
      %reduce_sum3A_105 = vector.extract %reduce_sum3A_104[15] : f32 from vector<16xf32>
      %reduce_sum3A_106 = arith.constant true
      %reduce_sum3A_107 = vector.broadcast %reduce_sum3A_106 : i1 to vector<16xi1>
      %reduce_sum3A_108 = tpu.scan <sum>, %scan3A_101#1 masked %reduce_sum3A_107 : vector<16xf32>, vector<16xi1> -> vector<16xf32>
      %reduce_sum3A_109 = vector.extract %reduce_sum3A_108[15] : f32 from vector<16xf32>
      %reduce_sum3A_110 = arith.constant true
      %reduce_sum3A_111 = vector.broadcast %reduce_sum3A_110 : i1 to vector<16xi1>
      %reduce_sum3A_112 = tpu.scan <sum>, %scan3A_101#2 masked %reduce_sum3A_111 : vector<16xf32>, vector<16xi1> -> vector<16xf32>
      %reduce_sum3A_113 = vector.extract %reduce_sum3A_112[15] : f32 from vector<16xf32>
      %reduce_sum3A_114 = arith.constant true
      %reduce_sum3A_115 = vector.broadcast %reduce_sum3A_114 : i1 to vector<16xi1>
      %reduce_sum3A_116 = tpu.scan <sum>, %scan3A_101#3 masked %reduce_sum3A_115 : vector<16xf32>, vector<16xi1> -> vector<16xf32>
      %reduce_sum3A_117 = vector.extract %reduce_sum3A_116[15] : f32 from vector<16xf32>
      %reduce_sum3A_118 = arith.constant true
      %reduce_sum3A_119 = vector.broadcast %reduce_sum3A_118 : i1 to vector<16xi1>
      %reduce_sum3A_120 = tpu.scan <sum>, %scan3A_101#4 masked %reduce_sum3A_119 : vector<16xf32>, vector<16xi1> -> vector<16xf32>
      %reduce_sum3A_121 = vector.extract %reduce_sum3A_120[15] : f32 from vector<16xf32>
      %reduce_sum3A_122 = arith.constant true
      %reduce_sum3A_123 = vector.broadcast %reduce_sum3A_122 : i1 to vector<16xi1>
      %reduce_sum3A_124 = tpu.scan <sum>, %scan3A_101#5 masked %reduce_sum3A_123 : vector<16xf32>, vector<16xi1> -> vector<16xf32>
      %reduce_sum3A_125 = vector.extract %reduce_sum3A_124[15] : f32 from vector<16xf32>
      %gt3A = arith.constant 0.000000e+00 : f32
      %gt3A_126 = arith.cmpf ogt, %reduce_sum3A_105, %gt3A : f32
      %jit3A = arith.constant 1 : i32
      %jit3A_127 = arith.constant 0 : i32
      %select_n3A = arith.select %gt3A_126, %jit3A, %jit3A_127 : i32
      %add3A_128 = arith.constant 0 : i32
      %add3A_129 = arith.addi %add3A_128, %select_n3A : i32
      %gt3A_130 = arith.constant 0.000000e+00 : f32
      %gt3A_131 = arith.cmpf ogt, %reduce_sum3A_109, %gt3A_130 : f32
      %jit3A_132 = arith.constant 2 : i32
      %jit3A_133 = arith.constant 0 : i32
      %select_n3A_134 = arith.select %gt3A_131, %jit3A_132, %jit3A_133 : i32
      %add3A_135 = arith.addi %add3A_129, %select_n3A_134 : i32
      %gt3A_136 = arith.constant 0.000000e+00 : f32
      %gt3A_137 = arith.cmpf ogt, %reduce_sum3A_113, %gt3A_136 : f32
      %jit3A_138 = arith.constant 4 : i32
      %jit3A_139 = arith.constant 0 : i32
      %select_n3A_140 = arith.select %gt3A_137, %jit3A_138, %jit3A_139 : i32
      %add3A_141 = arith.addi %add3A_135, %select_n3A_140 : i32
      %gt3A_142 = arith.constant 0.000000e+00 : f32
      %gt3A_143 = arith.cmpf ogt, %reduce_sum3A_117, %gt3A_142 : f32
      %jit3A_144 = arith.constant 8 : i32
      %jit3A_145 = arith.constant 0 : i32
      %select_n3A_146 = arith.select %gt3A_143, %jit3A_144, %jit3A_145 : i32
      %add3A_147 = arith.addi %add3A_141, %select_n3A_146 : i32
      %gt3A_148 = arith.constant 0.000000e+00 : f32
      %gt3A_149 = arith.cmpf ogt, %reduce_sum3A_121, %gt3A_148 : f32
      %jit3A_150 = arith.constant 16 : i32
      %jit3A_151 = arith.constant 0 : i32
      %select_n3A_152 = arith.select %gt3A_149, %jit3A_150, %jit3A_151 : i32
      %add3A_153 = arith.addi %add3A_147, %select_n3A_152 : i32
      %gt3A_154 = arith.constant 0.000000e+00 : f32
      %gt3A_155 = arith.cmpf ogt, %reduce_sum3A_125, %gt3A_154 : f32
      %jit3A_156 = arith.constant 32 : i32
      %jit3A_157 = arith.constant 0 : i32
      %select_n3A_158 = arith.select %gt3A_155, %jit3A_156, %jit3A_157 : i32
      %add3A_159 = arith.addi %add3A_153, %select_n3A_158 : i32
      %abs3A = math.absf %reduce_sum3A_105 : f32
      %abs3A_160 = math.absf %reduce_sum3A_109 : f32
      %abs3A_161 = math.absf %reduce_sum3A_113 : f32
      %abs3A_162 = math.absf %reduce_sum3A_117 : f32
      %abs3A_163 = math.absf %reduce_sum3A_121 : f32
      %abs3A_164 = math.absf %reduce_sum3A_125 : f32
      %lt3A_165 = arith.cmpf olt, %abs3A_160, %abs3A : f32
      %select_n3A_166 = arith.select %lt3A_165, %abs3A_160, %abs3A : f32
      %jit3A_167 = arith.constant 2 : i32
      %jit3A_168 = arith.constant 1 : i32
      %select_n3A_169 = arith.select %lt3A_165, %jit3A_167, %jit3A_168 : i32
      %lt3A_170 = arith.cmpf olt, %abs3A_161, %select_n3A_166 : f32
      %select_n3A_171 = arith.select %lt3A_170, %abs3A_161, %select_n3A_166 : f32
      %jit3A_172 = arith.constant 4 : i32
      %select_n3A_173 = arith.select %lt3A_170, %jit3A_172, %select_n3A_169 : i32
      %lt3A_174 = arith.cmpf olt, %abs3A_162, %select_n3A_171 : f32
      %select_n3A_175 = arith.select %lt3A_174, %abs3A_162, %select_n3A_171 : f32
      %jit3A_176 = arith.constant 8 : i32
      %select_n3A_177 = arith.select %lt3A_174, %jit3A_176, %select_n3A_173 : i32
      %lt3A_178 = arith.cmpf olt, %abs3A_163, %select_n3A_175 : f32
      %select_n3A_179 = arith.select %lt3A_178, %abs3A_163, %select_n3A_175 : f32
      %jit3A_180 = arith.constant 16 : i32
      %select_n3A_181 = arith.select %lt3A_178, %jit3A_180, %select_n3A_177 : i32
      %lt3A_182 = arith.cmpf olt, %abs3A_164, %select_n3A_179 : f32
      %select_n3A_183 = arith.select %lt3A_182, %abs3A_164, %select_n3A_179 : f32
      %jit3A_184 = arith.constant 32 : i32
      %select_n3A_185 = arith.select %lt3A_182, %jit3A_184, %select_n3A_181 : i32
      %xor3A = arith.xori %add3A_159, %select_n3A_185 : i32
      %add3A_186 = arith.addf %abs3A, %abs3A_160 : f32
      %add3A_187 = arith.addf %add3A_186, %abs3A_161 : f32
      %add3A_188 = arith.addf %add3A_187, %abs3A_162 : f32
      %add3A_189 = arith.addf %add3A_188, %abs3A_163 : f32
      %add3A_190 = arith.addf %add3A_189, %abs3A_164 : f32
      %mul3A_191 = arith.constant 0.166666672 : f32
      %mul3A_192 = arith.mulf %add3A_190, %mul3A_191 : f32
      %mul3A_193 = arith.constant 2 : i32
      %mul3A_194 = arith.muli %add3A_78, %mul3A_193 : i32
      %add3A_195 = arith.constant 0 : i32
      %add3A_196 = arith.addi %mul3A_194, %add3A_195 : i32
      %eq3A = arith.constant 0 : i32
      %eq3A_197 = vector.broadcast %eq3A : i32 to vector<16xi32>
      %eq3A_198 = arith.cmpi eq, %iota3A, %eq3A_197 : vector<16xi32>
      %broadcast_in_dim3A_199 = vector.broadcast %add3A_159 : i32 to vector<16xi32>
      %broadcast_in_dim3A_200 = vector.broadcast %xor3A : i32 to vector<16xi32>
      %select_n3A_201 = arith.select %eq3A_198, %broadcast_in_dim3A_199, %broadcast_in_dim3A_200 : vector<16xi1>, vector<16xi32>
      %mul3A_202 = arith.constant 2 : i32
      %mul3A_203 = arith.muli %mul3A_202, %add3A_196 : i32
      %add3A_204 = vector.broadcast %mul3A_203 : i32 to vector<16xi32>
      %add3A_205 = arith.addi %add3A_204, %iota3A : vector<16xi32>
      tpu.vector_store_idx %arg8[%add3A_205], %select_n3A_201 masked %lt3A_4 : memref<48xi32, #tpu.memory_space<vmem>>[vector<16xi32>], vector<16xi32>, vector<16xi1>
      %mul3A_206 = arith.constant 0 : i32
      %mul3A_207 = vector.broadcast %mul3A_206 : i32 to vector<16xi32>
      %mul3A_208 = arith.muli %iota3A, %mul3A_207 : vector<16xi32>
      %add3A_209 = vector.broadcast %add3A_196 : i32 to vector<16xi32>
      %add3A_210 = arith.addi %add3A_209, %mul3A_208 : vector<16xi32>
      %broadcast_in_dim3A_211 = vector.broadcast %mul3A_192 : f32 to vector<16xf32>
      tpu.vector_store_idx %arg9[%add3A_210], %broadcast_in_dim3A_211 masked %lt3A_7 : memref<24xf32, #tpu.memory_space<vmem>>[vector<16xi32>], vector<16xf32>, vector<16xi1>
      %reduce_sum3A_212 = arith.constant true
      %reduce_sum3A_213 = vector.broadcast %reduce_sum3A_212 : i1 to vector<16xi1>
      %reduce_sum3A_214 = tpu.scan <sum>, %scan3A_101#6 masked %reduce_sum3A_213 : vector<16xf32>, vector<16xi1> -> vector<16xf32>
      %reduce_sum3A_215 = vector.extract %reduce_sum3A_214[15] : f32 from vector<16xf32>
      %reduce_sum3A_216 = arith.constant true
      %reduce_sum3A_217 = vector.broadcast %reduce_sum3A_216 : i1 to vector<16xi1>
      %reduce_sum3A_218 = tpu.scan <sum>, %scan3A_101#7 masked %reduce_sum3A_217 : vector<16xf32>, vector<16xi1> -> vector<16xf32>
      %reduce_sum3A_219 = vector.extract %reduce_sum3A_218[15] : f32 from vector<16xf32>
      %reduce_sum3A_220 = arith.constant true
      %reduce_sum3A_221 = vector.broadcast %reduce_sum3A_220 : i1 to vector<16xi1>
      %reduce_sum3A_222 = tpu.scan <sum>, %scan3A_101#8 masked %reduce_sum3A_221 : vector<16xf32>, vector<16xi1> -> vector<16xf32>
      %reduce_sum3A_223 = vector.extract %reduce_sum3A_222[15] : f32 from vector<16xf32>
      %reduce_sum3A_224 = arith.constant true
      %reduce_sum3A_225 = vector.broadcast %reduce_sum3A_224 : i1 to vector<16xi1>
      %reduce_sum3A_226 = tpu.scan <sum>, %scan3A_101#9 masked %reduce_sum3A_225 : vector<16xf32>, vector<16xi1> -> vector<16xf32>
      %reduce_sum3A_227 = vector.extract %reduce_sum3A_226[15] : f32 from vector<16xf32>
      %reduce_sum3A_228 = arith.constant true
      %reduce_sum3A_229 = vector.broadcast %reduce_sum3A_228 : i1 to vector<16xi1>
      %reduce_sum3A_230 = tpu.scan <sum>, %scan3A_101#10 masked %reduce_sum3A_229 : vector<16xf32>, vector<16xi1> -> vector<16xf32>
      %reduce_sum3A_231 = vector.extract %reduce_sum3A_230[15] : f32 from vector<16xf32>
      %reduce_sum3A_232 = arith.constant true
      %reduce_sum3A_233 = vector.broadcast %reduce_sum3A_232 : i1 to vector<16xi1>
      %reduce_sum3A_234 = tpu.scan <sum>, %scan3A_101#11 masked %reduce_sum3A_233 : vector<16xf32>, vector<16xi1> -> vector<16xf32>
      %reduce_sum3A_235 = vector.extract %reduce_sum3A_234[15] : f32 from vector<16xf32>
      %gt3A_236 = arith.constant 0.000000e+00 : f32
      %gt3A_237 = arith.cmpf ogt, %reduce_sum3A_215, %gt3A_236 : f32
      %jit3A_238 = arith.constant 1 : i32
      %jit3A_239 = arith.constant 0 : i32
      %select_n3A_240 = arith.select %gt3A_237, %jit3A_238, %jit3A_239 : i32
      %add3A_241 = arith.constant 0 : i32
      %add3A_242 = arith.addi %add3A_241, %select_n3A_240 : i32
      %gt3A_243 = arith.constant 0.000000e+00 : f32
      %gt3A_244 = arith.cmpf ogt, %reduce_sum3A_219, %gt3A_243 : f32
      %jit3A_245 = arith.constant 2 : i32
      %jit3A_246 = arith.constant 0 : i32
      %select_n3A_247 = arith.select %gt3A_244, %jit3A_245, %jit3A_246 : i32
      %add3A_248 = arith.addi %add3A_242, %select_n3A_247 : i32
      %gt3A_249 = arith.constant 0.000000e+00 : f32
      %gt3A_250 = arith.cmpf ogt, %reduce_sum3A_223, %gt3A_249 : f32
      %jit3A_251 = arith.constant 4 : i32
      %jit3A_252 = arith.constant 0 : i32
      %select_n3A_253 = arith.select %gt3A_250, %jit3A_251, %jit3A_252 : i32
      %add3A_254 = arith.addi %add3A_248, %select_n3A_253 : i32
      %gt3A_255 = arith.constant 0.000000e+00 : f32
      %gt3A_256 = arith.cmpf ogt, %reduce_sum3A_227, %gt3A_255 : f32
      %jit3A_257 = arith.constant 8 : i32
      %jit3A_258 = arith.constant 0 : i32
      %select_n3A_259 = arith.select %gt3A_256, %jit3A_257, %jit3A_258 : i32
      %add3A_260 = arith.addi %add3A_254, %select_n3A_259 : i32
      %gt3A_261 = arith.constant 0.000000e+00 : f32
      %gt3A_262 = arith.cmpf ogt, %reduce_sum3A_231, %gt3A_261 : f32
      %jit3A_263 = arith.constant 16 : i32
      %jit3A_264 = arith.constant 0 : i32
      %select_n3A_265 = arith.select %gt3A_262, %jit3A_263, %jit3A_264 : i32
      %add3A_266 = arith.addi %add3A_260, %select_n3A_265 : i32
      %gt3A_267 = arith.constant 0.000000e+00 : f32
      %gt3A_268 = arith.cmpf ogt, %reduce_sum3A_235, %gt3A_267 : f32
      %jit3A_269 = arith.constant 32 : i32
      %jit3A_270 = arith.constant 0 : i32
      %select_n3A_271 = arith.select %gt3A_268, %jit3A_269, %jit3A_270 : i32
      %add3A_272 = arith.addi %add3A_266, %select_n3A_271 : i32
      %abs3A_273 = math.absf %reduce_sum3A_215 : f32
      %abs3A_274 = math.absf %reduce_sum3A_219 : f32
      %abs3A_275 = math.absf %reduce_sum3A_223 : f32
      %abs3A_276 = math.absf %reduce_sum3A_227 : f32
      %abs3A_277 = math.absf %reduce_sum3A_231 : f32
      %abs3A_278 = math.absf %reduce_sum3A_235 : f32
      %lt3A_279 = arith.cmpf olt, %abs3A_274, %abs3A_273 : f32
      %select_n3A_280 = arith.select %lt3A_279, %abs3A_274, %abs3A_273 : f32
      %jit3A_281 = arith.constant 2 : i32
      %jit3A_282 = arith.constant 1 : i32
      %select_n3A_283 = arith.select %lt3A_279, %jit3A_281, %jit3A_282 : i32
      %lt3A_284 = arith.cmpf olt, %abs3A_275, %select_n3A_280 : f32
      %select_n3A_285 = arith.select %lt3A_284, %abs3A_275, %select_n3A_280 : f32
      %jit3A_286 = arith.constant 4 : i32
      %select_n3A_287 = arith.select %lt3A_284, %jit3A_286, %select_n3A_283 : i32
      %lt3A_288 = arith.cmpf olt, %abs3A_276, %select_n3A_285 : f32
      %select_n3A_289 = arith.select %lt3A_288, %abs3A_276, %select_n3A_285 : f32
      %jit3A_290 = arith.constant 8 : i32
      %select_n3A_291 = arith.select %lt3A_288, %jit3A_290, %select_n3A_287 : i32
      %lt3A_292 = arith.cmpf olt, %abs3A_277, %select_n3A_289 : f32
      %select_n3A_293 = arith.select %lt3A_292, %abs3A_277, %select_n3A_289 : f32
      %jit3A_294 = arith.constant 16 : i32
      %select_n3A_295 = arith.select %lt3A_292, %jit3A_294, %select_n3A_291 : i32
      %lt3A_296 = arith.cmpf olt, %abs3A_278, %select_n3A_293 : f32
      %select_n3A_297 = arith.select %lt3A_296, %abs3A_278, %select_n3A_293 : f32
      %jit3A_298 = arith.constant 32 : i32
      %select_n3A_299 = arith.select %lt3A_296, %jit3A_298, %select_n3A_295 : i32
      %xor3A_300 = arith.xori %add3A_272, %select_n3A_299 : i32
      %add3A_301 = arith.addf %abs3A_273, %abs3A_274 : f32
      %add3A_302 = arith.addf %add3A_301, %abs3A_275 : f32
      %add3A_303 = arith.addf %add3A_302, %abs3A_276 : f32
      %add3A_304 = arith.addf %add3A_303, %abs3A_277 : f32
      %add3A_305 = arith.addf %add3A_304, %abs3A_278 : f32
      %mul3A_306 = arith.constant 0.166666672 : f32
      %mul3A_307 = arith.mulf %add3A_305, %mul3A_306 : f32
      %mul3A_308 = arith.constant 2 : i32
      %mul3A_309 = arith.muli %add3A_78, %mul3A_308 : i32
      %add3A_310 = arith.constant 1 : i32
      %add3A_311 = arith.addi %mul3A_309, %add3A_310 : i32
      %eq3A_312 = arith.constant 0 : i32
      %eq3A_313 = vector.broadcast %eq3A_312 : i32 to vector<16xi32>
      %eq3A_314 = arith.cmpi eq, %iota3A, %eq3A_313 : vector<16xi32>
      %broadcast_in_dim3A_315 = vector.broadcast %add3A_272 : i32 to vector<16xi32>
      %broadcast_in_dim3A_316 = vector.broadcast %xor3A_300 : i32 to vector<16xi32>
      %select_n3A_317 = arith.select %eq3A_314, %broadcast_in_dim3A_315, %broadcast_in_dim3A_316 : vector<16xi1>, vector<16xi32>
      %mul3A_318 = arith.constant 2 : i32
      %mul3A_319 = arith.muli %mul3A_318, %add3A_311 : i32
      %add3A_320 = vector.broadcast %mul3A_319 : i32 to vector<16xi32>
      %add3A_321 = arith.addi %add3A_320, %iota3A : vector<16xi32>
      tpu.vector_store_idx %arg8[%add3A_321], %select_n3A_317 masked %lt3A_4 : memref<48xi32, #tpu.memory_space<vmem>>[vector<16xi32>], vector<16xi32>, vector<16xi1>
      %mul3A_322 = arith.constant 0 : i32
      %mul3A_323 = vector.broadcast %mul3A_322 : i32 to vector<16xi32>
      %mul3A_324 = arith.muli %iota3A, %mul3A_323 : vector<16xi32>
      %add3A_325 = vector.broadcast %add3A_311 : i32 to vector<16xi32>
      %add3A_326 = arith.addi %add3A_325, %mul3A_324 : vector<16xi32>
      %broadcast_in_dim3A_327 = vector.broadcast %mul3A_307 : f32 to vector<16xf32>
      tpu.vector_store_idx %arg9[%add3A_326], %broadcast_in_dim3A_327 masked %lt3A_7 : memref<24xf32, #tpu.memory_space<vmem>>[vector<16xi32>], vector<16xf32>, vector<16xi1>
      %add3A_328 = arith.constant 3 : i32
      %add3A_329 = arith.addi %add3A_78, %add3A_328 : i32
      %lt3A_330 = arith.constant 12 : i32
      %lt3A_331 = arith.cmpi slt, %add3A_329, %lt3A_330 : i32
      %convert_element_type3A = arith.extui %lt3A_331 : i1 to i32
      %cond3A = arith.constant 0 : i32
      %cond3A_332 = arith.cmpi ne, %convert_element_type3A, %cond3A : i32
      scf.if %cond3A_332 {
        %mul3A_871 = arith.constant 2 : i32
        %mul3A_872 = arith.muli %add3A_329, %mul3A_871 : i32
        %add3A_873 = arith.addi %mul3A_2, %mul3A_872 : i32
        %mul3A_874 = arith.constant 16 : i32
        %mul3A_875 = arith.muli %add3A_873, %mul3A_874 : i32
        %dma_start3A_876 = arith.constant 0 : i32
        %dma_start3A_877 = arith.constant 0 : i32
        %dma_start3A_878 = arith.constant 0 : i32
        %dma_start3A_879 = arith.constant 0 : i32
        %dma_start3A_880 = tpu.memref_slice %arg6[%dma_start3A_876, %dma_start3A_878, %dma_start3A_879] : memref<3x32x1024xf32, #tpu.memory_space<vmem>> -> memref<1x32x1024xf32, #tpu.memory_space<vmem>>
        %dma_start3A_881 = tpu.memref_squeeze %dma_start3A_880 : memref<1x32x1024xf32, #tpu.memory_space<vmem>> -> memref<32x1024xf32, #tpu.memory_space<vmem>>
        %dma_start3A_882 = arith.constant 0 : i32
        %dma_start3A_883 = tpu.memref_slice %arg2[%mul3A_875, %dma_start3A_882] : memref<32768x1024xf32, #tpu.memory_space<hbm>> -> memref<32x1024xf32, #tpu.memory_space<hbm>>
        %dma_start3A_884 = tpu.memref_slice %arg10[%dma_start3A_877] : memref<3x!tpu.dma_semaphore, #tpu.memory_space<semaphore_mem>> -> memref<1x!tpu.dma_semaphore, #tpu.memory_space<semaphore_mem>>
        %dma_start3A_885 = tpu.memref_squeeze %dma_start3A_884 : memref<1x!tpu.dma_semaphore, #tpu.memory_space<semaphore_mem>> -> memref<!tpu.dma_semaphore, #tpu.memory_space<semaphore_mem>>
        %dma_start3A_886 = arith.constant 0 : i32
        %dma_start3A_887 = arith.constant 0 : i32
        %dma_start3A_888 = tpu.memref_slice %arg6[%dma_start3A_876, %dma_start3A_886, %dma_start3A_887] : memref<3x32x1024xf32, #tpu.memory_space<vmem>> -> memref<1x32x1024xf32, #tpu.memory_space<vmem>>
        %dma_start3A_889 = tpu.memref_squeeze %dma_start3A_888 : memref<1x32x1024xf32, #tpu.memory_space<vmem>> -> memref<32x1024xf32, #tpu.memory_space<vmem>>
        %dma_start3A_890 = arith.constant 0 : i32
        %dma_start3A_891 = tpu.memref_slice %arg2[%mul3A_875, %dma_start3A_890] : memref<32768x1024xf32, #tpu.memory_space<hbm>> -> memref<32x1024xf32, #tpu.memory_space<hbm>>
        tpu.enqueue_dma source(%dma_start3A_891 : memref<32x1024xf32, #tpu.memory_space<hbm>>) target(%dma_start3A_889 : memref<32x1024xf32, #tpu.memory_space<vmem>>) target_semaphore(%dma_start3A_885 : memref<!tpu.dma_semaphore, #tpu.memory_space<semaphore_mem>>)
      } else {
      }
      %mul3A_333 = arith.constant 3 : i32
      %mul3A_334 = arith.muli %scan3A_74, %mul3A_333 : i32
      %add3A_335 = arith.constant 1 : i32
      %add3A_336 = arith.addi %mul3A_334, %add3A_335 : i32
      %dma_wait3A_337 = arith.constant 1 : i32
      %dma_wait3A_338 = arith.constant 1 : i32
      %dma_wait3A_339 = arith.constant 0 : i32
      %dma_wait3A_340 = arith.constant 0 : i32
      %dma_wait3A_341 = tpu.memref_slice %arg6[%dma_wait3A_337, %dma_wait3A_339, %dma_wait3A_340] : memref<3x32x1024xf32, #tpu.memory_space<vmem>> -> memref<1x32x1024xf32, #tpu.memory_space<vmem>>
      %dma_wait3A_342 = tpu.memref_squeeze %dma_wait3A_341 : memref<1x32x1024xf32, #tpu.memory_space<vmem>> -> memref<32x1024xf32, #tpu.memory_space<vmem>>
      %dma_wait3A_343 = arith.constant 0 : i32
      %dma_wait3A_344 = arith.constant 0 : i32
      %dma_wait3A_345 = tpu.memref_slice %arg2[%dma_wait3A_343, %dma_wait3A_344] : memref<32768x1024xf32, #tpu.memory_space<hbm>> -> memref<32x1024xf32, #tpu.memory_space<hbm>>
      %dma_wait3A_346 = tpu.memref_slice %arg10[%dma_wait3A_338] : memref<3x!tpu.dma_semaphore, #tpu.memory_space<semaphore_mem>> -> memref<1x!tpu.dma_semaphore, #tpu.memory_space<semaphore_mem>>
      %dma_wait3A_347 = tpu.memref_squeeze %dma_wait3A_346 : memref<1x!tpu.dma_semaphore, #tpu.memory_space<semaphore_mem>> -> memref<!tpu.dma_semaphore, #tpu.memory_space<semaphore_mem>>
      %dma_wait3A_348 = arith.constant 0 : i32
      %dma_wait3A_349 = arith.constant 0 : i32
      %dma_wait3A_350 = tpu.memref_slice %arg6[%dma_wait3A_337, %dma_wait3A_348, %dma_wait3A_349] : memref<3x32x1024xf32, #tpu.memory_space<vmem>> -> memref<1x32x1024xf32, #tpu.memory_space<vmem>>
      %dma_wait3A_351 = tpu.memref_squeeze %dma_wait3A_350 : memref<1x32x1024xf32, #tpu.memory_space<vmem>> -> memref<32x1024xf32, #tpu.memory_space<vmem>>
      %dma_wait3A_352 = arith.constant 0 : i32
      %dma_wait3A_353 = arith.constant 0 : i32
      %dma_wait3A_354 = tpu.memref_slice %arg2[%dma_wait3A_352, %dma_wait3A_353] : memref<32768x1024xf32, #tpu.memory_space<hbm>> -> memref<32x1024xf32, #tpu.memory_space<hbm>>
      tpu.wait_dma2 semaphore(%dma_wait3A_347 : memref<!tpu.dma_semaphore, #tpu.memory_space<semaphore_mem>>) src(%dma_wait3A_354 : memref<32x1024xf32, #tpu.memory_space<hbm>>) dst(%dma_wait3A_351 : memref<32x1024xf32, #tpu.memory_space<vmem>>)
      %broadcast_in_dim3A_355 = arith.constant 0.000000e+00 : f32
      %broadcast_in_dim3A_356 = vector.broadcast %broadcast_in_dim3A_355 : f32 to vector<16xf32>
      %scan3A_357 = arith.constant 0 : i32
      %scan3A_358 = arith.constant 64 : i32
      %scan3A_359 = arith.addi %scan3A_357, %scan3A_358 : i32
      %scan3A_360 = arith.constant 1 : i32
      %scan3A_361:12 = scf.for %scan3A_871 = %scan3A_357 to %scan3A_359 step %scan3A_360 iter_args(%scan3A_872 = %broadcast_in_dim3A_356, %scan3A_873 = %broadcast_in_dim3A_356, %scan3A_874 = %broadcast_in_dim3A_356, %scan3A_875 = %broadcast_in_dim3A_356, %scan3A_876 = %broadcast_in_dim3A_356, %scan3A_877 = %broadcast_in_dim3A_356, %scan3A_878 = %broadcast_in_dim3A_356, %scan3A_879 = %broadcast_in_dim3A_356, %scan3A_880 = %broadcast_in_dim3A_356, %scan3A_881 = %broadcast_in_dim3A_356, %scan3A_882 = %broadcast_in_dim3A_356, %scan3A_883 = %broadcast_in_dim3A_356) -> (vector<16xf32>, vector<16xf32>, vector<16xf32>, vector<16xf32>, vector<16xf32>, vector<16xf32>, vector<16xf32>, vector<16xf32>, vector<16xf32>, vector<16xf32>, vector<16xf32>, vector<16xf32>)  : i32 {
        %mul3A_884 = arith.constant 16 : i32
        %mul3A_885 = arith.muli %scan3A_871, %mul3A_884 : i32
        %get3A = arith.constant 0 : i32
        %get3A_886 = arith.index_cast %get3A : i32 to index
        %get3A_887 = arith.index_cast %mul3A_885 : i32 to index
        %get3A_888 = tpu.vector_load %arg7[%get3A_886, %get3A_887] {strides = array<i32>} : memref<6x1024xf32, #tpu.memory_space<vmem>>, vector<16xf32>,
        %get3A_889 = arith.constant 1 : i32
        %get3A_890 = arith.index_cast %get3A_889 : i32 to index
        %get3A_891 = arith.index_cast %mul3A_885 : i32 to index
        %get3A_892 = tpu.vector_load %arg7[%get3A_890, %get3A_891] {strides = array<i32>} : memref<6x1024xf32, #tpu.memory_space<vmem>>, vector<16xf32>,
        %get3A_893 = arith.constant 2 : i32
        %get3A_894 = arith.index_cast %get3A_893 : i32 to index
        %get3A_895 = arith.index_cast %mul3A_885 : i32 to index
        %get3A_896 = tpu.vector_load %arg7[%get3A_894, %get3A_895] {strides = array<i32>} : memref<6x1024xf32, #tpu.memory_space<vmem>>, vector<16xf32>,
        %get3A_897 = arith.constant 3 : i32
        %get3A_898 = arith.index_cast %get3A_897 : i32 to index
        %get3A_899 = arith.index_cast %mul3A_885 : i32 to index
        %get3A_900 = tpu.vector_load %arg7[%get3A_898, %get3A_899] {strides = array<i32>} : memref<6x1024xf32, #tpu.memory_space<vmem>>, vector<16xf32>,
        %get3A_901 = arith.constant 4 : i32
        %get3A_902 = arith.index_cast %get3A_901 : i32 to index
        %get3A_903 = arith.index_cast %mul3A_885 : i32 to index
        %get3A_904 = tpu.vector_load %arg7[%get3A_902, %get3A_903] {strides = array<i32>} : memref<6x1024xf32, #tpu.memory_space<vmem>>, vector<16xf32>,
        %get3A_905 = arith.constant 5 : i32
        %get3A_906 = arith.index_cast %get3A_905 : i32 to index
        %get3A_907 = arith.index_cast %mul3A_885 : i32 to index
        %get3A_908 = tpu.vector_load %arg7[%get3A_906, %get3A_907] {strides = array<i32>} : memref<6x1024xf32, #tpu.memory_space<vmem>>, vector<16xf32>,
        %get3A_909 = arith.constant 1 : i32
        %get3A_910 = arith.constant 0 : i32
        %get3A_911 = arith.index_cast %get3A_909 : i32 to index
        %get3A_912 = arith.index_cast %get3A_910 : i32 to index
        %get3A_913 = arith.index_cast %mul3A_885 : i32 to index
        %get3A_914 = tpu.vector_load %arg6[%get3A_911, %get3A_912, %get3A_913] {strides = array<i32>} : memref<3x32x1024xf32, #tpu.memory_space<vmem>>, vector<16xf32>,
        %get3A_915 = arith.constant 1 : i32
        %get3A_916 = arith.constant 1 : i32
        %get3A_917 = arith.index_cast %get3A_915 : i32 to index
        %get3A_918 = arith.index_cast %get3A_916 : i32 to index
        %get3A_919 = arith.index_cast %mul3A_885 : i32 to index
        %get3A_920 = tpu.vector_load %arg6[%get3A_917, %get3A_918, %get3A_919] {strides = array<i32>} : memref<3x32x1024xf32, #tpu.memory_space<vmem>>, vector<16xf32>,
        %add3A_921 = arith.addf %get3A_914, %get3A_920 : vector<16xf32>
        %get3A_922 = arith.constant 1 : i32
        %get3A_923 = arith.constant 2 : i32
        %get3A_924 = arith.index_cast %get3A_922 : i32 to index
        %get3A_925 = arith.index_cast %get3A_923 : i32 to index
        %get3A_926 = arith.index_cast %mul3A_885 : i32 to index
        %get3A_927 = tpu.vector_load %arg6[%get3A_924, %get3A_925, %get3A_926] {strides = array<i32>} : memref<3x32x1024xf32, #tpu.memory_space<vmem>>, vector<16xf32>,
        %add3A_928 = arith.addf %add3A_921, %get3A_927 : vector<16xf32>
        %get3A_929 = arith.constant 1 : i32
        %get3A_930 = arith.constant 3 : i32
        %get3A_931 = arith.index_cast %get3A_929 : i32 to index
        %get3A_932 = arith.index_cast %get3A_930 : i32 to index
        %get3A_933 = arith.index_cast %mul3A_885 : i32 to index
        %get3A_934 = tpu.vector_load %arg6[%get3A_931, %get3A_932, %get3A_933] {strides = array<i32>} : memref<3x32x1024xf32, #tpu.memory_space<vmem>>, vector<16xf32>,
        %add3A_935 = arith.addf %add3A_928, %get3A_934 : vector<16xf32>
        %get3A_936 = arith.constant 1 : i32
        %get3A_937 = arith.constant 4 : i32
        %get3A_938 = arith.index_cast %get3A_936 : i32 to index
        %get3A_939 = arith.index_cast %get3A_937 : i32 to index
        %get3A_940 = arith.index_cast %mul3A_885 : i32 to index
        %get3A_941 = tpu.vector_load %arg6[%get3A_938, %get3A_939, %get3A_940] {strides = array<i32>} : memref<3x32x1024xf32, #tpu.memory_space<vmem>>, vector<16xf32>,
        %add3A_942 = arith.addf %add3A_935, %get3A_941 : vector<16xf32>
        %get3A_943 = arith.constant 1 : i32
        %get3A_944 = arith.constant 5 : i32
        %get3A_945 = arith.index_cast %get3A_943 : i32 to index
        %get3A_946 = arith.index_cast %get3A_944 : i32 to index
        %get3A_947 = arith.index_cast %mul3A_885 : i32 to index
        %get3A_948 = tpu.vector_load %arg6[%get3A_945, %get3A_946, %get3A_947] {strides = array<i32>} : memref<3x32x1024xf32, #tpu.memory_space<vmem>>, vector<16xf32>,
        %add3A_949 = arith.addf %add3A_942, %get3A_948 : vector<16xf32>
        %get3A_950 = arith.constant 1 : i32
        %get3A_951 = arith.constant 6 : i32
        %get3A_952 = arith.index_cast %get3A_950 : i32 to index
        %get3A_953 = arith.index_cast %get3A_951 : i32 to index
        %get3A_954 = arith.index_cast %mul3A_885 : i32 to index
        %get3A_955 = tpu.vector_load %arg6[%get3A_952, %get3A_953, %get3A_954] {strides = array<i32>} : memref<3x32x1024xf32, #tpu.memory_space<vmem>>, vector<16xf32>,
        %add3A_956 = arith.addf %add3A_949, %get3A_955 : vector<16xf32>
        %get3A_957 = arith.constant 1 : i32
        %get3A_958 = arith.constant 7 : i32
        %get3A_959 = arith.index_cast %get3A_957 : i32 to index
        %get3A_960 = arith.index_cast %get3A_958 : i32 to index
        %get3A_961 = arith.index_cast %mul3A_885 : i32 to index
        %get3A_962 = tpu.vector_load %arg6[%get3A_959, %get3A_960, %get3A_961] {strides = array<i32>} : memref<3x32x1024xf32, #tpu.memory_space<vmem>>, vector<16xf32>,
        %add3A_963 = arith.addf %add3A_956, %get3A_962 : vector<16xf32>
        %get3A_964 = arith.constant 1 : i32
        %get3A_965 = arith.constant 8 : i32
        %get3A_966 = arith.index_cast %get3A_964 : i32 to index
        %get3A_967 = arith.index_cast %get3A_965 : i32 to index
        %get3A_968 = arith.index_cast %mul3A_885 : i32 to index
        %get3A_969 = tpu.vector_load %arg6[%get3A_966, %get3A_967, %get3A_968] {strides = array<i32>} : memref<3x32x1024xf32, #tpu.memory_space<vmem>>, vector<16xf32>,
        %add3A_970 = arith.addf %add3A_963, %get3A_969 : vector<16xf32>
        %get3A_971 = arith.constant 1 : i32
        %get3A_972 = arith.constant 9 : i32
        %get3A_973 = arith.index_cast %get3A_971 : i32 to index
        %get3A_974 = arith.index_cast %get3A_972 : i32 to index
        %get3A_975 = arith.index_cast %mul3A_885 : i32 to index
        %get3A_976 = tpu.vector_load %arg6[%get3A_973, %get3A_974, %get3A_975] {strides = array<i32>} : memref<3x32x1024xf32, #tpu.memory_space<vmem>>, vector<16xf32>,
        %add3A_977 = arith.addf %add3A_970, %get3A_976 : vector<16xf32>
        %get3A_978 = arith.constant 1 : i32
        %get3A_979 = arith.constant 10 : i32
        %get3A_980 = arith.index_cast %get3A_978 : i32 to index
        %get3A_981 = arith.index_cast %get3A_979 : i32 to index
        %get3A_982 = arith.index_cast %mul3A_885 : i32 to index
        %get3A_983 = tpu.vector_load %arg6[%get3A_980, %get3A_981, %get3A_982] {strides = array<i32>} : memref<3x32x1024xf32, #tpu.memory_space<vmem>>, vector<16xf32>,
        %add3A_984 = arith.addf %add3A_977, %get3A_983 : vector<16xf32>
        %get3A_985 = arith.constant 1 : i32
        %get3A_986 = arith.constant 11 : i32
        %get3A_987 = arith.index_cast %get3A_985 : i32 to index
        %get3A_988 = arith.index_cast %get3A_986 : i32 to index
        %get3A_989 = arith.index_cast %mul3A_885 : i32 to index
        %get3A_990 = tpu.vector_load %arg6[%get3A_987, %get3A_988, %get3A_989] {strides = array<i32>} : memref<3x32x1024xf32, #tpu.memory_space<vmem>>, vector<16xf32>,
        %add3A_991 = arith.addf %add3A_984, %get3A_990 : vector<16xf32>
        %get3A_992 = arith.constant 1 : i32
        %get3A_993 = arith.constant 12 : i32
        %get3A_994 = arith.index_cast %get3A_992 : i32 to index
        %get3A_995 = arith.index_cast %get3A_993 : i32 to index
        %get3A_996 = arith.index_cast %mul3A_885 : i32 to index
        %get3A_997 = tpu.vector_load %arg6[%get3A_994, %get3A_995, %get3A_996] {strides = array<i32>} : memref<3x32x1024xf32, #tpu.memory_space<vmem>>, vector<16xf32>,
        %add3A_998 = arith.addf %add3A_991, %get3A_997 : vector<16xf32>
        %get3A_999 = arith.constant 1 : i32
        %get3A_1000 = arith.constant 13 : i32
        %get3A_1001 = arith.index_cast %get3A_999 : i32 to index
        %get3A_1002 = arith.index_cast %get3A_1000 : i32 to index
        %get3A_1003 = arith.index_cast %mul3A_885 : i32 to index
        %get3A_1004 = tpu.vector_load %arg6[%get3A_1001, %get3A_1002, %get3A_1003] {strides = array<i32>} : memref<3x32x1024xf32, #tpu.memory_space<vmem>>, vector<16xf32>,
        %add3A_1005 = arith.addf %add3A_998, %get3A_1004 : vector<16xf32>
        %get3A_1006 = arith.constant 1 : i32
        %get3A_1007 = arith.constant 14 : i32
        %get3A_1008 = arith.index_cast %get3A_1006 : i32 to index
        %get3A_1009 = arith.index_cast %get3A_1007 : i32 to index
        %get3A_1010 = arith.index_cast %mul3A_885 : i32 to index
        %get3A_1011 = tpu.vector_load %arg6[%get3A_1008, %get3A_1009, %get3A_1010] {strides = array<i32>} : memref<3x32x1024xf32, #tpu.memory_space<vmem>>, vector<16xf32>,
        %add3A_1012 = arith.addf %add3A_1005, %get3A_1011 : vector<16xf32>
        %get3A_1013 = arith.constant 1 : i32
        %get3A_1014 = arith.constant 15 : i32
        %get3A_1015 = arith.index_cast %get3A_1013 : i32 to index
        %get3A_1016 = arith.index_cast %get3A_1014 : i32 to index
        %get3A_1017 = arith.index_cast %mul3A_885 : i32 to index
        %get3A_1018 = tpu.vector_load %arg6[%get3A_1015, %get3A_1016, %get3A_1017] {strides = array<i32>} : memref<3x32x1024xf32, #tpu.memory_space<vmem>>, vector<16xf32>,
        %add3A_1019 = arith.addf %add3A_1012, %get3A_1018 : vector<16xf32>
        %mul3A_1020 = arith.constant 6.250000e-02 : f32
        %mul3A_1021 = vector.broadcast %mul3A_1020 : f32 to vector<16xf32>
        %mul3A_1022 = arith.mulf %add3A_1019, %mul3A_1021 : vector<16xf32>
        %bitcast3A = vector.bitcast %mul3A_1022 : vector<16xf32> to vector<16xi32>
        %add3A_1023 = arith.constant 32767 : i32
        %add3A_1024 = vector.broadcast %add3A_1023 : i32 to vector<16xi32>
        %add3A_1025 = arith.addi %bitcast3A, %add3A_1024 : vector<16xi32>
        %shift_right_logical3A = arith.constant 16 : i32
        %shift_right_logical3A_1026 = vector.broadcast %shift_right_logical3A : i32 to vector<16xi32>
        %shift_right_logical3A_1027 = arith.shrui %bitcast3A, %shift_right_logical3A_1026 : vector<16xi32>
        %and3A = arith.constant 1 : i32
        %and3A_1028 = vector.broadcast %and3A : i32 to vector<16xi32>
        %and3A_1029 = arith.andi %shift_right_logical3A_1027, %and3A_1028 : vector<16xi32>
        %add3A_1030 = arith.addi %add3A_1025, %and3A_1029 : vector<16xi32>
        %and3A_1031 = arith.constant -65536 : i32
        %and3A_1032 = vector.broadcast %and3A_1031 : i32 to vector<16xi32>
        %and3A_1033 = arith.andi %add3A_1030, %and3A_1032 : vector<16xi32>
        %bitcast3A_1034 = vector.bitcast %and3A_1033 : vector<16xi32> to vector<16xf32>
        %mul3A_1035 = arith.mulf %bitcast3A_1034, %get3A_888 : vector<16xf32>
        %add3A_1036 = arith.addf %scan3A_872, %mul3A_1035 : vector<16xf32>
        %mul3A_1037 = arith.mulf %bitcast3A_1034, %get3A_892 : vector<16xf32>
        %add3A_1038 = arith.addf %scan3A_873, %mul3A_1037 : vector<16xf32>
        %mul3A_1039 = arith.mulf %bitcast3A_1034, %get3A_896 : vector<16xf32>
        %add3A_1040 = arith.addf %scan3A_874, %mul3A_1039 : vector<16xf32>
        %mul3A_1041 = arith.mulf %bitcast3A_1034, %get3A_900 : vector<16xf32>
        %add3A_1042 = arith.addf %scan3A_875, %mul3A_1041 : vector<16xf32>
        %mul3A_1043 = arith.mulf %bitcast3A_1034, %get3A_904 : vector<16xf32>
        %add3A_1044 = arith.addf %scan3A_876, %mul3A_1043 : vector<16xf32>
        %mul3A_1045 = arith.mulf %bitcast3A_1034, %get3A_908 : vector<16xf32>
        %add3A_1046 = arith.addf %scan3A_877, %mul3A_1045 : vector<16xf32>
        %get3A_1047 = arith.constant 1 : i32
        %get3A_1048 = arith.constant 16 : i32
        %get3A_1049 = arith.index_cast %get3A_1047 : i32 to index
        %get3A_1050 = arith.index_cast %get3A_1048 : i32 to index
        %get3A_1051 = arith.index_cast %mul3A_885 : i32 to index
        %get3A_1052 = tpu.vector_load %arg6[%get3A_1049, %get3A_1050, %get3A_1051] {strides = array<i32>} : memref<3x32x1024xf32, #tpu.memory_space<vmem>>, vector<16xf32>,
        %get3A_1053 = arith.constant 1 : i32
        %get3A_1054 = arith.constant 17 : i32
        %get3A_1055 = arith.index_cast %get3A_1053 : i32 to index
        %get3A_1056 = arith.index_cast %get3A_1054 : i32 to index
        %get3A_1057 = arith.index_cast %mul3A_885 : i32 to index
        %get3A_1058 = tpu.vector_load %arg6[%get3A_1055, %get3A_1056, %get3A_1057] {strides = array<i32>} : memref<3x32x1024xf32, #tpu.memory_space<vmem>>, vector<16xf32>,
        %add3A_1059 = arith.addf %get3A_1052, %get3A_1058 : vector<16xf32>
        %get3A_1060 = arith.constant 1 : i32
        %get3A_1061 = arith.constant 18 : i32
        %get3A_1062 = arith.index_cast %get3A_1060 : i32 to index
        %get3A_1063 = arith.index_cast %get3A_1061 : i32 to index
        %get3A_1064 = arith.index_cast %mul3A_885 : i32 to index
        %get3A_1065 = tpu.vector_load %arg6[%get3A_1062, %get3A_1063, %get3A_1064] {strides = array<i32>} : memref<3x32x1024xf32, #tpu.memory_space<vmem>>, vector<16xf32>,
        %add3A_1066 = arith.addf %add3A_1059, %get3A_1065 : vector<16xf32>
        %get3A_1067 = arith.constant 1 : i32
        %get3A_1068 = arith.constant 19 : i32
        %get3A_1069 = arith.index_cast %get3A_1067 : i32 to index
        %get3A_1070 = arith.index_cast %get3A_1068 : i32 to index
        %get3A_1071 = arith.index_cast %mul3A_885 : i32 to index
        %get3A_1072 = tpu.vector_load %arg6[%get3A_1069, %get3A_1070, %get3A_1071] {strides = array<i32>} : memref<3x32x1024xf32, #tpu.memory_space<vmem>>, vector<16xf32>,
        %add3A_1073 = arith.addf %add3A_1066, %get3A_1072 : vector<16xf32>
        %get3A_1074 = arith.constant 1 : i32
        %get3A_1075 = arith.constant 20 : i32
        %get3A_1076 = arith.index_cast %get3A_1074 : i32 to index
        %get3A_1077 = arith.index_cast %get3A_1075 : i32 to index
        %get3A_1078 = arith.index_cast %mul3A_885 : i32 to index
        %get3A_1079 = tpu.vector_load %arg6[%get3A_1076, %get3A_1077, %get3A_1078] {strides = array<i32>} : memref<3x32x1024xf32, #tpu.memory_space<vmem>>, vector<16xf32>,
        %add3A_1080 = arith.addf %add3A_1073, %get3A_1079 : vector<16xf32>
        %get3A_1081 = arith.constant 1 : i32
        %get3A_1082 = arith.constant 21 : i32
        %get3A_1083 = arith.index_cast %get3A_1081 : i32 to index
        %get3A_1084 = arith.index_cast %get3A_1082 : i32 to index
        %get3A_1085 = arith.index_cast %mul3A_885 : i32 to index
        %get3A_1086 = tpu.vector_load %arg6[%get3A_1083, %get3A_1084, %get3A_1085] {strides = array<i32>} : memref<3x32x1024xf32, #tpu.memory_space<vmem>>, vector<16xf32>,
        %add3A_1087 = arith.addf %add3A_1080, %get3A_1086 : vector<16xf32>
        %get3A_1088 = arith.constant 1 : i32
        %get3A_1089 = arith.constant 22 : i32
        %get3A_1090 = arith.index_cast %get3A_1088 : i32 to index
        %get3A_1091 = arith.index_cast %get3A_1089 : i32 to index
        %get3A_1092 = arith.index_cast %mul3A_885 : i32 to index
        %get3A_1093 = tpu.vector_load %arg6[%get3A_1090, %get3A_1091, %get3A_1092] {strides = array<i32>} : memref<3x32x1024xf32, #tpu.memory_space<vmem>>, vector<16xf32>,
        %add3A_1094 = arith.addf %add3A_1087, %get3A_1093 : vector<16xf32>
        %get3A_1095 = arith.constant 1 : i32
        %get3A_1096 = arith.constant 23 : i32
        %get3A_1097 = arith.index_cast %get3A_1095 : i32 to index
        %get3A_1098 = arith.index_cast %get3A_1096 : i32 to index
        %get3A_1099 = arith.index_cast %mul3A_885 : i32 to index
        %get3A_1100 = tpu.vector_load %arg6[%get3A_1097, %get3A_1098, %get3A_1099] {strides = array<i32>} : memref<3x32x1024xf32, #tpu.memory_space<vmem>>, vector<16xf32>,
        %add3A_1101 = arith.addf %add3A_1094, %get3A_1100 : vector<16xf32>
        %get3A_1102 = arith.constant 1 : i32
        %get3A_1103 = arith.constant 24 : i32
        %get3A_1104 = arith.index_cast %get3A_1102 : i32 to index
        %get3A_1105 = arith.index_cast %get3A_1103 : i32 to index
        %get3A_1106 = arith.index_cast %mul3A_885 : i32 to index
        %get3A_1107 = tpu.vector_load %arg6[%get3A_1104, %get3A_1105, %get3A_1106] {strides = array<i32>} : memref<3x32x1024xf32, #tpu.memory_space<vmem>>, vector<16xf32>,
        %add3A_1108 = arith.addf %add3A_1101, %get3A_1107 : vector<16xf32>
        %get3A_1109 = arith.constant 1 : i32
        %get3A_1110 = arith.constant 25 : i32
        %get3A_1111 = arith.index_cast %get3A_1109 : i32 to index
        %get3A_1112 = arith.index_cast %get3A_1110 : i32 to index
        %get3A_1113 = arith.index_cast %mul3A_885 : i32 to index
        %get3A_1114 = tpu.vector_load %arg6[%get3A_1111, %get3A_1112, %get3A_1113] {strides = array<i32>} : memref<3x32x1024xf32, #tpu.memory_space<vmem>>, vector<16xf32>,
        %add3A_1115 = arith.addf %add3A_1108, %get3A_1114 : vector<16xf32>
        %get3A_1116 = arith.constant 1 : i32
        %get3A_1117 = arith.constant 26 : i32
        %get3A_1118 = arith.index_cast %get3A_1116 : i32 to index
        %get3A_1119 = arith.index_cast %get3A_1117 : i32 to index
        %get3A_1120 = arith.index_cast %mul3A_885 : i32 to index
        %get3A_1121 = tpu.vector_load %arg6[%get3A_1118, %get3A_1119, %get3A_1120] {strides = array<i32>} : memref<3x32x1024xf32, #tpu.memory_space<vmem>>, vector<16xf32>,
        %add3A_1122 = arith.addf %add3A_1115, %get3A_1121 : vector<16xf32>
        %get3A_1123 = arith.constant 1 : i32
        %get3A_1124 = arith.constant 27 : i32
        %get3A_1125 = arith.index_cast %get3A_1123 : i32 to index
        %get3A_1126 = arith.index_cast %get3A_1124 : i32 to index
        %get3A_1127 = arith.index_cast %mul3A_885 : i32 to index
        %get3A_1128 = tpu.vector_load %arg6[%get3A_1125, %get3A_1126, %get3A_1127] {strides = array<i32>} : memref<3x32x1024xf32, #tpu.memory_space<vmem>>, vector<16xf32>,
        %add3A_1129 = arith.addf %add3A_1122, %get3A_1128 : vector<16xf32>
        %get3A_1130 = arith.constant 1 : i32
        %get3A_1131 = arith.constant 28 : i32
        %get3A_1132 = arith.index_cast %get3A_1130 : i32 to index
        %get3A_1133 = arith.index_cast %get3A_1131 : i32 to index
        %get3A_1134 = arith.index_cast %mul3A_885 : i32 to index
        %get3A_1135 = tpu.vector_load %arg6[%get3A_1132, %get3A_1133, %get3A_1134] {strides = array<i32>} : memref<3x32x1024xf32, #tpu.memory_space<vmem>>, vector<16xf32>,
        %add3A_1136 = arith.addf %add3A_1129, %get3A_1135 : vector<16xf32>
        %get3A_1137 = arith.constant 1 : i32
        %get3A_1138 = arith.constant 29 : i32
        %get3A_1139 = arith.index_cast %get3A_1137 : i32 to index
        %get3A_1140 = arith.index_cast %get3A_1138 : i32 to index
        %get3A_1141 = arith.index_cast %mul3A_885 : i32 to index
        %get3A_1142 = tpu.vector_load %arg6[%get3A_1139, %get3A_1140, %get3A_1141] {strides = array<i32>} : memref<3x32x1024xf32, #tpu.memory_space<vmem>>, vector<16xf32>,
        %add3A_1143 = arith.addf %add3A_1136, %get3A_1142 : vector<16xf32>
        %get3A_1144 = arith.constant 1 : i32
        %get3A_1145 = arith.constant 30 : i32
        %get3A_1146 = arith.index_cast %get3A_1144 : i32 to index
        %get3A_1147 = arith.index_cast %get3A_1145 : i32 to index
        %get3A_1148 = arith.index_cast %mul3A_885 : i32 to index
        %get3A_1149 = tpu.vector_load %arg6[%get3A_1146, %get3A_1147, %get3A_1148] {strides = array<i32>} : memref<3x32x1024xf32, #tpu.memory_space<vmem>>, vector<16xf32>,
        %add3A_1150 = arith.addf %add3A_1143, %get3A_1149 : vector<16xf32>
        %get3A_1151 = arith.constant 1 : i32
        %get3A_1152 = arith.constant 31 : i32
        %get3A_1153 = arith.index_cast %get3A_1151 : i32 to index
        %get3A_1154 = arith.index_cast %get3A_1152 : i32 to index
        %get3A_1155 = arith.index_cast %mul3A_885 : i32 to index
        %get3A_1156 = tpu.vector_load %arg6[%get3A_1153, %get3A_1154, %get3A_1155] {strides = array<i32>} : memref<3x32x1024xf32, #tpu.memory_space<vmem>>, vector<16xf32>,
        %add3A_1157 = arith.addf %add3A_1150, %get3A_1156 : vector<16xf32>
        %mul3A_1158 = arith.constant 6.250000e-02 : f32
        %mul3A_1159 = vector.broadcast %mul3A_1158 : f32 to vector<16xf32>
        %mul3A_1160 = arith.mulf %add3A_1157, %mul3A_1159 : vector<16xf32>
        %bitcast3A_1161 = vector.bitcast %mul3A_1160 : vector<16xf32> to vector<16xi32>
        %add3A_1162 = arith.constant 32767 : i32
        %add3A_1163 = vector.broadcast %add3A_1162 : i32 to vector<16xi32>
        %add3A_1164 = arith.addi %bitcast3A_1161, %add3A_1163 : vector<16xi32>
        %shift_right_logical3A_1165 = arith.constant 16 : i32
        %shift_right_logical3A_1166 = vector.broadcast %shift_right_logical3A_1165 : i32 to vector<16xi32>
        %shift_right_logical3A_1167 = arith.shrui %bitcast3A_1161, %shift_right_logical3A_1166 : vector<16xi32>
        %and3A_1168 = arith.constant 1 : i32
        %and3A_1169 = vector.broadcast %and3A_1168 : i32 to vector<16xi32>
        %and3A_1170 = arith.andi %shift_right_logical3A_1167, %and3A_1169 : vector<16xi32>
        %add3A_1171 = arith.addi %add3A_1164, %and3A_1170 : vector<16xi32>
        %and3A_1172 = arith.constant -65536 : i32
        %and3A_1173 = vector.broadcast %and3A_1172 : i32 to vector<16xi32>
        %and3A_1174 = arith.andi %add3A_1171, %and3A_1173 : vector<16xi32>
        %bitcast3A_1175 = vector.bitcast %and3A_1174 : vector<16xi32> to vector<16xf32>
        %mul3A_1176 = arith.mulf %bitcast3A_1175, %get3A_888 : vector<16xf32>
        %add3A_1177 = arith.addf %scan3A_878, %mul3A_1176 : vector<16xf32>
        %mul3A_1178 = arith.mulf %bitcast3A_1175, %get3A_892 : vector<16xf32>
        %add3A_1179 = arith.addf %scan3A_879, %mul3A_1178 : vector<16xf32>
        %mul3A_1180 = arith.mulf %bitcast3A_1175, %get3A_896 : vector<16xf32>
        %add3A_1181 = arith.addf %scan3A_880, %mul3A_1180 : vector<16xf32>
        %mul3A_1182 = arith.mulf %bitcast3A_1175, %get3A_900 : vector<16xf32>
        %add3A_1183 = arith.addf %scan3A_881, %mul3A_1182 : vector<16xf32>
        %mul3A_1184 = arith.mulf %bitcast3A_1175, %get3A_904 : vector<16xf32>
        %add3A_1185 = arith.addf %scan3A_882, %mul3A_1184 : vector<16xf32>
        %mul3A_1186 = arith.mulf %bitcast3A_1175, %get3A_908 : vector<16xf32>
        %add3A_1187 = arith.addf %scan3A_883, %mul3A_1186 : vector<16xf32>
        scf.yield %add3A_1036, %add3A_1038, %add3A_1040, %add3A_1042, %add3A_1044, %add3A_1046, %add3A_1177, %add3A_1179, %add3A_1181, %add3A_1183, %add3A_1185, %add3A_1187 : vector<16xf32>, vector<16xf32>, vector<16xf32>, vector<16xf32>, vector<16xf32>, vector<16xf32>, vector<16xf32>, vector<16xf32>, vector<16xf32>, vector<16xf32>, vector<16xf32>, vector<16xf32>
      }
      %scan3A_362 = arith.constant 64 : i32
      %reduce_sum3A_363 = arith.constant true
      %reduce_sum3A_364 = vector.broadcast %reduce_sum3A_363 : i1 to vector<16xi1>
      %reduce_sum3A_365 = tpu.scan <sum>, %scan3A_361#0 masked %reduce_sum3A_364 : vector<16xf32>, vector<16xi1> -> vector<16xf32>
      %reduce_sum3A_366 = vector.extract %reduce_sum3A_365[15] : f32 from vector<16xf32>
      %reduce_sum3A_367 = arith.constant true
      %reduce_sum3A_368 = vector.broadcast %reduce_sum3A_367 : i1 to vector<16xi1>
      %reduce_sum3A_369 = tpu.scan <sum>, %scan3A_361#1 masked %reduce_sum3A_368 : vector<16xf32>, vector<16xi1> -> vector<16xf32>
      %reduce_sum3A_370 = vector.extract %reduce_sum3A_369[15] : f32 from vector<16xf32>
      %reduce_sum3A_371 = arith.constant true
      %reduce_sum3A_372 = vector.broadcast %reduce_sum3A_371 : i1 to vector<16xi1>
      %reduce_sum3A_373 = tpu.scan <sum>, %scan3A_361#2 masked %reduce_sum3A_372 : vector<16xf32>, vector<16xi1> -> vector<16xf32>
      %reduce_sum3A_374 = vector.extract %reduce_sum3A_373[15] : f32 from vector<16xf32>
      %reduce_sum3A_375 = arith.constant true
      %reduce_sum3A_376 = vector.broadcast %reduce_sum3A_375 : i1 to vector<16xi1>
      %reduce_sum3A_377 = tpu.scan <sum>, %scan3A_361#3 masked %reduce_sum3A_376 : vector<16xf32>, vector<16xi1> -> vector<16xf32>
      %reduce_sum3A_378 = vector.extract %reduce_sum3A_377[15] : f32 from vector<16xf32>
      %reduce_sum3A_379 = arith.constant true
      %reduce_sum3A_380 = vector.broadcast %reduce_sum3A_379 : i1 to vector<16xi1>
      %reduce_sum3A_381 = tpu.scan <sum>, %scan3A_361#4 masked %reduce_sum3A_380 : vector<16xf32>, vector<16xi1> -> vector<16xf32>
      %reduce_sum3A_382 = vector.extract %reduce_sum3A_381[15] : f32 from vector<16xf32>
      %reduce_sum3A_383 = arith.constant true
      %reduce_sum3A_384 = vector.broadcast %reduce_sum3A_383 : i1 to vector<16xi1>
      %reduce_sum3A_385 = tpu.scan <sum>, %scan3A_361#5 masked %reduce_sum3A_384 : vector<16xf32>, vector<16xi1> -> vector<16xf32>
      %reduce_sum3A_386 = vector.extract %reduce_sum3A_385[15] : f32 from vector<16xf32>
      %gt3A_387 = arith.constant 0.000000e+00 : f32
      %gt3A_388 = arith.cmpf ogt, %reduce_sum3A_366, %gt3A_387 : f32
      %jit3A_389 = arith.constant 1 : i32
      %jit3A_390 = arith.constant 0 : i32
      %select_n3A_391 = arith.select %gt3A_388, %jit3A_389, %jit3A_390 : i32
      %add3A_392 = arith.constant 0 : i32
      %add3A_393 = arith.addi %add3A_392, %select_n3A_391 : i32
      %gt3A_394 = arith.constant 0.000000e+00 : f32
      %gt3A_395 = arith.cmpf ogt, %reduce_sum3A_370, %gt3A_394 : f32
      %jit3A_396 = arith.constant 2 : i32
      %jit3A_397 = arith.constant 0 : i32
      %select_n3A_398 = arith.select %gt3A_395, %jit3A_396, %jit3A_397 : i32
      %add3A_399 = arith.addi %add3A_393, %select_n3A_398 : i32
      %gt3A_400 = arith.constant 0.000000e+00 : f32
      %gt3A_401 = arith.cmpf ogt, %reduce_sum3A_374, %gt3A_400 : f32
      %jit3A_402 = arith.constant 4 : i32
      %jit3A_403 = arith.constant 0 : i32
      %select_n3A_404 = arith.select %gt3A_401, %jit3A_402, %jit3A_403 : i32
      %add3A_405 = arith.addi %add3A_399, %select_n3A_404 : i32
      %gt3A_406 = arith.constant 0.000000e+00 : f32
      %gt3A_407 = arith.cmpf ogt, %reduce_sum3A_378, %gt3A_406 : f32
      %jit3A_408 = arith.constant 8 : i32
      %jit3A_409 = arith.constant 0 : i32
      %select_n3A_410 = arith.select %gt3A_407, %jit3A_408, %jit3A_409 : i32
      %add3A_411 = arith.addi %add3A_405, %select_n3A_410 : i32
      %gt3A_412 = arith.constant 0.000000e+00 : f32
      %gt3A_413 = arith.cmpf ogt, %reduce_sum3A_382, %gt3A_412 : f32
      %jit3A_414 = arith.constant 16 : i32
      %jit3A_415 = arith.constant 0 : i32
      %select_n3A_416 = arith.select %gt3A_413, %jit3A_414, %jit3A_415 : i32
      %add3A_417 = arith.addi %add3A_411, %select_n3A_416 : i32
      %gt3A_418 = arith.constant 0.000000e+00 : f32
      %gt3A_419 = arith.cmpf ogt, %reduce_sum3A_386, %gt3A_418 : f32
      %jit3A_420 = arith.constant 32 : i32
      %jit3A_421 = arith.constant 0 : i32
      %select_n3A_422 = arith.select %gt3A_419, %jit3A_420, %jit3A_421 : i32
      %add3A_423 = arith.addi %add3A_417, %select_n3A_422 : i32
      %abs3A_424 = math.absf %reduce_sum3A_366 : f32
      %abs3A_425 = math.absf %reduce_sum3A_370 : f32
      %abs3A_426 = math.absf %reduce_sum3A_374 : f32
      %abs3A_427 = math.absf %reduce_sum3A_378 : f32
      %abs3A_428 = math.absf %reduce_sum3A_382 : f32
      %abs3A_429 = math.absf %reduce_sum3A_386 : f32
      %lt3A_430 = arith.cmpf olt, %abs3A_425, %abs3A_424 : f32
      %select_n3A_431 = arith.select %lt3A_430, %abs3A_425, %abs3A_424 : f32
      %jit3A_432 = arith.constant 2 : i32
      %jit3A_433 = arith.constant 1 : i32
      %select_n3A_434 = arith.select %lt3A_430, %jit3A_432, %jit3A_433 : i32
      %lt3A_435 = arith.cmpf olt, %abs3A_426, %select_n3A_431 : f32
      %select_n3A_436 = arith.select %lt3A_435, %abs3A_426, %select_n3A_431 : f32
      %jit3A_437 = arith.constant 4 : i32
      %select_n3A_438 = arith.select %lt3A_435, %jit3A_437, %select_n3A_434 : i32
      %lt3A_439 = arith.cmpf olt, %abs3A_427, %select_n3A_436 : f32
      %select_n3A_440 = arith.select %lt3A_439, %abs3A_427, %select_n3A_436 : f32
      %jit3A_441 = arith.constant 8 : i32
      %select_n3A_442 = arith.select %lt3A_439, %jit3A_441, %select_n3A_438 : i32
      %lt3A_443 = arith.cmpf olt, %abs3A_428, %select_n3A_440 : f32
      %select_n3A_444 = arith.select %lt3A_443, %abs3A_428, %select_n3A_440 : f32
      %jit3A_445 = arith.constant 16 : i32
      %select_n3A_446 = arith.select %lt3A_443, %jit3A_445, %select_n3A_442 : i32
      %lt3A_447 = arith.cmpf olt, %abs3A_429, %select_n3A_444 : f32
      %select_n3A_448 = arith.select %lt3A_447, %abs3A_429, %select_n3A_444 : f32
      %jit3A_449 = arith.constant 32 : i32
      %select_n3A_450 = arith.select %lt3A_447, %jit3A_449, %select_n3A_446 : i32
      %xor3A_451 = arith.xori %add3A_423, %select_n3A_450 : i32
      %add3A_452 = arith.addf %abs3A_424, %abs3A_425 : f32
      %add3A_453 = arith.addf %add3A_452, %abs3A_426 : f32
      %add3A_454 = arith.addf %add3A_453, %abs3A_427 : f32
      %add3A_455 = arith.addf %add3A_454, %abs3A_428 : f32
      %add3A_456 = arith.addf %add3A_455, %abs3A_429 : f32
      %mul3A_457 = arith.constant 0.166666672 : f32
      %mul3A_458 = arith.mulf %add3A_456, %mul3A_457 : f32
      %mul3A_459 = arith.constant 2 : i32
      %mul3A_460 = arith.muli %add3A_336, %mul3A_459 : i32
      %add3A_461 = arith.constant 0 : i32
      %add3A_462 = arith.addi %mul3A_460, %add3A_461 : i32
      %eq3A_463 = arith.constant 0 : i32
      %eq3A_464 = vector.broadcast %eq3A_463 : i32 to vector<16xi32>
      %eq3A_465 = arith.cmpi eq, %iota3A, %eq3A_464 : vector<16xi32>
      %broadcast_in_dim3A_466 = vector.broadcast %add3A_423 : i32 to vector<16xi32>
      %broadcast_in_dim3A_467 = vector.broadcast %xor3A_451 : i32 to vector<16xi32>
      %select_n3A_468 = arith.select %eq3A_465, %broadcast_in_dim3A_466, %broadcast_in_dim3A_467 : vector<16xi1>, vector<16xi32>
      %mul3A_469 = arith.constant 2 : i32
      %mul3A_470 = arith.muli %mul3A_469, %add3A_462 : i32
      %add3A_471 = vector.broadcast %mul3A_470 : i32 to vector<16xi32>
      %add3A_472 = arith.addi %add3A_471, %iota3A : vector<16xi32>
      tpu.vector_store_idx %arg8[%add3A_472], %select_n3A_468 masked %lt3A_4 : memref<48xi32, #tpu.memory_space<vmem>>[vector<16xi32>], vector<16xi32>, vector<16xi1>
      %mul3A_473 = arith.constant 0 : i32
      %mul3A_474 = vector.broadcast %mul3A_473 : i32 to vector<16xi32>
      %mul3A_475 = arith.muli %iota3A, %mul3A_474 : vector<16xi32>
      %add3A_476 = vector.broadcast %add3A_462 : i32 to vector<16xi32>
      %add3A_477 = arith.addi %add3A_476, %mul3A_475 : vector<16xi32>
      %broadcast_in_dim3A_478 = vector.broadcast %mul3A_458 : f32 to vector<16xf32>
      tpu.vector_store_idx %arg9[%add3A_477], %broadcast_in_dim3A_478 masked %lt3A_7 : memref<24xf32, #tpu.memory_space<vmem>>[vector<16xi32>], vector<16xf32>, vector<16xi1>
      %reduce_sum3A_479 = arith.constant true
      %reduce_sum3A_480 = vector.broadcast %reduce_sum3A_479 : i1 to vector<16xi1>
      %reduce_sum3A_481 = tpu.scan <sum>, %scan3A_361#6 masked %reduce_sum3A_480 : vector<16xf32>, vector<16xi1> -> vector<16xf32>
      %reduce_sum3A_482 = vector.extract %reduce_sum3A_481[15] : f32 from vector<16xf32>
      %reduce_sum3A_483 = arith.constant true
      %reduce_sum3A_484 = vector.broadcast %reduce_sum3A_483 : i1 to vector<16xi1>
      %reduce_sum3A_485 = tpu.scan <sum>, %scan3A_361#7 masked %reduce_sum3A_484 : vector<16xf32>, vector<16xi1> -> vector<16xf32>
      %reduce_sum3A_486 = vector.extract %reduce_sum3A_485[15] : f32 from vector<16xf32>
      %reduce_sum3A_487 = arith.constant true
      %reduce_sum3A_488 = vector.broadcast %reduce_sum3A_487 : i1 to vector<16xi1>
      %reduce_sum3A_489 = tpu.scan <sum>, %scan3A_361#8 masked %reduce_sum3A_488 : vector<16xf32>, vector<16xi1> -> vector<16xf32>
      %reduce_sum3A_490 = vector.extract %reduce_sum3A_489[15] : f32 from vector<16xf32>
      %reduce_sum3A_491 = arith.constant true
      %reduce_sum3A_492 = vector.broadcast %reduce_sum3A_491 : i1 to vector<16xi1>
      %reduce_sum3A_493 = tpu.scan <sum>, %scan3A_361#9 masked %reduce_sum3A_492 : vector<16xf32>, vector<16xi1> -> vector<16xf32>
      %reduce_sum3A_494 = vector.extract %reduce_sum3A_493[15] : f32 from vector<16xf32>
      %reduce_sum3A_495 = arith.constant true
      %reduce_sum3A_496 = vector.broadcast %reduce_sum3A_495 : i1 to vector<16xi1>
      %reduce_sum3A_497 = tpu.scan <sum>, %scan3A_361#10 masked %reduce_sum3A_496 : vector<16xf32>, vector<16xi1> -> vector<16xf32>
      %reduce_sum3A_498 = vector.extract %reduce_sum3A_497[15] : f32 from vector<16xf32>
      %reduce_sum3A_499 = arith.constant true
      %reduce_sum3A_500 = vector.broadcast %reduce_sum3A_499 : i1 to vector<16xi1>
      %reduce_sum3A_501 = tpu.scan <sum>, %scan3A_361#11 masked %reduce_sum3A_500 : vector<16xf32>, vector<16xi1> -> vector<16xf32>
      %reduce_sum3A_502 = vector.extract %reduce_sum3A_501[15] : f32 from vector<16xf32>
      %gt3A_503 = arith.constant 0.000000e+00 : f32
      %gt3A_504 = arith.cmpf ogt, %reduce_sum3A_482, %gt3A_503 : f32
      %jit3A_505 = arith.constant 1 : i32
      %jit3A_506 = arith.constant 0 : i32
      %select_n3A_507 = arith.select %gt3A_504, %jit3A_505, %jit3A_506 : i32
      %add3A_508 = arith.constant 0 : i32
      %add3A_509 = arith.addi %add3A_508, %select_n3A_507 : i32
      %gt3A_510 = arith.constant 0.000000e+00 : f32
      %gt3A_511 = arith.cmpf ogt, %reduce_sum3A_486, %gt3A_510 : f32
      %jit3A_512 = arith.constant 2 : i32
      %jit3A_513 = arith.constant 0 : i32
      %select_n3A_514 = arith.select %gt3A_511, %jit3A_512, %jit3A_513 : i32
      %add3A_515 = arith.addi %add3A_509, %select_n3A_514 : i32
      %gt3A_516 = arith.constant 0.000000e+00 : f32
      %gt3A_517 = arith.cmpf ogt, %reduce_sum3A_490, %gt3A_516 : f32
      %jit3A_518 = arith.constant 4 : i32
      %jit3A_519 = arith.constant 0 : i32
      %select_n3A_520 = arith.select %gt3A_517, %jit3A_518, %jit3A_519 : i32
      %add3A_521 = arith.addi %add3A_515, %select_n3A_520 : i32
      %gt3A_522 = arith.constant 0.000000e+00 : f32
      %gt3A_523 = arith.cmpf ogt, %reduce_sum3A_494, %gt3A_522 : f32
      %jit3A_524 = arith.constant 8 : i32
      %jit3A_525 = arith.constant 0 : i32
      %select_n3A_526 = arith.select %gt3A_523, %jit3A_524, %jit3A_525 : i32
      %add3A_527 = arith.addi %add3A_521, %select_n3A_526 : i32
      %gt3A_528 = arith.constant 0.000000e+00 : f32
      %gt3A_529 = arith.cmpf ogt, %reduce_sum3A_498, %gt3A_528 : f32
      %jit3A_530 = arith.constant 16 : i32
      %jit3A_531 = arith.constant 0 : i32
      %select_n3A_532 = arith.select %gt3A_529, %jit3A_530, %jit3A_531 : i32
      %add3A_533 = arith.addi %add3A_527, %select_n3A_532 : i32
      %gt3A_534 = arith.constant 0.000000e+00 : f32
      %gt3A_535 = arith.cmpf ogt, %reduce_sum3A_502, %gt3A_534 : f32
      %jit3A_536 = arith.constant 32 : i32
      %jit3A_537 = arith.constant 0 : i32
      %select_n3A_538 = arith.select %gt3A_535, %jit3A_536, %jit3A_537 : i32
      %add3A_539 = arith.addi %add3A_533, %select_n3A_538 : i32
      %abs3A_540 = math.absf %reduce_sum3A_482 : f32
      %abs3A_541 = math.absf %reduce_sum3A_486 : f32
      %abs3A_542 = math.absf %reduce_sum3A_490 : f32
      %abs3A_543 = math.absf %reduce_sum3A_494 : f32
      %abs3A_544 = math.absf %reduce_sum3A_498 : f32
      %abs3A_545 = math.absf %reduce_sum3A_502 : f32
      %lt3A_546 = arith.cmpf olt, %abs3A_541, %abs3A_540 : f32
      %select_n3A_547 = arith.select %lt3A_546, %abs3A_541, %abs3A_540 : f32
      %jit3A_548 = arith.constant 2 : i32
      %jit3A_549 = arith.constant 1 : i32
      %select_n3A_550 = arith.select %lt3A_546, %jit3A_548, %jit3A_549 : i32
      %lt3A_551 = arith.cmpf olt, %abs3A_542, %select_n3A_547 : f32
      %select_n3A_552 = arith.select %lt3A_551, %abs3A_542, %select_n3A_547 : f32
      %jit3A_553 = arith.constant 4 : i32
      %select_n3A_554 = arith.select %lt3A_551, %jit3A_553, %select_n3A_550 : i32
      %lt3A_555 = arith.cmpf olt, %abs3A_543, %select_n3A_552 : f32
      %select_n3A_556 = arith.select %lt3A_555, %abs3A_543, %select_n3A_552 : f32
      %jit3A_557 = arith.constant 8 : i32
      %select_n3A_558 = arith.select %lt3A_555, %jit3A_557, %select_n3A_554 : i32
      %lt3A_559 = arith.cmpf olt, %abs3A_544, %select_n3A_556 : f32
      %select_n3A_560 = arith.select %lt3A_559, %abs3A_544, %select_n3A_556 : f32
      %jit3A_561 = arith.constant 16 : i32
      %select_n3A_562 = arith.select %lt3A_559, %jit3A_561, %select_n3A_558 : i32
      %lt3A_563 = arith.cmpf olt, %abs3A_545, %select_n3A_560 : f32
      %select_n3A_564 = arith.select %lt3A_563, %abs3A_545, %select_n3A_560 : f32
      %jit3A_565 = arith.constant 32 : i32
      %select_n3A_566 = arith.select %lt3A_563, %jit3A_565, %select_n3A_562 : i32
      %xor3A_567 = arith.xori %add3A_539, %select_n3A_566 : i32
      %add3A_568 = arith.addf %abs3A_540, %abs3A_541 : f32
      %add3A_569 = arith.addf %add3A_568, %abs3A_542 : f32
      %add3A_570 = arith.addf %add3A_569, %abs3A_543 : f32
      %add3A_571 = arith.addf %add3A_570, %abs3A_544 : f32
      %add3A_572 = arith.addf %add3A_571, %abs3A_545 : f32
      %mul3A_573 = arith.constant 0.166666672 : f32
      %mul3A_574 = arith.mulf %add3A_572, %mul3A_573 : f32
      %mul3A_575 = arith.constant 2 : i32
      %mul3A_576 = arith.muli %add3A_336, %mul3A_575 : i32
      %add3A_577 = arith.constant 1 : i32
      %add3A_578 = arith.addi %mul3A_576, %add3A_577 : i32
      %eq3A_579 = arith.constant 0 : i32
      %eq3A_580 = vector.broadcast %eq3A_579 : i32 to vector<16xi32>
      %eq3A_581 = arith.cmpi eq, %iota3A, %eq3A_580 : vector<16xi32>
      %broadcast_in_dim3A_582 = vector.broadcast %add3A_539 : i32 to vector<16xi32>
      %broadcast_in_dim3A_583 = vector.broadcast %xor3A_567 : i32 to vector<16xi32>
      %select_n3A_584 = arith.select %eq3A_581, %broadcast_in_dim3A_582, %broadcast_in_dim3A_583 : vector<16xi1>, vector<16xi32>
      %mul3A_585 = arith.constant 2 : i32
      %mul3A_586 = arith.muli %mul3A_585, %add3A_578 : i32
      %add3A_587 = vector.broadcast %mul3A_586 : i32 to vector<16xi32>
      %add3A_588 = arith.addi %add3A_587, %iota3A : vector<16xi32>
      tpu.vector_store_idx %arg8[%add3A_588], %select_n3A_584 masked %lt3A_4 : memref<48xi32, #tpu.memory_space<vmem>>[vector<16xi32>], vector<16xi32>, vector<16xi1>
      %mul3A_589 = arith.constant 0 : i32
      %mul3A_590 = vector.broadcast %mul3A_589 : i32 to vector<16xi32>
      %mul3A_591 = arith.muli %iota3A, %mul3A_590 : vector<16xi32>
      %add3A_592 = vector.broadcast %add3A_578 : i32 to vector<16xi32>
      %add3A_593 = arith.addi %add3A_592, %mul3A_591 : vector<16xi32>
      %broadcast_in_dim3A_594 = vector.broadcast %mul3A_574 : f32 to vector<16xf32>
      tpu.vector_store_idx %arg9[%add3A_593], %broadcast_in_dim3A_594 masked %lt3A_7 : memref<24xf32, #tpu.memory_space<vmem>>[vector<16xi32>], vector<16xf32>, vector<16xi1>
      %add3A_595 = arith.constant 3 : i32
      %add3A_596 = arith.addi %add3A_336, %add3A_595 : i32
      %lt3A_597 = arith.constant 12 : i32
      %lt3A_598 = arith.cmpi slt, %add3A_596, %lt3A_597 : i32
      %convert_element_type3A_599 = arith.extui %lt3A_598 : i1 to i32
      %cond3A_600 = arith.constant 0 : i32
      %cond3A_601 = arith.cmpi ne, %convert_element_type3A_599, %cond3A_600 : i32
      scf.if %cond3A_601 {
        %mul3A_871 = arith.constant 2 : i32
        %mul3A_872 = arith.muli %add3A_596, %mul3A_871 : i32
        %add3A_873 = arith.addi %mul3A_2, %mul3A_872 : i32
        %mul3A_874 = arith.constant 16 : i32
        %mul3A_875 = arith.muli %add3A_873, %mul3A_874 : i32
        %dma_start3A_876 = arith.constant 1 : i32
        %dma_start3A_877 = arith.constant 1 : i32
        %dma_start3A_878 = arith.constant 0 : i32
        %dma_start3A_879 = arith.constant 0 : i32
        %dma_start3A_880 = tpu.memref_slice %arg6[%dma_start3A_876, %dma_start3A_878, %dma_start3A_879] : memref<3x32x1024xf32, #tpu.memory_space<vmem>> -> memref<1x32x1024xf32, #tpu.memory_space<vmem>>
        %dma_start3A_881 = tpu.memref_squeeze %dma_start3A_880 : memref<1x32x1024xf32, #tpu.memory_space<vmem>> -> memref<32x1024xf32, #tpu.memory_space<vmem>>
        %dma_start3A_882 = arith.constant 0 : i32
        %dma_start3A_883 = tpu.memref_slice %arg2[%mul3A_875, %dma_start3A_882] : memref<32768x1024xf32, #tpu.memory_space<hbm>> -> memref<32x1024xf32, #tpu.memory_space<hbm>>
        %dma_start3A_884 = tpu.memref_slice %arg10[%dma_start3A_877] : memref<3x!tpu.dma_semaphore, #tpu.memory_space<semaphore_mem>> -> memref<1x!tpu.dma_semaphore, #tpu.memory_space<semaphore_mem>>
        %dma_start3A_885 = tpu.memref_squeeze %dma_start3A_884 : memref<1x!tpu.dma_semaphore, #tpu.memory_space<semaphore_mem>> -> memref<!tpu.dma_semaphore, #tpu.memory_space<semaphore_mem>>
        %dma_start3A_886 = arith.constant 0 : i32
        %dma_start3A_887 = arith.constant 0 : i32
        %dma_start3A_888 = tpu.memref_slice %arg6[%dma_start3A_876, %dma_start3A_886, %dma_start3A_887] : memref<3x32x1024xf32, #tpu.memory_space<vmem>> -> memref<1x32x1024xf32, #tpu.memory_space<vmem>>
        %dma_start3A_889 = tpu.memref_squeeze %dma_start3A_888 : memref<1x32x1024xf32, #tpu.memory_space<vmem>> -> memref<32x1024xf32, #tpu.memory_space<vmem>>
        %dma_start3A_890 = arith.constant 0 : i32
        %dma_start3A_891 = tpu.memref_slice %arg2[%mul3A_875, %dma_start3A_890] : memref<32768x1024xf32, #tpu.memory_space<hbm>> -> memref<32x1024xf32, #tpu.memory_space<hbm>>
        tpu.enqueue_dma source(%dma_start3A_891 : memref<32x1024xf32, #tpu.memory_space<hbm>>) target(%dma_start3A_889 : memref<32x1024xf32, #tpu.memory_space<vmem>>) target_semaphore(%dma_start3A_885 : memref<!tpu.dma_semaphore, #tpu.memory_space<semaphore_mem>>)
      } else {
      }
      %mul3A_602 = arith.constant 3 : i32
      %mul3A_603 = arith.muli %scan3A_74, %mul3A_602 : i32
      %add3A_604 = arith.constant 2 : i32
      %add3A_605 = arith.addi %mul3A_603, %add3A_604 : i32
      %dma_wait3A_606 = arith.constant 2 : i32
      %dma_wait3A_607 = arith.constant 2 : i32
      %dma_wait3A_608 = arith.constant 0 : i32
      %dma_wait3A_609 = arith.constant 0 : i32
      %dma_wait3A_610 = tpu.memref_slice %arg6[%dma_wait3A_606, %dma_wait3A_608, %dma_wait3A_609] : memref<3x32x1024xf32, #tpu.memory_space<vmem>> -> memref<1x32x1024xf32, #tpu.memory_space<vmem>>
      %dma_wait3A_611 = tpu.memref_squeeze %dma_wait3A_610 : memref<1x32x1024xf32, #tpu.memory_space<vmem>> -> memref<32x1024xf32, #tpu.memory_space<vmem>>
      %dma_wait3A_612 = arith.constant 0 : i32
      %dma_wait3A_613 = arith.constant 0 : i32
      %dma_wait3A_614 = tpu.memref_slice %arg2[%dma_wait3A_612, %dma_wait3A_613] : memref<32768x1024xf32, #tpu.memory_space<hbm>> -> memref<32x1024xf32, #tpu.memory_space<hbm>>
      %dma_wait3A_615 = tpu.memref_slice %arg10[%dma_wait3A_607] : memref<3x!tpu.dma_semaphore, #tpu.memory_space<semaphore_mem>> -> memref<1x!tpu.dma_semaphore, #tpu.memory_space<semaphore_mem>>
      %dma_wait3A_616 = tpu.memref_squeeze %dma_wait3A_615 : memref<1x!tpu.dma_semaphore, #tpu.memory_space<semaphore_mem>> -> memref<!tpu.dma_semaphore, #tpu.memory_space<semaphore_mem>>
      %dma_wait3A_617 = arith.constant 0 : i32
      %dma_wait3A_618 = arith.constant 0 : i32
      %dma_wait3A_619 = tpu.memref_slice %arg6[%dma_wait3A_606, %dma_wait3A_617, %dma_wait3A_618] : memref<3x32x1024xf32, #tpu.memory_space<vmem>> -> memref<1x32x1024xf32, #tpu.memory_space<vmem>>
      %dma_wait3A_620 = tpu.memref_squeeze %dma_wait3A_619 : memref<1x32x1024xf32, #tpu.memory_space<vmem>> -> memref<32x1024xf32, #tpu.memory_space<vmem>>
      %dma_wait3A_621 = arith.constant 0 : i32
      %dma_wait3A_622 = arith.constant 0 : i32
      %dma_wait3A_623 = tpu.memref_slice %arg2[%dma_wait3A_621, %dma_wait3A_622] : memref<32768x1024xf32, #tpu.memory_space<hbm>> -> memref<32x1024xf32, #tpu.memory_space<hbm>>
      tpu.wait_dma2 semaphore(%dma_wait3A_616 : memref<!tpu.dma_semaphore, #tpu.memory_space<semaphore_mem>>) src(%dma_wait3A_623 : memref<32x1024xf32, #tpu.memory_space<hbm>>) dst(%dma_wait3A_620 : memref<32x1024xf32, #tpu.memory_space<vmem>>)
      %broadcast_in_dim3A_624 = arith.constant 0.000000e+00 : f32
      %broadcast_in_dim3A_625 = vector.broadcast %broadcast_in_dim3A_624 : f32 to vector<16xf32>
      %scan3A_626 = arith.constant 0 : i32
      %scan3A_627 = arith.constant 64 : i32
      %scan3A_628 = arith.addi %scan3A_626, %scan3A_627 : i32
      %scan3A_629 = arith.constant 1 : i32
      %scan3A_630:12 = scf.for %scan3A_871 = %scan3A_626 to %scan3A_628 step %scan3A_629 iter_args(%scan3A_872 = %broadcast_in_dim3A_625, %scan3A_873 = %broadcast_in_dim3A_625, %scan3A_874 = %broadcast_in_dim3A_625, %scan3A_875 = %broadcast_in_dim3A_625, %scan3A_876 = %broadcast_in_dim3A_625, %scan3A_877 = %broadcast_in_dim3A_625, %scan3A_878 = %broadcast_in_dim3A_625, %scan3A_879 = %broadcast_in_dim3A_625, %scan3A_880 = %broadcast_in_dim3A_625, %scan3A_881 = %broadcast_in_dim3A_625, %scan3A_882 = %broadcast_in_dim3A_625, %scan3A_883 = %broadcast_in_dim3A_625) -> (vector<16xf32>, vector<16xf32>, vector<16xf32>, vector<16xf32>, vector<16xf32>, vector<16xf32>, vector<16xf32>, vector<16xf32>, vector<16xf32>, vector<16xf32>, vector<16xf32>, vector<16xf32>)  : i32 {
        %mul3A_884 = arith.constant 16 : i32
        %mul3A_885 = arith.muli %scan3A_871, %mul3A_884 : i32
        %get3A = arith.constant 0 : i32
        %get3A_886 = arith.index_cast %get3A : i32 to index
        %get3A_887 = arith.index_cast %mul3A_885 : i32 to index
        %get3A_888 = tpu.vector_load %arg7[%get3A_886, %get3A_887] {strides = array<i32>} : memref<6x1024xf32, #tpu.memory_space<vmem>>, vector<16xf32>,
        %get3A_889 = arith.constant 1 : i32
        %get3A_890 = arith.index_cast %get3A_889 : i32 to index
        %get3A_891 = arith.index_cast %mul3A_885 : i32 to index
        %get3A_892 = tpu.vector_load %arg7[%get3A_890, %get3A_891] {strides = array<i32>} : memref<6x1024xf32, #tpu.memory_space<vmem>>, vector<16xf32>,
        %get3A_893 = arith.constant 2 : i32
        %get3A_894 = arith.index_cast %get3A_893 : i32 to index
        %get3A_895 = arith.index_cast %mul3A_885 : i32 to index
        %get3A_896 = tpu.vector_load %arg7[%get3A_894, %get3A_895] {strides = array<i32>} : memref<6x1024xf32, #tpu.memory_space<vmem>>, vector<16xf32>,
        %get3A_897 = arith.constant 3 : i32
        %get3A_898 = arith.index_cast %get3A_897 : i32 to index
        %get3A_899 = arith.index_cast %mul3A_885 : i32 to index
        %get3A_900 = tpu.vector_load %arg7[%get3A_898, %get3A_899] {strides = array<i32>} : memref<6x1024xf32, #tpu.memory_space<vmem>>, vector<16xf32>,
        %get3A_901 = arith.constant 4 : i32
        %get3A_902 = arith.index_cast %get3A_901 : i32 to index
        %get3A_903 = arith.index_cast %mul3A_885 : i32 to index
        %get3A_904 = tpu.vector_load %arg7[%get3A_902, %get3A_903] {strides = array<i32>} : memref<6x1024xf32, #tpu.memory_space<vmem>>, vector<16xf32>,
        %get3A_905 = arith.constant 5 : i32
        %get3A_906 = arith.index_cast %get3A_905 : i32 to index
        %get3A_907 = arith.index_cast %mul3A_885 : i32 to index
        %get3A_908 = tpu.vector_load %arg7[%get3A_906, %get3A_907] {strides = array<i32>} : memref<6x1024xf32, #tpu.memory_space<vmem>>, vector<16xf32>,
        %get3A_909 = arith.constant 2 : i32
        %get3A_910 = arith.constant 0 : i32
        %get3A_911 = arith.index_cast %get3A_909 : i32 to index
        %get3A_912 = arith.index_cast %get3A_910 : i32 to index
        %get3A_913 = arith.index_cast %mul3A_885 : i32 to index
        %get3A_914 = tpu.vector_load %arg6[%get3A_911, %get3A_912, %get3A_913] {strides = array<i32>} : memref<3x32x1024xf32, #tpu.memory_space<vmem>>, vector<16xf32>,
        %get3A_915 = arith.constant 2 : i32
        %get3A_916 = arith.constant 1 : i32
        %get3A_917 = arith.index_cast %get3A_915 : i32 to index
        %get3A_918 = arith.index_cast %get3A_916 : i32 to index
        %get3A_919 = arith.index_cast %mul3A_885 : i32 to index
        %get3A_920 = tpu.vector_load %arg6[%get3A_917, %get3A_918, %get3A_919] {strides = array<i32>} : memref<3x32x1024xf32, #tpu.memory_space<vmem>>, vector<16xf32>,
        %add3A_921 = arith.addf %get3A_914, %get3A_920 : vector<16xf32>
        %get3A_922 = arith.constant 2 : i32
        %get3A_923 = arith.constant 2 : i32
        %get3A_924 = arith.index_cast %get3A_922 : i32 to index
        %get3A_925 = arith.index_cast %get3A_923 : i32 to index
        %get3A_926 = arith.index_cast %mul3A_885 : i32 to index
        %get3A_927 = tpu.vector_load %arg6[%get3A_924, %get3A_925, %get3A_926] {strides = array<i32>} : memref<3x32x1024xf32, #tpu.memory_space<vmem>>, vector<16xf32>,
        %add3A_928 = arith.addf %add3A_921, %get3A_927 : vector<16xf32>
        %get3A_929 = arith.constant 2 : i32
        %get3A_930 = arith.constant 3 : i32
        %get3A_931 = arith.index_cast %get3A_929 : i32 to index
        %get3A_932 = arith.index_cast %get3A_930 : i32 to index
        %get3A_933 = arith.index_cast %mul3A_885 : i32 to index
        %get3A_934 = tpu.vector_load %arg6[%get3A_931, %get3A_932, %get3A_933] {strides = array<i32>} : memref<3x32x1024xf32, #tpu.memory_space<vmem>>, vector<16xf32>,
        %add3A_935 = arith.addf %add3A_928, %get3A_934 : vector<16xf32>
        %get3A_936 = arith.constant 2 : i32
        %get3A_937 = arith.constant 4 : i32
        %get3A_938 = arith.index_cast %get3A_936 : i32 to index
        %get3A_939 = arith.index_cast %get3A_937 : i32 to index
        %get3A_940 = arith.index_cast %mul3A_885 : i32 to index
        %get3A_941 = tpu.vector_load %arg6[%get3A_938, %get3A_939, %get3A_940] {strides = array<i32>} : memref<3x32x1024xf32, #tpu.memory_space<vmem>>, vector<16xf32>,
        %add3A_942 = arith.addf %add3A_935, %get3A_941 : vector<16xf32>
        %get3A_943 = arith.constant 2 : i32
        %get3A_944 = arith.constant 5 : i32
        %get3A_945 = arith.index_cast %get3A_943 : i32 to index
        %get3A_946 = arith.index_cast %get3A_944 : i32 to index
        %get3A_947 = arith.index_cast %mul3A_885 : i32 to index
        %get3A_948 = tpu.vector_load %arg6[%get3A_945, %get3A_946, %get3A_947] {strides = array<i32>} : memref<3x32x1024xf32, #tpu.memory_space<vmem>>, vector<16xf32>,
        %add3A_949 = arith.addf %add3A_942, %get3A_948 : vector<16xf32>
        %get3A_950 = arith.constant 2 : i32
        %get3A_951 = arith.constant 6 : i32
        %get3A_952 = arith.index_cast %get3A_950 : i32 to index
        %get3A_953 = arith.index_cast %get3A_951 : i32 to index
        %get3A_954 = arith.index_cast %mul3A_885 : i32 to index
        %get3A_955 = tpu.vector_load %arg6[%get3A_952, %get3A_953, %get3A_954] {strides = array<i32>} : memref<3x32x1024xf32, #tpu.memory_space<vmem>>, vector<16xf32>,
        %add3A_956 = arith.addf %add3A_949, %get3A_955 : vector<16xf32>
        %get3A_957 = arith.constant 2 : i32
        %get3A_958 = arith.constant 7 : i32
        %get3A_959 = arith.index_cast %get3A_957 : i32 to index
        %get3A_960 = arith.index_cast %get3A_958 : i32 to index
        %get3A_961 = arith.index_cast %mul3A_885 : i32 to index
        %get3A_962 = tpu.vector_load %arg6[%get3A_959, %get3A_960, %get3A_961] {strides = array<i32>} : memref<3x32x1024xf32, #tpu.memory_space<vmem>>, vector<16xf32>,
        %add3A_963 = arith.addf %add3A_956, %get3A_962 : vector<16xf32>
        %get3A_964 = arith.constant 2 : i32
        %get3A_965 = arith.constant 8 : i32
        %get3A_966 = arith.index_cast %get3A_964 : i32 to index
        %get3A_967 = arith.index_cast %get3A_965 : i32 to index
        %get3A_968 = arith.index_cast %mul3A_885 : i32 to index
        %get3A_969 = tpu.vector_load %arg6[%get3A_966, %get3A_967, %get3A_968] {strides = array<i32>} : memref<3x32x1024xf32, #tpu.memory_space<vmem>>, vector<16xf32>,
        %add3A_970 = arith.addf %add3A_963, %get3A_969 : vector<16xf32>
        %get3A_971 = arith.constant 2 : i32
        %get3A_972 = arith.constant 9 : i32
        %get3A_973 = arith.index_cast %get3A_971 : i32 to index
        %get3A_974 = arith.index_cast %get3A_972 : i32 to index
        %get3A_975 = arith.index_cast %mul3A_885 : i32 to index
        %get3A_976 = tpu.vector_load %arg6[%get3A_973, %get3A_974, %get3A_975] {strides = array<i32>} : memref<3x32x1024xf32, #tpu.memory_space<vmem>>, vector<16xf32>,
        %add3A_977 = arith.addf %add3A_970, %get3A_976 : vector<16xf32>
        %get3A_978 = arith.constant 2 : i32
        %get3A_979 = arith.constant 10 : i32
        %get3A_980 = arith.index_cast %get3A_978 : i32 to index
        %get3A_981 = arith.index_cast %get3A_979 : i32 to index
        %get3A_982 = arith.index_cast %mul3A_885 : i32 to index
        %get3A_983 = tpu.vector_load %arg6[%get3A_980, %get3A_981, %get3A_982] {strides = array<i32>} : memref<3x32x1024xf32, #tpu.memory_space<vmem>>, vector<16xf32>,
        %add3A_984 = arith.addf %add3A_977, %get3A_983 : vector<16xf32>
        %get3A_985 = arith.constant 2 : i32
        %get3A_986 = arith.constant 11 : i32
        %get3A_987 = arith.index_cast %get3A_985 : i32 to index
        %get3A_988 = arith.index_cast %get3A_986 : i32 to index
        %get3A_989 = arith.index_cast %mul3A_885 : i32 to index
        %get3A_990 = tpu.vector_load %arg6[%get3A_987, %get3A_988, %get3A_989] {strides = array<i32>} : memref<3x32x1024xf32, #tpu.memory_space<vmem>>, vector<16xf32>,
        %add3A_991 = arith.addf %add3A_984, %get3A_990 : vector<16xf32>
        %get3A_992 = arith.constant 2 : i32
        %get3A_993 = arith.constant 12 : i32
        %get3A_994 = arith.index_cast %get3A_992 : i32 to index
        %get3A_995 = arith.index_cast %get3A_993 : i32 to index
        %get3A_996 = arith.index_cast %mul3A_885 : i32 to index
        %get3A_997 = tpu.vector_load %arg6[%get3A_994, %get3A_995, %get3A_996] {strides = array<i32>} : memref<3x32x1024xf32, #tpu.memory_space<vmem>>, vector<16xf32>,
        %add3A_998 = arith.addf %add3A_991, %get3A_997 : vector<16xf32>
        %get3A_999 = arith.constant 2 : i32
        %get3A_1000 = arith.constant 13 : i32
        %get3A_1001 = arith.index_cast %get3A_999 : i32 to index
        %get3A_1002 = arith.index_cast %get3A_1000 : i32 to index
        %get3A_1003 = arith.index_cast %mul3A_885 : i32 to index
        %get3A_1004 = tpu.vector_load %arg6[%get3A_1001, %get3A_1002, %get3A_1003] {strides = array<i32>} : memref<3x32x1024xf32, #tpu.memory_space<vmem>>, vector<16xf32>,
        %add3A_1005 = arith.addf %add3A_998, %get3A_1004 : vector<16xf32>
        %get3A_1006 = arith.constant 2 : i32
        %get3A_1007 = arith.constant 14 : i32
        %get3A_1008 = arith.index_cast %get3A_1006 : i32 to index
        %get3A_1009 = arith.index_cast %get3A_1007 : i32 to index
        %get3A_1010 = arith.index_cast %mul3A_885 : i32 to index
        %get3A_1011 = tpu.vector_load %arg6[%get3A_1008, %get3A_1009, %get3A_1010] {strides = array<i32>} : memref<3x32x1024xf32, #tpu.memory_space<vmem>>, vector<16xf32>,
        %add3A_1012 = arith.addf %add3A_1005, %get3A_1011 : vector<16xf32>
        %get3A_1013 = arith.constant 2 : i32
        %get3A_1014 = arith.constant 15 : i32
        %get3A_1015 = arith.index_cast %get3A_1013 : i32 to index
        %get3A_1016 = arith.index_cast %get3A_1014 : i32 to index
        %get3A_1017 = arith.index_cast %mul3A_885 : i32 to index
        %get3A_1018 = tpu.vector_load %arg6[%get3A_1015, %get3A_1016, %get3A_1017] {strides = array<i32>} : memref<3x32x1024xf32, #tpu.memory_space<vmem>>, vector<16xf32>,
        %add3A_1019 = arith.addf %add3A_1012, %get3A_1018 : vector<16xf32>
        %mul3A_1020 = arith.constant 6.250000e-02 : f32
        %mul3A_1021 = vector.broadcast %mul3A_1020 : f32 to vector<16xf32>
        %mul3A_1022 = arith.mulf %add3A_1019, %mul3A_1021 : vector<16xf32>
        %bitcast3A = vector.bitcast %mul3A_1022 : vector<16xf32> to vector<16xi32>
        %add3A_1023 = arith.constant 32767 : i32
        %add3A_1024 = vector.broadcast %add3A_1023 : i32 to vector<16xi32>
        %add3A_1025 = arith.addi %bitcast3A, %add3A_1024 : vector<16xi32>
        %shift_right_logical3A = arith.constant 16 : i32
        %shift_right_logical3A_1026 = vector.broadcast %shift_right_logical3A : i32 to vector<16xi32>
        %shift_right_logical3A_1027 = arith.shrui %bitcast3A, %shift_right_logical3A_1026 : vector<16xi32>
        %and3A = arith.constant 1 : i32
        %and3A_1028 = vector.broadcast %and3A : i32 to vector<16xi32>
        %and3A_1029 = arith.andi %shift_right_logical3A_1027, %and3A_1028 : vector<16xi32>
        %add3A_1030 = arith.addi %add3A_1025, %and3A_1029 : vector<16xi32>
        %and3A_1031 = arith.constant -65536 : i32
        %and3A_1032 = vector.broadcast %and3A_1031 : i32 to vector<16xi32>
        %and3A_1033 = arith.andi %add3A_1030, %and3A_1032 : vector<16xi32>
        %bitcast3A_1034 = vector.bitcast %and3A_1033 : vector<16xi32> to vector<16xf32>
        %mul3A_1035 = arith.mulf %bitcast3A_1034, %get3A_888 : vector<16xf32>
        %add3A_1036 = arith.addf %scan3A_872, %mul3A_1035 : vector<16xf32>
        %mul3A_1037 = arith.mulf %bitcast3A_1034, %get3A_892 : vector<16xf32>
        %add3A_1038 = arith.addf %scan3A_873, %mul3A_1037 : vector<16xf32>
        %mul3A_1039 = arith.mulf %bitcast3A_1034, %get3A_896 : vector<16xf32>
        %add3A_1040 = arith.addf %scan3A_874, %mul3A_1039 : vector<16xf32>
        %mul3A_1041 = arith.mulf %bitcast3A_1034, %get3A_900 : vector<16xf32>
        %add3A_1042 = arith.addf %scan3A_875, %mul3A_1041 : vector<16xf32>
        %mul3A_1043 = arith.mulf %bitcast3A_1034, %get3A_904 : vector<16xf32>
        %add3A_1044 = arith.addf %scan3A_876, %mul3A_1043 : vector<16xf32>
        %mul3A_1045 = arith.mulf %bitcast3A_1034, %get3A_908 : vector<16xf32>
        %add3A_1046 = arith.addf %scan3A_877, %mul3A_1045 : vector<16xf32>
        %get3A_1047 = arith.constant 2 : i32
        %get3A_1048 = arith.constant 16 : i32
        %get3A_1049 = arith.index_cast %get3A_1047 : i32 to index
        %get3A_1050 = arith.index_cast %get3A_1048 : i32 to index
        %get3A_1051 = arith.index_cast %mul3A_885 : i32 to index
        %get3A_1052 = tpu.vector_load %arg6[%get3A_1049, %get3A_1050, %get3A_1051] {strides = array<i32>} : memref<3x32x1024xf32, #tpu.memory_space<vmem>>, vector<16xf32>,
        %get3A_1053 = arith.constant 2 : i32
        %get3A_1054 = arith.constant 17 : i32
        %get3A_1055 = arith.index_cast %get3A_1053 : i32 to index
        %get3A_1056 = arith.index_cast %get3A_1054 : i32 to index
        %get3A_1057 = arith.index_cast %mul3A_885 : i32 to index
        %get3A_1058 = tpu.vector_load %arg6[%get3A_1055, %get3A_1056, %get3A_1057] {strides = array<i32>} : memref<3x32x1024xf32, #tpu.memory_space<vmem>>, vector<16xf32>,
        %add3A_1059 = arith.addf %get3A_1052, %get3A_1058 : vector<16xf32>
        %get3A_1060 = arith.constant 2 : i32
        %get3A_1061 = arith.constant 18 : i32
        %get3A_1062 = arith.index_cast %get3A_1060 : i32 to index
        %get3A_1063 = arith.index_cast %get3A_1061 : i32 to index
        %get3A_1064 = arith.index_cast %mul3A_885 : i32 to index
        %get3A_1065 = tpu.vector_load %arg6[%get3A_1062, %get3A_1063, %get3A_1064] {strides = array<i32>} : memref<3x32x1024xf32, #tpu.memory_space<vmem>>, vector<16xf32>,
        %add3A_1066 = arith.addf %add3A_1059, %get3A_1065 : vector<16xf32>
        %get3A_1067 = arith.constant 2 : i32
        %get3A_1068 = arith.constant 19 : i32
        %get3A_1069 = arith.index_cast %get3A_1067 : i32 to index
        %get3A_1070 = arith.index_cast %get3A_1068 : i32 to index
        %get3A_1071 = arith.index_cast %mul3A_885 : i32 to index
        %get3A_1072 = tpu.vector_load %arg6[%get3A_1069, %get3A_1070, %get3A_1071] {strides = array<i32>} : memref<3x32x1024xf32, #tpu.memory_space<vmem>>, vector<16xf32>,
        %add3A_1073 = arith.addf %add3A_1066, %get3A_1072 : vector<16xf32>
        %get3A_1074 = arith.constant 2 : i32
        %get3A_1075 = arith.constant 20 : i32
        %get3A_1076 = arith.index_cast %get3A_1074 : i32 to index
        %get3A_1077 = arith.index_cast %get3A_1075 : i32 to index
        %get3A_1078 = arith.index_cast %mul3A_885 : i32 to index
        %get3A_1079 = tpu.vector_load %arg6[%get3A_1076, %get3A_1077, %get3A_1078] {strides = array<i32>} : memref<3x32x1024xf32, #tpu.memory_space<vmem>>, vector<16xf32>,
        %add3A_1080 = arith.addf %add3A_1073, %get3A_1079 : vector<16xf32>
        %get3A_1081 = arith.constant 2 : i32
        %get3A_1082 = arith.constant 21 : i32
        %get3A_1083 = arith.index_cast %get3A_1081 : i32 to index
        %get3A_1084 = arith.index_cast %get3A_1082 : i32 to index
        %get3A_1085 = arith.index_cast %mul3A_885 : i32 to index
        %get3A_1086 = tpu.vector_load %arg6[%get3A_1083, %get3A_1084, %get3A_1085] {strides = array<i32>} : memref<3x32x1024xf32, #tpu.memory_space<vmem>>, vector<16xf32>,
        %add3A_1087 = arith.addf %add3A_1080, %get3A_1086 : vector<16xf32>
        %get3A_1088 = arith.constant 2 : i32
        %get3A_1089 = arith.constant 22 : i32
        %get3A_1090 = arith.index_cast %get3A_1088 : i32 to index
        %get3A_1091 = arith.index_cast %get3A_1089 : i32 to index
        %get3A_1092 = arith.index_cast %mul3A_885 : i32 to index
        %get3A_1093 = tpu.vector_load %arg6[%get3A_1090, %get3A_1091, %get3A_1092] {strides = array<i32>} : memref<3x32x1024xf32, #tpu.memory_space<vmem>>, vector<16xf32>,
        %add3A_1094 = arith.addf %add3A_1087, %get3A_1093 : vector<16xf32>
        %get3A_1095 = arith.constant 2 : i32
        %get3A_1096 = arith.constant 23 : i32
        %get3A_1097 = arith.index_cast %get3A_1095 : i32 to index
        %get3A_1098 = arith.index_cast %get3A_1096 : i32 to index
        %get3A_1099 = arith.index_cast %mul3A_885 : i32 to index
        %get3A_1100 = tpu.vector_load %arg6[%get3A_1097, %get3A_1098, %get3A_1099] {strides = array<i32>} : memref<3x32x1024xf32, #tpu.memory_space<vmem>>, vector<16xf32>,
        %add3A_1101 = arith.addf %add3A_1094, %get3A_1100 : vector<16xf32>
        %get3A_1102 = arith.constant 2 : i32
        %get3A_1103 = arith.constant 24 : i32
        %get3A_1104 = arith.index_cast %get3A_1102 : i32 to index
        %get3A_1105 = arith.index_cast %get3A_1103 : i32 to index
        %get3A_1106 = arith.index_cast %mul3A_885 : i32 to index
        %get3A_1107 = tpu.vector_load %arg6[%get3A_1104, %get3A_1105, %get3A_1106] {strides = array<i32>} : memref<3x32x1024xf32, #tpu.memory_space<vmem>>, vector<16xf32>,
        %add3A_1108 = arith.addf %add3A_1101, %get3A_1107 : vector<16xf32>
        %get3A_1109 = arith.constant 2 : i32
        %get3A_1110 = arith.constant 25 : i32
        %get3A_1111 = arith.index_cast %get3A_1109 : i32 to index
        %get3A_1112 = arith.index_cast %get3A_1110 : i32 to index
        %get3A_1113 = arith.index_cast %mul3A_885 : i32 to index
        %get3A_1114 = tpu.vector_load %arg6[%get3A_1111, %get3A_1112, %get3A_1113] {strides = array<i32>} : memref<3x32x1024xf32, #tpu.memory_space<vmem>>, vector<16xf32>,
        %add3A_1115 = arith.addf %add3A_1108, %get3A_1114 : vector<16xf32>
        %get3A_1116 = arith.constant 2 : i32
        %get3A_1117 = arith.constant 26 : i32
        %get3A_1118 = arith.index_cast %get3A_1116 : i32 to index
        %get3A_1119 = arith.index_cast %get3A_1117 : i32 to index
        %get3A_1120 = arith.index_cast %mul3A_885 : i32 to index
        %get3A_1121 = tpu.vector_load %arg6[%get3A_1118, %get3A_1119, %get3A_1120] {strides = array<i32>} : memref<3x32x1024xf32, #tpu.memory_space<vmem>>, vector<16xf32>,
        %add3A_1122 = arith.addf %add3A_1115, %get3A_1121 : vector<16xf32>
        %get3A_1123 = arith.constant 2 : i32
        %get3A_1124 = arith.constant 27 : i32
        %get3A_1125 = arith.index_cast %get3A_1123 : i32 to index
        %get3A_1126 = arith.index_cast %get3A_1124 : i32 to index
        %get3A_1127 = arith.index_cast %mul3A_885 : i32 to index
        %get3A_1128 = tpu.vector_load %arg6[%get3A_1125, %get3A_1126, %get3A_1127] {strides = array<i32>} : memref<3x32x1024xf32, #tpu.memory_space<vmem>>, vector<16xf32>,
        %add3A_1129 = arith.addf %add3A_1122, %get3A_1128 : vector<16xf32>
        %get3A_1130 = arith.constant 2 : i32
        %get3A_1131 = arith.constant 28 : i32
        %get3A_1132 = arith.index_cast %get3A_1130 : i32 to index
        %get3A_1133 = arith.index_cast %get3A_1131 : i32 to index
        %get3A_1134 = arith.index_cast %mul3A_885 : i32 to index
        %get3A_1135 = tpu.vector_load %arg6[%get3A_1132, %get3A_1133, %get3A_1134] {strides = array<i32>} : memref<3x32x1024xf32, #tpu.memory_space<vmem>>, vector<16xf32>,
        %add3A_1136 = arith.addf %add3A_1129, %get3A_1135 : vector<16xf32>
        %get3A_1137 = arith.constant 2 : i32
        %get3A_1138 = arith.constant 29 : i32
        %get3A_1139 = arith.index_cast %get3A_1137 : i32 to index
        %get3A_1140 = arith.index_cast %get3A_1138 : i32 to index
        %get3A_1141 = arith.index_cast %mul3A_885 : i32 to index
        %get3A_1142 = tpu.vector_load %arg6[%get3A_1139, %get3A_1140, %get3A_1141] {strides = array<i32>} : memref<3x32x1024xf32, #tpu.memory_space<vmem>>, vector<16xf32>,
        %add3A_1143 = arith.addf %add3A_1136, %get3A_1142 : vector<16xf32>
        %get3A_1144 = arith.constant 2 : i32
        %get3A_1145 = arith.constant 30 : i32
        %get3A_1146 = arith.index_cast %get3A_1144 : i32 to index
        %get3A_1147 = arith.index_cast %get3A_1145 : i32 to index
        %get3A_1148 = arith.index_cast %mul3A_885 : i32 to index
        %get3A_1149 = tpu.vector_load %arg6[%get3A_1146, %get3A_1147, %get3A_1148] {strides = array<i32>} : memref<3x32x1024xf32, #tpu.memory_space<vmem>>, vector<16xf32>,
        %add3A_1150 = arith.addf %add3A_1143, %get3A_1149 : vector<16xf32>
        %get3A_1151 = arith.constant 2 : i32
        %get3A_1152 = arith.constant 31 : i32
        %get3A_1153 = arith.index_cast %get3A_1151 : i32 to index
        %get3A_1154 = arith.index_cast %get3A_1152 : i32 to index
        %get3A_1155 = arith.index_cast %mul3A_885 : i32 to index
        %get3A_1156 = tpu.vector_load %arg6[%get3A_1153, %get3A_1154, %get3A_1155] {strides = array<i32>} : memref<3x32x1024xf32, #tpu.memory_space<vmem>>, vector<16xf32>,
        %add3A_1157 = arith.addf %add3A_1150, %get3A_1156 : vector<16xf32>
        %mul3A_1158 = arith.constant 6.250000e-02 : f32
        %mul3A_1159 = vector.broadcast %mul3A_1158 : f32 to vector<16xf32>
        %mul3A_1160 = arith.mulf %add3A_1157, %mul3A_1159 : vector<16xf32>
        %bitcast3A_1161 = vector.bitcast %mul3A_1160 : vector<16xf32> to vector<16xi32>
        %add3A_1162 = arith.constant 32767 : i32
        %add3A_1163 = vector.broadcast %add3A_1162 : i32 to vector<16xi32>
        %add3A_1164 = arith.addi %bitcast3A_1161, %add3A_1163 : vector<16xi32>
        %shift_right_logical3A_1165 = arith.constant 16 : i32
        %shift_right_logical3A_1166 = vector.broadcast %shift_right_logical3A_1165 : i32 to vector<16xi32>
        %shift_right_logical3A_1167 = arith.shrui %bitcast3A_1161, %shift_right_logical3A_1166 : vector<16xi32>
        %and3A_1168 = arith.constant 1 : i32
        %and3A_1169 = vector.broadcast %and3A_1168 : i32 to vector<16xi32>
        %and3A_1170 = arith.andi %shift_right_logical3A_1167, %and3A_1169 : vector<16xi32>
        %add3A_1171 = arith.addi %add3A_1164, %and3A_1170 : vector<16xi32>
        %and3A_1172 = arith.constant -65536 : i32
        %and3A_1173 = vector.broadcast %and3A_1172 : i32 to vector<16xi32>
        %and3A_1174 = arith.andi %add3A_1171, %and3A_1173 : vector<16xi32>
        %bitcast3A_1175 = vector.bitcast %and3A_1174 : vector<16xi32> to vector<16xf32>
        %mul3A_1176 = arith.mulf %bitcast3A_1175, %get3A_888 : vector<16xf32>
        %add3A_1177 = arith.addf %scan3A_878, %mul3A_1176 : vector<16xf32>
        %mul3A_1178 = arith.mulf %bitcast3A_1175, %get3A_892 : vector<16xf32>
        %add3A_1179 = arith.addf %scan3A_879, %mul3A_1178 : vector<16xf32>
        %mul3A_1180 = arith.mulf %bitcast3A_1175, %get3A_896 : vector<16xf32>
        %add3A_1181 = arith.addf %scan3A_880, %mul3A_1180 : vector<16xf32>
        %mul3A_1182 = arith.mulf %bitcast3A_1175, %get3A_900 : vector<16xf32>
        %add3A_1183 = arith.addf %scan3A_881, %mul3A_1182 : vector<16xf32>
        %mul3A_1184 = arith.mulf %bitcast3A_1175, %get3A_904 : vector<16xf32>
        %add3A_1185 = arith.addf %scan3A_882, %mul3A_1184 : vector<16xf32>
        %mul3A_1186 = arith.mulf %bitcast3A_1175, %get3A_908 : vector<16xf32>
        %add3A_1187 = arith.addf %scan3A_883, %mul3A_1186 : vector<16xf32>
        scf.yield %add3A_1036, %add3A_1038, %add3A_1040, %add3A_1042, %add3A_1044, %add3A_1046, %add3A_1177, %add3A_1179, %add3A_1181, %add3A_1183, %add3A_1185, %add3A_1187 : vector<16xf32>, vector<16xf32>, vector<16xf32>, vector<16xf32>, vector<16xf32>, vector<16xf32>, vector<16xf32>, vector<16xf32>, vector<16xf32>, vector<16xf32>, vector<16xf32>, vector<16xf32>
      }
      %scan3A_631 = arith.constant 64 : i32
      %reduce_sum3A_632 = arith.constant true
      %reduce_sum3A_633 = vector.broadcast %reduce_sum3A_632 : i1 to vector<16xi1>
      %reduce_sum3A_634 = tpu.scan <sum>, %scan3A_630#0 masked %reduce_sum3A_633 : vector<16xf32>, vector<16xi1> -> vector<16xf32>
      %reduce_sum3A_635 = vector.extract %reduce_sum3A_634[15] : f32 from vector<16xf32>
      %reduce_sum3A_636 = arith.constant true
      %reduce_sum3A_637 = vector.broadcast %reduce_sum3A_636 : i1 to vector<16xi1>
      %reduce_sum3A_638 = tpu.scan <sum>, %scan3A_630#1 masked %reduce_sum3A_637 : vector<16xf32>, vector<16xi1> -> vector<16xf32>
      %reduce_sum3A_639 = vector.extract %reduce_sum3A_638[15] : f32 from vector<16xf32>
      %reduce_sum3A_640 = arith.constant true
      %reduce_sum3A_641 = vector.broadcast %reduce_sum3A_640 : i1 to vector<16xi1>
      %reduce_sum3A_642 = tpu.scan <sum>, %scan3A_630#2 masked %reduce_sum3A_641 : vector<16xf32>, vector<16xi1> -> vector<16xf32>
      %reduce_sum3A_643 = vector.extract %reduce_sum3A_642[15] : f32 from vector<16xf32>
      %reduce_sum3A_644 = arith.constant true
      %reduce_sum3A_645 = vector.broadcast %reduce_sum3A_644 : i1 to vector<16xi1>
      %reduce_sum3A_646 = tpu.scan <sum>, %scan3A_630#3 masked %reduce_sum3A_645 : vector<16xf32>, vector<16xi1> -> vector<16xf32>
      %reduce_sum3A_647 = vector.extract %reduce_sum3A_646[15] : f32 from vector<16xf32>
      %reduce_sum3A_648 = arith.constant true
      %reduce_sum3A_649 = vector.broadcast %reduce_sum3A_648 : i1 to vector<16xi1>
      %reduce_sum3A_650 = tpu.scan <sum>, %scan3A_630#4 masked %reduce_sum3A_649 : vector<16xf32>, vector<16xi1> -> vector<16xf32>
      %reduce_sum3A_651 = vector.extract %reduce_sum3A_650[15] : f32 from vector<16xf32>
      %reduce_sum3A_652 = arith.constant true
      %reduce_sum3A_653 = vector.broadcast %reduce_sum3A_652 : i1 to vector<16xi1>
      %reduce_sum3A_654 = tpu.scan <sum>, %scan3A_630#5 masked %reduce_sum3A_653 : vector<16xf32>, vector<16xi1> -> vector<16xf32>
      %reduce_sum3A_655 = vector.extract %reduce_sum3A_654[15] : f32 from vector<16xf32>
      %gt3A_656 = arith.constant 0.000000e+00 : f32
      %gt3A_657 = arith.cmpf ogt, %reduce_sum3A_635, %gt3A_656 : f32
      %jit3A_658 = arith.constant 1 : i32
      %jit3A_659 = arith.constant 0 : i32
      %select_n3A_660 = arith.select %gt3A_657, %jit3A_658, %jit3A_659 : i32
      %add3A_661 = arith.constant 0 : i32
      %add3A_662 = arith.addi %add3A_661, %select_n3A_660 : i32
      %gt3A_663 = arith.constant 0.000000e+00 : f32
      %gt3A_664 = arith.cmpf ogt, %reduce_sum3A_639, %gt3A_663 : f32
      %jit3A_665 = arith.constant 2 : i32
      %jit3A_666 = arith.constant 0 : i32
      %select_n3A_667 = arith.select %gt3A_664, %jit3A_665, %jit3A_666 : i32
      %add3A_668 = arith.addi %add3A_662, %select_n3A_667 : i32
      %gt3A_669 = arith.constant 0.000000e+00 : f32
      %gt3A_670 = arith.cmpf ogt, %reduce_sum3A_643, %gt3A_669 : f32
      %jit3A_671 = arith.constant 4 : i32
      %jit3A_672 = arith.constant 0 : i32
      %select_n3A_673 = arith.select %gt3A_670, %jit3A_671, %jit3A_672 : i32
      %add3A_674 = arith.addi %add3A_668, %select_n3A_673 : i32
      %gt3A_675 = arith.constant 0.000000e+00 : f32
      %gt3A_676 = arith.cmpf ogt, %reduce_sum3A_647, %gt3A_675 : f32
      %jit3A_677 = arith.constant 8 : i32
      %jit3A_678 = arith.constant 0 : i32
      %select_n3A_679 = arith.select %gt3A_676, %jit3A_677, %jit3A_678 : i32
      %add3A_680 = arith.addi %add3A_674, %select_n3A_679 : i32
      %gt3A_681 = arith.constant 0.000000e+00 : f32
      %gt3A_682 = arith.cmpf ogt, %reduce_sum3A_651, %gt3A_681 : f32
      %jit3A_683 = arith.constant 16 : i32
      %jit3A_684 = arith.constant 0 : i32
      %select_n3A_685 = arith.select %gt3A_682, %jit3A_683, %jit3A_684 : i32
      %add3A_686 = arith.addi %add3A_680, %select_n3A_685 : i32
      %gt3A_687 = arith.constant 0.000000e+00 : f32
      %gt3A_688 = arith.cmpf ogt, %reduce_sum3A_655, %gt3A_687 : f32
      %jit3A_689 = arith.constant 32 : i32
      %jit3A_690 = arith.constant 0 : i32
      %select_n3A_691 = arith.select %gt3A_688, %jit3A_689, %jit3A_690 : i32
      %add3A_692 = arith.addi %add3A_686, %select_n3A_691 : i32
      %abs3A_693 = math.absf %reduce_sum3A_635 : f32
      %abs3A_694 = math.absf %reduce_sum3A_639 : f32
      %abs3A_695 = math.absf %reduce_sum3A_643 : f32
      %abs3A_696 = math.absf %reduce_sum3A_647 : f32
      %abs3A_697 = math.absf %reduce_sum3A_651 : f32
      %abs3A_698 = math.absf %reduce_sum3A_655 : f32
      %lt3A_699 = arith.cmpf olt, %abs3A_694, %abs3A_693 : f32
      %select_n3A_700 = arith.select %lt3A_699, %abs3A_694, %abs3A_693 : f32
      %jit3A_701 = arith.constant 2 : i32
      %jit3A_702 = arith.constant 1 : i32
      %select_n3A_703 = arith.select %lt3A_699, %jit3A_701, %jit3A_702 : i32
      %lt3A_704 = arith.cmpf olt, %abs3A_695, %select_n3A_700 : f32
      %select_n3A_705 = arith.select %lt3A_704, %abs3A_695, %select_n3A_700 : f32
      %jit3A_706 = arith.constant 4 : i32
      %select_n3A_707 = arith.select %lt3A_704, %jit3A_706, %select_n3A_703 : i32
      %lt3A_708 = arith.cmpf olt, %abs3A_696, %select_n3A_705 : f32
      %select_n3A_709 = arith.select %lt3A_708, %abs3A_696, %select_n3A_705 : f32
      %jit3A_710 = arith.constant 8 : i32
      %select_n3A_711 = arith.select %lt3A_708, %jit3A_710, %select_n3A_707 : i32
      %lt3A_712 = arith.cmpf olt, %abs3A_697, %select_n3A_709 : f32
      %select_n3A_713 = arith.select %lt3A_712, %abs3A_697, %select_n3A_709 : f32
      %jit3A_714 = arith.constant 16 : i32
      %select_n3A_715 = arith.select %lt3A_712, %jit3A_714, %select_n3A_711 : i32
      %lt3A_716 = arith.cmpf olt, %abs3A_698, %select_n3A_713 : f32
      %select_n3A_717 = arith.select %lt3A_716, %abs3A_698, %select_n3A_713 : f32
      %jit3A_718 = arith.constant 32 : i32
      %select_n3A_719 = arith.select %lt3A_716, %jit3A_718, %select_n3A_715 : i32
      %xor3A_720 = arith.xori %add3A_692, %select_n3A_719 : i32
      %add3A_721 = arith.addf %abs3A_693, %abs3A_694 : f32
      %add3A_722 = arith.addf %add3A_721, %abs3A_695 : f32
      %add3A_723 = arith.addf %add3A_722, %abs3A_696 : f32
      %add3A_724 = arith.addf %add3A_723, %abs3A_697 : f32
      %add3A_725 = arith.addf %add3A_724, %abs3A_698 : f32
      %mul3A_726 = arith.constant 0.166666672 : f32
      %mul3A_727 = arith.mulf %add3A_725, %mul3A_726 : f32
      %mul3A_728 = arith.constant 2 : i32
      %mul3A_729 = arith.muli %add3A_605, %mul3A_728 : i32
      %add3A_730 = arith.constant 0 : i32
      %add3A_731 = arith.addi %mul3A_729, %add3A_730 : i32
      %eq3A_732 = arith.constant 0 : i32
      %eq3A_733 = vector.broadcast %eq3A_732 : i32 to vector<16xi32>
      %eq3A_734 = arith.cmpi eq, %iota3A, %eq3A_733 : vector<16xi32>
      %broadcast_in_dim3A_735 = vector.broadcast %add3A_692 : i32 to vector<16xi32>
      %broadcast_in_dim3A_736 = vector.broadcast %xor3A_720 : i32 to vector<16xi32>
      %select_n3A_737 = arith.select %eq3A_734, %broadcast_in_dim3A_735, %broadcast_in_dim3A_736 : vector<16xi1>, vector<16xi32>
      %mul3A_738 = arith.constant 2 : i32
      %mul3A_739 = arith.muli %mul3A_738, %add3A_731 : i32
      %add3A_740 = vector.broadcast %mul3A_739 : i32 to vector<16xi32>
      %add3A_741 = arith.addi %add3A_740, %iota3A : vector<16xi32>
      tpu.vector_store_idx %arg8[%add3A_741], %select_n3A_737 masked %lt3A_4 : memref<48xi32, #tpu.memory_space<vmem>>[vector<16xi32>], vector<16xi32>, vector<16xi1>
      %mul3A_742 = arith.constant 0 : i32
      %mul3A_743 = vector.broadcast %mul3A_742 : i32 to vector<16xi32>
      %mul3A_744 = arith.muli %iota3A, %mul3A_743 : vector<16xi32>
      %add3A_745 = vector.broadcast %add3A_731 : i32 to vector<16xi32>
      %add3A_746 = arith.addi %add3A_745, %mul3A_744 : vector<16xi32>
      %broadcast_in_dim3A_747 = vector.broadcast %mul3A_727 : f32 to vector<16xf32>
      tpu.vector_store_idx %arg9[%add3A_746], %broadcast_in_dim3A_747 masked %lt3A_7 : memref<24xf32, #tpu.memory_space<vmem>>[vector<16xi32>], vector<16xf32>, vector<16xi1>
      %reduce_sum3A_748 = arith.constant true
      %reduce_sum3A_749 = vector.broadcast %reduce_sum3A_748 : i1 to vector<16xi1>
      %reduce_sum3A_750 = tpu.scan <sum>, %scan3A_630#6 masked %reduce_sum3A_749 : vector<16xf32>, vector<16xi1> -> vector<16xf32>
      %reduce_sum3A_751 = vector.extract %reduce_sum3A_750[15] : f32 from vector<16xf32>
      %reduce_sum3A_752 = arith.constant true
      %reduce_sum3A_753 = vector.broadcast %reduce_sum3A_752 : i1 to vector<16xi1>
      %reduce_sum3A_754 = tpu.scan <sum>, %scan3A_630#7 masked %reduce_sum3A_753 : vector<16xf32>, vector<16xi1> -> vector<16xf32>
      %reduce_sum3A_755 = vector.extract %reduce_sum3A_754[15] : f32 from vector<16xf32>
      %reduce_sum3A_756 = arith.constant true
      %reduce_sum3A_757 = vector.broadcast %reduce_sum3A_756 : i1 to vector<16xi1>
      %reduce_sum3A_758 = tpu.scan <sum>, %scan3A_630#8 masked %reduce_sum3A_757 : vector<16xf32>, vector<16xi1> -> vector<16xf32>
      %reduce_sum3A_759 = vector.extract %reduce_sum3A_758[15] : f32 from vector<16xf32>
      %reduce_sum3A_760 = arith.constant true
      %reduce_sum3A_761 = vector.broadcast %reduce_sum3A_760 : i1 to vector<16xi1>
      %reduce_sum3A_762 = tpu.scan <sum>, %scan3A_630#9 masked %reduce_sum3A_761 : vector<16xf32>, vector<16xi1> -> vector<16xf32>
      %reduce_sum3A_763 = vector.extract %reduce_sum3A_762[15] : f32 from vector<16xf32>
      %reduce_sum3A_764 = arith.constant true
      %reduce_sum3A_765 = vector.broadcast %reduce_sum3A_764 : i1 to vector<16xi1>
      %reduce_sum3A_766 = tpu.scan <sum>, %scan3A_630#10 masked %reduce_sum3A_765 : vector<16xf32>, vector<16xi1> -> vector<16xf32>
      %reduce_sum3A_767 = vector.extract %reduce_sum3A_766[15] : f32 from vector<16xf32>
      %reduce_sum3A_768 = arith.constant true
      %reduce_sum3A_769 = vector.broadcast %reduce_sum3A_768 : i1 to vector<16xi1>
      %reduce_sum3A_770 = tpu.scan <sum>, %scan3A_630#11 masked %reduce_sum3A_769 : vector<16xf32>, vector<16xi1> -> vector<16xf32>
      %reduce_sum3A_771 = vector.extract %reduce_sum3A_770[15] : f32 from vector<16xf32>
      %gt3A_772 = arith.constant 0.000000e+00 : f32
      %gt3A_773 = arith.cmpf ogt, %reduce_sum3A_751, %gt3A_772 : f32
      %jit3A_774 = arith.constant 1 : i32
      %jit3A_775 = arith.constant 0 : i32
      %select_n3A_776 = arith.select %gt3A_773, %jit3A_774, %jit3A_775 : i32
      %add3A_777 = arith.constant 0 : i32
      %add3A_778 = arith.addi %add3A_777, %select_n3A_776 : i32
      %gt3A_779 = arith.constant 0.000000e+00 : f32
      %gt3A_780 = arith.cmpf ogt, %reduce_sum3A_755, %gt3A_779 : f32
      %jit3A_781 = arith.constant 2 : i32
      %jit3A_782 = arith.constant 0 : i32
      %select_n3A_783 = arith.select %gt3A_780, %jit3A_781, %jit3A_782 : i32
      %add3A_784 = arith.addi %add3A_778, %select_n3A_783 : i32
      %gt3A_785 = arith.constant 0.000000e+00 : f32
      %gt3A_786 = arith.cmpf ogt, %reduce_sum3A_759, %gt3A_785 : f32
      %jit3A_787 = arith.constant 4 : i32
      %jit3A_788 = arith.constant 0 : i32
      %select_n3A_789 = arith.select %gt3A_786, %jit3A_787, %jit3A_788 : i32
      %add3A_790 = arith.addi %add3A_784, %select_n3A_789 : i32
      %gt3A_791 = arith.constant 0.000000e+00 : f32
      %gt3A_792 = arith.cmpf ogt, %reduce_sum3A_763, %gt3A_791 : f32
      %jit3A_793 = arith.constant 8 : i32
      %jit3A_794 = arith.constant 0 : i32
      %select_n3A_795 = arith.select %gt3A_792, %jit3A_793, %jit3A_794 : i32
      %add3A_796 = arith.addi %add3A_790, %select_n3A_795 : i32
      %gt3A_797 = arith.constant 0.000000e+00 : f32
      %gt3A_798 = arith.cmpf ogt, %reduce_sum3A_767, %gt3A_797 : f32
      %jit3A_799 = arith.constant 16 : i32
      %jit3A_800 = arith.constant 0 : i32
      %select_n3A_801 = arith.select %gt3A_798, %jit3A_799, %jit3A_800 : i32
      %add3A_802 = arith.addi %add3A_796, %select_n3A_801 : i32
      %gt3A_803 = arith.constant 0.000000e+00 : f32
      %gt3A_804 = arith.cmpf ogt, %reduce_sum3A_771, %gt3A_803 : f32
      %jit3A_805 = arith.constant 32 : i32
      %jit3A_806 = arith.constant 0 : i32
      %select_n3A_807 = arith.select %gt3A_804, %jit3A_805, %jit3A_806 : i32
      %add3A_808 = arith.addi %add3A_802, %select_n3A_807 : i32
      %abs3A_809 = math.absf %reduce_sum3A_751 : f32
      %abs3A_810 = math.absf %reduce_sum3A_755 : f32
      %abs3A_811 = math.absf %reduce_sum3A_759 : f32
      %abs3A_812 = math.absf %reduce_sum3A_763 : f32
      %abs3A_813 = math.absf %reduce_sum3A_767 : f32
      %abs3A_814 = math.absf %reduce_sum3A_771 : f32
      %lt3A_815 = arith.cmpf olt, %abs3A_810, %abs3A_809 : f32
      %select_n3A_816 = arith.select %lt3A_815, %abs3A_810, %abs3A_809 : f32
      %jit3A_817 = arith.constant 2 : i32
      %jit3A_818 = arith.constant 1 : i32
      %select_n3A_819 = arith.select %lt3A_815, %jit3A_817, %jit3A_818 : i32
      %lt3A_820 = arith.cmpf olt, %abs3A_811, %select_n3A_816 : f32
      %select_n3A_821 = arith.select %lt3A_820, %abs3A_811, %select_n3A_816 : f32
      %jit3A_822 = arith.constant 4 : i32
      %select_n3A_823 = arith.select %lt3A_820, %jit3A_822, %select_n3A_819 : i32
      %lt3A_824 = arith.cmpf olt, %abs3A_812, %select_n3A_821 : f32
      %select_n3A_825 = arith.select %lt3A_824, %abs3A_812, %select_n3A_821 : f32
      %jit3A_826 = arith.constant 8 : i32
      %select_n3A_827 = arith.select %lt3A_824, %jit3A_826, %select_n3A_823 : i32
      %lt3A_828 = arith.cmpf olt, %abs3A_813, %select_n3A_825 : f32
      %select_n3A_829 = arith.select %lt3A_828, %abs3A_813, %select_n3A_825 : f32
      %jit3A_830 = arith.constant 16 : i32
      %select_n3A_831 = arith.select %lt3A_828, %jit3A_830, %select_n3A_827 : i32
      %lt3A_832 = arith.cmpf olt, %abs3A_814, %select_n3A_829 : f32
      %select_n3A_833 = arith.select %lt3A_832, %abs3A_814, %select_n3A_829 : f32
      %jit3A_834 = arith.constant 32 : i32
      %select_n3A_835 = arith.select %lt3A_832, %jit3A_834, %select_n3A_831 : i32
      %xor3A_836 = arith.xori %add3A_808, %select_n3A_835 : i32
      %add3A_837 = arith.addf %abs3A_809, %abs3A_810 : f32
      %add3A_838 = arith.addf %add3A_837, %abs3A_811 : f32
      %add3A_839 = arith.addf %add3A_838, %abs3A_812 : f32
      %add3A_840 = arith.addf %add3A_839, %abs3A_813 : f32
      %add3A_841 = arith.addf %add3A_840, %abs3A_814 : f32
      %mul3A_842 = arith.constant 0.166666672 : f32
      %mul3A_843 = arith.mulf %add3A_841, %mul3A_842 : f32
      %mul3A_844 = arith.constant 2 : i32
      %mul3A_845 = arith.muli %add3A_605, %mul3A_844 : i32
      %add3A_846 = arith.constant 1 : i32
      %add3A_847 = arith.addi %mul3A_845, %add3A_846 : i32
      %eq3A_848 = arith.constant 0 : i32
      %eq3A_849 = vector.broadcast %eq3A_848 : i32 to vector<16xi32>
      %eq3A_850 = arith.cmpi eq, %iota3A, %eq3A_849 : vector<16xi32>
      %broadcast_in_dim3A_851 = vector.broadcast %add3A_808 : i32 to vector<16xi32>
      %broadcast_in_dim3A_852 = vector.broadcast %xor3A_836 : i32 to vector<16xi32>
      %select_n3A_853 = arith.select %eq3A_850, %broadcast_in_dim3A_851, %broadcast_in_dim3A_852 : vector<16xi1>, vector<16xi32>
      %mul3A_854 = arith.constant 2 : i32
      %mul3A_855 = arith.muli %mul3A_854, %add3A_847 : i32
      %add3A_856 = vector.broadcast %mul3A_855 : i32 to vector<16xi32>
      %add3A_857 = arith.addi %add3A_856, %iota3A : vector<16xi32>
      tpu.vector_store_idx %arg8[%add3A_857], %select_n3A_853 masked %lt3A_4 : memref<48xi32, #tpu.memory_space<vmem>>[vector<16xi32>], vector<16xi32>, vector<16xi1>
      %mul3A_858 = arith.constant 0 : i32
      %mul3A_859 = vector.broadcast %mul3A_858 : i32 to vector<16xi32>
      %mul3A_860 = arith.muli %iota3A, %mul3A_859 : vector<16xi32>
      %add3A_861 = vector.broadcast %add3A_847 : i32 to vector<16xi32>
      %add3A_862 = arith.addi %add3A_861, %mul3A_860 : vector<16xi32>
      %broadcast_in_dim3A_863 = vector.broadcast %mul3A_843 : f32 to vector<16xf32>
      tpu.vector_store_idx %arg9[%add3A_862], %broadcast_in_dim3A_863 masked %lt3A_7 : memref<24xf32, #tpu.memory_space<vmem>>[vector<16xi32>], vector<16xf32>, vector<16xi1>
      %add3A_864 = arith.constant 3 : i32
      %add3A_865 = arith.addi %add3A_605, %add3A_864 : i32
      %lt3A_866 = arith.constant 12 : i32
      %lt3A_867 = arith.cmpi slt, %add3A_865, %lt3A_866 : i32
      %convert_element_type3A_868 = arith.extui %lt3A_867 : i1 to i32
      %cond3A_869 = arith.constant 0 : i32
      %cond3A_870 = arith.cmpi ne, %convert_element_type3A_868, %cond3A_869 : i32
      scf.if %cond3A_870 {
        %mul3A_871 = arith.constant 2 : i32
        %mul3A_872 = arith.muli %add3A_865, %mul3A_871 : i32
        %add3A_873 = arith.addi %mul3A_2, %mul3A_872 : i32
        %mul3A_874 = arith.constant 16 : i32
        %mul3A_875 = arith.muli %add3A_873, %mul3A_874 : i32
        %dma_start3A_876 = arith.constant 2 : i32
        %dma_start3A_877 = arith.constant 2 : i32
        %dma_start3A_878 = arith.constant 0 : i32
        %dma_start3A_879 = arith.constant 0 : i32
        %dma_start3A_880 = tpu.memref_slice %arg6[%dma_start3A_876, %dma_start3A_878, %dma_start3A_879] : memref<3x32x1024xf32, #tpu.memory_space<vmem>> -> memref<1x32x1024xf32, #tpu.memory_space<vmem>>
        %dma_start3A_881 = tpu.memref_squeeze %dma_start3A_880 : memref<1x32x1024xf32, #tpu.memory_space<vmem>> -> memref<32x1024xf32, #tpu.memory_space<vmem>>
        %dma_start3A_882 = arith.constant 0 : i32
        %dma_start3A_883 = tpu.memref_slice %arg2[%mul3A_875, %dma_start3A_882] : memref<32768x1024xf32, #tpu.memory_space<hbm>> -> memref<32x1024xf32, #tpu.memory_space<hbm>>
        %dma_start3A_884 = tpu.memref_slice %arg10[%dma_start3A_877] : memref<3x!tpu.dma_semaphore, #tpu.memory_space<semaphore_mem>> -> memref<1x!tpu.dma_semaphore, #tpu.memory_space<semaphore_mem>>
        %dma_start3A_885 = tpu.memref_squeeze %dma_start3A_884 : memref<1x!tpu.dma_semaphore, #tpu.memory_space<semaphore_mem>> -> memref<!tpu.dma_semaphore, #tpu.memory_space<semaphore_mem>>
        %dma_start3A_886 = arith.constant 0 : i32
        %dma_start3A_887 = arith.constant 0 : i32
        %dma_start3A_888 = tpu.memref_slice %arg6[%dma_start3A_876, %dma_start3A_886, %dma_start3A_887] : memref<3x32x1024xf32, #tpu.memory_space<vmem>> -> memref<1x32x1024xf32, #tpu.memory_space<vmem>>
        %dma_start3A_889 = tpu.memref_squeeze %dma_start3A_888 : memref<1x32x1024xf32, #tpu.memory_space<vmem>> -> memref<32x1024xf32, #tpu.memory_space<vmem>>
        %dma_start3A_890 = arith.constant 0 : i32
        %dma_start3A_891 = tpu.memref_slice %arg2[%mul3A_875, %dma_start3A_890] : memref<32768x1024xf32, #tpu.memory_space<hbm>> -> memref<32x1024xf32, #tpu.memory_space<hbm>>
        tpu.enqueue_dma source(%dma_start3A_891 : memref<32x1024xf32, #tpu.memory_space<hbm>>) target(%dma_start3A_889 : memref<32x1024xf32, #tpu.memory_space<vmem>>) target_semaphore(%dma_start3A_885 : memref<!tpu.dma_semaphore, #tpu.memory_space<semaphore_mem>>)
      } else {
      }
    }
    %scan3A_71 = arith.constant 4 : i32
    %mul3A_72 = arith.constant 2 : i32
    %mul3A_73 = arith.muli %mul3A_2, %mul3A_72 : i32
    "tpu.region"() ({
      %run_scoped3A = tpu.sem_alloc : memref<!tpu.dma_semaphore, #tpu.memory_space<semaphore_mem>>
      %dma_start3A_74 = tpu.memref_slice %arg4[%mul3A_73] : memref<1536xi32, #tpu.memory_space<hbm>> -> memref<48xi32, #tpu.memory_space<hbm>>
      %dma_start3A_75 = tpu.memref_slice %arg4[%mul3A_73] : memref<1536xi32, #tpu.memory_space<hbm>> -> memref<48xi32, #tpu.memory_space<hbm>>
      tpu.enqueue_dma source(%arg8 : memref<48xi32, #tpu.memory_space<vmem>>) target(%dma_start3A_75 : memref<48xi32, #tpu.memory_space<hbm>>) target_semaphore(%run_scoped3A : memref<!tpu.dma_semaphore, #tpu.memory_space<semaphore_mem>>)
      %dma_wait3A = tpu.memref_slice %arg4[%mul3A_73] : memref<1536xi32, #tpu.memory_space<hbm>> -> memref<48xi32, #tpu.memory_space<hbm>>
      %dma_wait3A_76 = tpu.memref_slice %arg4[%mul3A_73] : memref<1536xi32, #tpu.memory_space<hbm>> -> memref<48xi32, #tpu.memory_space<hbm>>
      tpu.wait_dma2 semaphore(%run_scoped3A : memref<!tpu.dma_semaphore, #tpu.memory_space<semaphore_mem>>) src(%arg8 : memref<48xi32, #tpu.memory_space<vmem>>) dst(%dma_wait3A_76 : memref<48xi32, #tpu.memory_space<hbm>>)
      tpu.yield
    }) : () -> ()
    "tpu.region"() ({
      %run_scoped3A = tpu.sem_alloc : memref<!tpu.dma_semaphore, #tpu.memory_space<semaphore_mem>>
      %dma_start3A_74 = tpu.memref_slice %arg5[%mul3A_2] : memref<768xf32, #tpu.memory_space<hbm>> -> memref<24xf32, #tpu.memory_space<hbm>>
      %dma_start3A_75 = tpu.memref_slice %arg5[%mul3A_2] : memref<768xf32, #tpu.memory_space<hbm>> -> memref<24xf32, #tpu.memory_space<hbm>>
      tpu.enqueue_dma source(%arg9 : memref<24xf32, #tpu.memory_space<vmem>>) target(%dma_start3A_75 : memref<24xf32, #tpu.memory_space<hbm>>) target_semaphore(%run_scoped3A : memref<!tpu.dma_semaphore, #tpu.memory_space<semaphore_mem>>)
      %dma_wait3A = tpu.memref_slice %arg5[%mul3A_2] : memref<768xf32, #tpu.memory_space<hbm>> -> memref<24xf32, #tpu.memory_space<hbm>>
      %dma_wait3A_76 = tpu.memref_slice %arg5[%mul3A_2] : memref<768xf32, #tpu.memory_space<hbm>> -> memref<24xf32, #tpu.memory_space<hbm>>
      tpu.wait_dma2 semaphore(%run_scoped3A : memref<!tpu.dma_semaphore, #tpu.memory_space<semaphore_mem>>) src(%arg9 : memref<24xf32, #tpu.memory_space<vmem>>) dst(%dma_wait3A_76 : memref<24xf32, #tpu.memory_space<hbm>>)
      tpu.yield
    }) : () -> ()
    return
  }
}

module attributes {stable_mosaic.version = 14 : i64} {
  func.func @_tc_body(%arg0: i32, %arg1: memref<2048x1024xf32, #tpu.memory_space<vmem>>, %arg2: memref<1024x128xf32, #tpu.memory_space<vmem>>, %arg3: memref<1x1x128xi32, #tpu.memory_space<vmem>>, %arg4: memref<1x1x128xi32, #tpu.memory_space<vmem>>, %arg5: memref<1x1x128xf32, #tpu.memory_space<vmem>>) attributes {dimension_semantics = [#tpu.dimension_semantics<arbitrary>], iteration_bounds = array<i64: 10>, scalar_prefetch = 0 : i64, scratch_operands = 0 : i64, tpu.core_type = #tpu.core_type<tc>, window_params = [{transform_indices = @transform_0, window_bounds = array<i64: 2048, 1024>}, {pipeline_mode = #tpu.pipeline_mode<synchronous>, transform_indices = @transform_1, window_bounds = array<i64: 1024, 128>}, {transform_indices = @transform_2, window_bounds = array<i64: 1, 1, 128>}, {transform_indices = @transform_3, window_bounds = array<i64: 1, 1, 128>}, {transform_indices = @transform_4, window_bounds = array<i64: 1, 1, 128>}]} {
    %get3A = arith.constant 0 : index
    %get3A_0 = arith.constant 0 : index
    %get3A_1 = vector.load %arg1[%get3A, %get3A_0] : memref<2048x1024xf32, #tpu.memory_space<vmem>>, vector<2048x1024xf32>
    %reshape3A = vector.shape_cast %get3A_1 : vector<2048x1024xf32> to vector<128x16x1024xf32>
    %reduce_sum3A = arith.constant dense<0.000000e+00> : vector<128x1024xf32>
    %reduce_sum3A_2 = vector.multi_reduction <add>, %reshape3A, %reduce_sum3A [1] : vector<128x16x1024xf32> to vector<128x1024xf32>
    %mul3A = arith.constant 6.250000e-02 : f32
    %mul3A_3 = vector.broadcast %mul3A : f32 to vector<128x1024xf32>
    %mul3A_4 = arith.mulf %reduce_sum3A_2, %mul3A_3 : vector<128x1024xf32>
    %convert_element_type3A = arith.truncf %mul3A_4 : vector<128x1024xf32> to vector<128x1024xbf16>
    %get3A_5 = arith.constant 0 : index
    %get3A_6 = arith.constant 0 : index
    %get3A_7 = vector.load %arg2[%get3A_5, %get3A_6] : memref<1024x128xf32, #tpu.memory_space<vmem>>, vector<1024x128xf32>
    %convert_element_type3A_8 = arith.truncf %get3A_7 : vector<1024x128xf32> to vector<1024x128xbf16>
    %dot_general3A = arith.constant dense<0.000000e+00> : vector<128x128xf32>
    %dot_general3A_9 = tpu.matmul %convert_element_type3A, %convert_element_type3A_8, %dot_general3A {dimension_numbers = #tpu.dot_dimension_numbers<[1], [0], [0], [1], [0, 0, 1, 1], [], []>, transpose_lhs_hint = false} : vector<128x1024xbf16>, vector<1024x128xbf16>, vector<128x128xf32> -> vector<128x128xf32>
    %iota3A = tpu.iota {dimensions = array<i32: 1>} : vector<128x128xi32>
    %lt3A = arith.constant 6 : i32
    %lt3A_10 = vector.broadcast %lt3A : i32 to vector<128x128xi32>
    %lt3A_11 = arith.cmpi slt, %iota3A, %lt3A_10 : vector<128x128xi32>
    %gt3A = arith.constant 0.000000e+00 : f32
    %gt3A_12 = vector.broadcast %gt3A : f32 to vector<128x128xf32>
    %gt3A_13 = arith.cmpf ogt, %dot_general3A_9, %gt3A_12 : vector<128x128xf32>
    %and3A = arith.andi %lt3A_11, %gt3A_13 : vector<128x128xi1>
    %shift_left3A = arith.constant 1 : i32
    %shift_left3A_14 = vector.broadcast %shift_left3A : i32 to vector<128x128xi32>
    %shift_left3A_15 = arith.shli %shift_left3A_14, %iota3A : vector<128x128xi32>
    %jit3A = arith.constant 0 : i32
    %broadcast_in_dim3A = vector.broadcast %jit3A : i32 to vector<128x128xi32>
    %select_n3A = arith.select %and3A, %shift_left3A_15, %broadcast_in_dim3A : vector<128x128xi1>, vector<128x128xi32>
    %reduce_sum3A_16 = arith.constant dense<0> : vector<128xi32>
    %reduce_sum3A_17 = vector.multi_reduction <add>, %select_n3A, %reduce_sum3A_16 [1] : vector<128x128xi32> to vector<128xi32>
    %abs3A = math.absf %dot_general3A_9 : vector<128x128xf32>
    %jit3A_18 = arith.constant 3.400000e+38 : f32
    %broadcast_in_dim3A_19 = vector.broadcast %jit3A_18 : f32 to vector<128x128xf32>
    %select_n3A_20 = arith.select %lt3A_11, %abs3A, %broadcast_in_dim3A_19 : vector<128x128xi1>, vector<128x128xf32>
    %reduce_min3A = arith.constant dense<0x7F800000> : vector<128xf32>
    %reduce_min3A_21 = vector.multi_reduction <minimumf>, %select_n3A_20, %reduce_min3A [1] : vector<128x128xf32> to vector<128xf32>
    %broadcast_in_dim3A_22 = vector.shape_cast %reduce_min3A_21 : vector<128xf32> to vector<128x1xf32>
    %eq3A = vector.broadcast %broadcast_in_dim3A_22 : vector<128x1xf32> to vector<128x128xf32>
    %eq3A_23 = arith.cmpf oeq, %select_n3A_20, %eq3A : vector<128x128xf32>
    %jit3A_24 = arith.constant 127 : i32
    %broadcast_in_dim3A_25 = vector.broadcast %jit3A_24 : i32 to vector<128x128xi32>
    %select_n3A_26 = arith.select %eq3A_23, %iota3A, %broadcast_in_dim3A_25 : vector<128x128xi1>, vector<128x128xi32>
    %reduce_min3A_27 = arith.constant dense<2147483647> : vector<128xi32>
    %reduce_min3A_28 = vector.multi_reduction <minsi>, %select_n3A_26, %reduce_min3A_27 [1] : vector<128x128xi32> to vector<128xi32>
    %shift_left3A_29 = arith.constant 1 : i32
    %shift_left3A_30 = vector.broadcast %shift_left3A_29 : i32 to vector<128xi32>
    %shift_left3A_31 = arith.shli %shift_left3A_30, %reduce_min3A_28 : vector<128xi32>
    %xor3A = arith.xori %reduce_sum3A_17, %shift_left3A_31 : vector<128xi32>
    %jit3A_32 = arith.constant 0.000000e+00 : f32
    %broadcast_in_dim3A_33 = vector.broadcast %jit3A_32 : f32 to vector<128x128xf32>
    %select_n3A_34 = arith.select %lt3A_11, %abs3A, %broadcast_in_dim3A_33 : vector<128x128xi1>, vector<128x128xf32>
    %reduce_sum3A_35 = arith.constant dense<0.000000e+00> : vector<128xf32>
    %reduce_sum3A_36 = vector.multi_reduction <add>, %select_n3A_34, %reduce_sum3A_35 [1] : vector<128x128xf32> to vector<128xf32>
    %mul3A_37 = arith.constant 0.166666672 : f32
    %mul3A_38 = vector.broadcast %mul3A_37 : f32 to vector<128xf32>
    %mul3A_39 = arith.mulf %reduce_sum3A_36, %mul3A_38 : vector<128xf32>
    %reshape3A_40 = vector.shape_cast %reduce_sum3A_17 : vector<128xi32> to vector<1x1x128xi32>
    %swap3A = arith.constant 0 : index
    %swap3A_41 = arith.constant 0 : index
    %swap3A_42 = arith.constant 0 : index
    %swap3A_43 = vector.load %arg3[%swap3A, %swap3A_41, %swap3A_42] : memref<1x1x128xi32, #tpu.memory_space<vmem>>, vector<1x1x128xi32>
    tpu.vector_store %arg3[%swap3A, %swap3A_41, %swap3A_42], %reshape3A_40 {strides = array<i32>} : memref<1x1x128xi32, #tpu.memory_space<vmem>>, vector<1x1x128xi32>,
    %reshape3A_44 = vector.shape_cast %xor3A : vector<128xi32> to vector<1x1x128xi32>
    %swap3A_45 = arith.constant 0 : index
    %swap3A_46 = arith.constant 0 : index
    %swap3A_47 = arith.constant 0 : index
    %swap3A_48 = vector.load %arg4[%swap3A_45, %swap3A_46, %swap3A_47] : memref<1x1x128xi32, #tpu.memory_space<vmem>>, vector<1x1x128xi32>
    tpu.vector_store %arg4[%swap3A_45, %swap3A_46, %swap3A_47], %reshape3A_44 {strides = array<i32>} : memref<1x1x128xi32, #tpu.memory_space<vmem>>, vector<1x1x128xi32>,
    %reshape3A_49 = vector.shape_cast %mul3A_39 : vector<128xf32> to vector<1x1x128xf32>
    %swap3A_50 = arith.constant 0 : index
    %swap3A_51 = arith.constant 0 : index
    %swap3A_52 = arith.constant 0 : index
    %swap3A_53 = vector.load %arg5[%swap3A_50, %swap3A_51, %swap3A_52] : memref<1x1x128xf32, #tpu.memory_space<vmem>>, vector<1x1x128xf32>
    tpu.vector_store %arg5[%swap3A_50, %swap3A_51, %swap3A_52], %reshape3A_49 {strides = array<i32>} : memref<1x1x128xf32, #tpu.memory_space<vmem>>, vector<1x1x128xf32>,
    return
  }
  func.func @transform_0(%arg0: i32) -> (i32, i32) {
    %add3A = arith.constant 6 : i32
    %add3A_0 = arith.addi %add3A, %arg0 : i32
    %c0_i32 = arith.constant 0 : i32
    %c0_i32_1 = arith.constant 0 : i32
    return %add3A_0, %c0_i32 : i32, i32
  }
  func.func @transform_1(%arg0: i32) -> (i32, i32) {
    %c0_i32 = arith.constant 0 : i32
    %c0_i32_0 = arith.constant 0 : i32
    %c0_i32_1 = arith.constant 0 : i32
    return %c0_i32, %c0_i32_0 : i32, i32
  }
  func.func @transform_2(%arg0: i32) -> (i32, i32, i32) {
    %c0_i32 = arith.constant 0 : i32
    %c0_i32_0 = arith.constant 0 : i32
    %c0_i32_1 = arith.constant 0 : i32
    return %arg0, %c0_i32, %c0_i32_0 : i32, i32, i32
  }
  func.func @transform_3(%arg0: i32) -> (i32, i32, i32) {
    %c0_i32 = arith.constant 0 : i32
    %c0_i32_0 = arith.constant 0 : i32
    %c0_i32_1 = arith.constant 0 : i32
    return %arg0, %c0_i32, %c0_i32_0 : i32, i32, i32
  }
  func.func @transform_4(%arg0: i32) -> (i32, i32, i32) {
    %c0_i32 = arith.constant 0 : i32
    %c0_i32_0 = arith.constant 0 : i32
    %c0_i32_1 = arith.constant 0 : i32
    return %arg0, %c0_i32, %c0_i32_0 : i32, i32, i32
  }
}

</mosaic_0001>

<sc_bundles>
// kernel: _router.4.cloned.1.call-start
scs
__scs_entry_jumppad:
0x0: {  	(pc) =	sbr.rel $0x88, $3  }
0x1: {  	(tag) =	ssettag $0x0;
	lr =	simm.s32 $0x1  }
0x2: {  	[smem:$0x3F9E] =	sst lr;
	_ =	strace $0xD0000000  }
0x3: {  	_ = 	snop  }
0x4: {  	_ = 	snop  }
0x5: {  	_ = 	snop  }
0x6: {  	_ = 	snop  }
0x7: {  	_ = 	snop  }
__scs_overlays_trampoline_lowered:
0x8: {  	[smem:$0x3FAD] =	sst s0  }
0x9: {  	[smem:$0x3FAE] =	sst s1  }
0xa: {  	[smem:$0x3FAF] =	sst s2  }
0xb: {  	[smem:$0x3FB0] =	sst s3  }
0xc: {  	[smem:$0x3FB1] =	sst s4  }
0xd: {  	[smem:$0x3FB2] =	sst s5  }
0xe: {  	[smem:$0x3FB3] =	sst s6  }
0xf: {  	[smem:$0x3FB4] =	sst s7  }
0x10: {  	[smem:$0x3FB5] =	sst s8  }
0x11: {  	[smem:$0x3FB6] =	sst s9;
	s0 =	simm.s32 @!p0 $0x0  }
0x12: {  	s1 =	sld [smem:$0x3F9C];
	s0 =	simm.s32 @p0 $0x1  }
0x13: {  	[smem:$0x3FB7] =	sst s0;
	s0 =	simm.s32 @!p1 $0x0  }
0x14: {  	s2 =	sld [smem:$0x3F9B];
	s0 =	simm.s32 @p1 $0x1  }
0x15: {  	[smem:$0x3FB8] =	sst s0;
	s0 =	simm.s32 @!p2 $0x0  }
0x16: {  	s3 =	sld [smem:$0x3FDB];
	s0 =	simm.s32 @p2 $0x1  }
0x17: {  	s4 =	simm.s32 $0x1BF5;
	[smem:$0x3FBA] =	sst s0  }
0x18: {  	s0 =	sld [smem:$0x3F9D];
	_ =	swait.ge [sflag:s4], $0x0  }
0x19: {  	s7 =	sld [smem:$0x3F9E]  }
0x1a: {  	s8 =	sadd.s32 $0xFFFFE003, lr  }
0x1b: {  	s9 =	sadd.s32 $0xFFFFFEF7, lr;
	s5 =	simm.s32 $0xFFFFFFFF;
	p2 =	slt.u32 s8, $0xFFFFF086  }
0x1c: {  	p1 =	slt.u32 s9, $0xF7A;
	s5 =	simm.s32 @!p2 $0x0  }
0x1d: {  	s5 =	simm.s32 @p1 $0x1;
	p0 =	seq.s32 s7, s2  }
0x1e: {  	s7 =	smul.u32 @!p0 $0xF7A, s2;
	p2 =	seq.s32 @!p0 s5, $0x0  }
0x1f: {  	s9 =	smul.u32 $0xF7A, s1;
	s8 =	simm.s32 @!p0 $0x1BF5;
	p2 =	por !p2, p0  }
0x20: {  	[sflag:s8] =	ssyncset.s32 @!p0 $0xFFFFF086;
	s6 =	sadd.s32 @!p0 s3, s7;
	s7 =	simm.s32 @!p0 $0x108  }
0x21: {  	s3 =	sadd.s32 s3, s9;
	s6 =	sadd.s32 @!p0 $0x88, s6;
	s7 =	simm.s32 @p2 $0x1082  }
0x22: {  	[simem:s7], [sflag:s8] =	dma.local @!p0 [hbm:s6], $0xF7A  }
0x23: {  	s9 =	sor.u32 $0xD0000000, s2;
	s6 =	simm.s32 $0x108;
	_ =	swait.ge @!p0 [sflag:s8], $0x0  }
0x24: {  	s3 =	sadd.s32 $0x88, s3;
	s6 =	simm.s32 @!p1 $0x1082;
	[sflag:s4] =	ssyncset.s32 $0xFFFFF086  }
0x25: {  	[simem:s6], [sflag:s4] =	dma.local [hbm:s3], $0xF7A  }
0x26: {  	[smem:$0x3F9E] =	sst s1;
	(tag) =	ssettag s2;
	_ =	strace s9  }
0x27: {  	s1 =	sld [smem:$0x3FAE]  }
0x28: {  	s2 =	sld [smem:$0x3FAF]  }
0x29: {  	s4 =	sld [smem:$0x3FB1]  }
0x2a: {  	p0 =	seq.s32 s5, $0x0;
	s5 =	sld [smem:$0x3FB2]  }
0x2b: {  	s6 =	sld [smem:$0x3FB3]  }
0x2c: {  	s7 =	sld [smem:$0x3FB4]  }
0x2d: {  	s3 =	simm.s32 $0x108;
	s8 =	sld [smem:$0x3FB5]  }
0x2e: {  	s3 =	simm.s32 @!p0 $0x1082;
	s9 =	sld [smem:$0x3FB6]  }
0x2f: {  	lr =	sadd.s32 s0, s3;
	s0 =	sld [smem:$0x3FAD]  }
0x30: {  	s3 =	sld [smem:$0x3FB0]  }
0x31: {  	[smem:$0x3FB9] =	sst s10  }
0x32: {  	s10 =	sld [smem:$0x3FB7];
	_ =	sdelay $0x3  }
0x33: {  	p0 =	seq.s32 s10, $0x1;
	s10 =	sld [smem:$0x3FB9];
	_ =	sdelay $0x3  }
0x34: {  	[smem:$0x3FB9] =	sst s10  }
0x35: {  	s10 =	sld [smem:$0x3FB8];
	_ =	sdelay $0x3  }
0x36: {  	p1 =	seq.s32 s10, $0x1;
	s10 =	sld [smem:$0x3FB9];
	_ =	sdelay $0x3  }
0x37: {  	[smem:$0x3FB9] =	sst s10  }
0x38: {  	s10 =	sld [smem:$0x3FBA]  }
0x39: {  	_ = 	snop;
	(pc) =	sbr.ind lr, $3  }
0x3a: {  	_ = 	snop  }
0x3b: {  	_ = 	snop  }
0x3c: {  	p2 =	seq.s32 s10, $0x1;
	s10 =	sld [smem:$0x3FB9]  }
0x3d: {  	_ =	shalt  }
0x3e: {  	_ =	shalt  }
0x3f: {  	_ =	shalt  }
0x40: {  	_ =	shalt  }
0x41: {  	_ =	shalt  }
0x42: {  	_ =	shalt  }
0x43: {  	_ =	shalt  }
0x44: {  	_ =	shalt  }
0x45: {  	_ =	shalt  }
0x46: {  	_ =	shalt  }
0x47: {  	_ =	shalt  }
0x48: {  	_ =	shalt  }
0x49: {  	_ =	shalt  }
0x4a: {  	_ =	shalt  }
0x4b: {  	_ =	shalt  }
0x4c: {  	_ =	shalt  }
0x4d: {  	_ =	shalt  }
0x4e: {  	_ =	shalt  }
0x4f: {  	_ =	shalt  }
0x50: {  	_ =	shalt  }
0x51: {  	_ =	shalt  }
0x52: {  	_ =	shalt  }
0x53: {  	_ =	shalt  }
0x54: {  	_ =	shalt  }
0x55: {  	_ =	shalt  }
0x56: {  	_ =	shalt  }
0x57: {  	_ =	shalt  }
0x58: {  	_ =	shalt  }
0x59: {  	_ =	shalt  }
0x5a: {  	_ =	shalt  }
0x5b: {  	_ =	shalt  }
0x5c: {  	_ =	shalt  }
0x5d: {  	_ =	shalt  }
0x5e: {  	_ =	shalt  }
0x5f: {  	_ =	shalt  }
0x60: {  	_ =	shalt  }
0x61: {  	_ =	shalt  }
0x62: {  	_ =	shalt  }
0x63: {  	_ =	shalt  }
0x64: {  	_ =	shalt  }
0x65: {  	_ =	shalt  }
0x66: {  	_ =	shalt  }
0x67: {  	_ =	shalt  }
0x68: {  	_ =	shalt  }
0x69: {  	_ =	shalt  }
0x6a: {  	_ =	shalt  }
0x6b: {  	_ =	shalt  }
0x6c: {  	_ =	shalt  }
0x6d: {  	_ =	shalt  }
0x6e: {  	_ =	shalt  }
0x6f: {  	_ =	shalt  }
0x70: {  	_ =	shalt  }
0x71: {  	_ =	shalt  }
0x72: {  	_ =	shalt  }
0x73: {  	_ =	shalt  }
0x74: {  	_ =	shalt  }
0x75: {  	_ =	shalt  }
0x76: {  	_ =	shalt  }
0x77: {  	_ =	shalt  }
0x78: {  	_ =	shalt  }
0x79: {  	_ =	shalt  }
0x7a: {  	_ =	shalt  }
0x7b: {  	_ =	shalt  }
0x7c: {  	_ =	shalt  }
0x7d: {  	_ =	shalt  }
0x7e: {  	_ =	shalt  }
0x7f: {  	_ =	shalt  }
0x80: {  	_ =	shalt  }
0x81: {  	_ =	shalt  }
0x82: {  	_ =	shalt  }
0x83: {  	_ =	shalt  }
0x84: {  	_ =	shalt  }
0x85: {  	_ =	shalt  }
0x86: {  	_ =	shalt  }
0x87: {  	_ =	shalt  }
.Lfunc_end0:
.L_simem_size_0:
called_computation_lowered:
.L_overlay_start_0:
0x88: {  	s2 =	sld [smem:$0x3FD9]  }
0x89: {  	s3 =	sld [smem:$0x3FFE];
	_ =	sdelay $0x1  }
0x8a: {  	s1 =	srdreg.scid  }
0x8b: {  	s0 =	sand.u32 $0x1, s1  }
0x8c: {  	s15 =	sshll.u32 s0, $0xA;
	s2 =	sadd.s32 s3, s2  }
0x8d: {  	s2 =	sadd.s32 s2, s15  }
0x8e: {  	[smem:$0x3FC5] =	sst s2  }
0x8f: {  	_ = 	snop  }
0x90: {  	s2 =	sld [smem:$0x3FD0];
	_ =	sdelay $0x1  }
0x91: {  	s16 =	sld [smem:$0x3FC9]  }
0x92: {  	s5 =	simm.s32 $0xA;
	s6 =	simm.s32 $0x10;
	s4 =	sld [smem:$0x3FC8]  }
0x93: {  	[smem:s6], [sflag:s5] =	dma.local [hbm:s2], $0x1  }
0x94: {  	_ =	swait.eq [sflag:s5], $0x1  }
0x95: {  	[sflag:s5] =	ssyncset.done $0x0  }
0x96: {  	s17 =	sld [smem:$0x10];
	[sflag:s5] =	ssyncadd.s32 $0xFFFFFFFF  }
0x97: {  	s18 =	sld [smem:$0x11];
	(tm) =	ssettm $0x1  }
0x98: {  	s19 =	sld [smem:$0x3FFB];
	_ =	sdelay $0x3  }
0x99: {  	_ =	strace s19  }
0x9a: {  	s6 =	sld [smem:$0x3FFC];
	_ =	sdelay $0x3  }
0x9b: {  	_ =	strace s6  }
0x9c: {  	s6 =	sld [smem:$0x3FFD];
	_ =	sdelay $0x3  }
0x9d: {  	_ =	strace s6  }
0x9e: {  	_ =	strace $0x8FFFFFFF  }
0x9f: {  	s20 =	sld [smem:$0x3FDB];
	_ =	sdelay $0x1  }
0xa0: {  	s7 =	simm.s32 $_scs_section_size  }
0xa1: {  	s8 =	simm.s32 $_size__tile_overlayer_lowered;
	s9 =	simm.s32 $_tile_overlayer_lowered  }
0xa2: {  	s23 =	simm.s32 $0x1BFF;
	s22 =	sshll.u32 s9, $0x1;
	s6 =	sadd.s32 s7, s20  }
0xa3: {  	s10 =	simm.s32 $0x0;
	s21 =	sshll.u32 s8, $0x1;
	s8 =	sadd.s32 s22, s6  }
0xa4: {  	[timem:s10], [sflag:s23] =	dma.local [hbm:s8], s21  }
0xa5: {  	_ =	swait.ge [sflag:s23], s21  }
0xa6: {  	s7 =	ssub.s32 $0x0, s21;
	[sflag:s23] =	ssyncset.done $0x0  }
0xa7: {  	[sflag:s23] =	ssyncadd.s32 s7;
	_ =	sdelay $0x1  }
0xa8: {  	s24 =	simm.s32 $0x1B8B  }
0xa9: {  	_ =	swait.ge [sflag:s24], $0x1  }
0xaa: {  	[sflag:s24] =	ssyncset.done $0x0  }
0xab: {  	s25 =	simm.s32 $0x1B8E;
	[sflag:s24] =	ssyncadd.s32 $0xFFFFFFFF  }
0xac: {  	s26 =	simm.s32 $execute0_lowered;
	[smem:$0x3FD2] =	sst s25  }
0xad: {  	s7 =	sshll.u32 s26, $0x1;
	_ =	strace $0x80000046;
	[dreg:$0x1] =	wrdreg $0xFFFFFFFF  }
0xae: {  	s28 =	simm.s32 $_size_execute0_lowered;
	s6 =	sadd.s32 s6, s7;
	[dreg:$0x0] =	wrdreg $0x0  }
0xaf: {  	s7 =	sshll.u32 s28, $0x1;
	[dreg:$0x2] =	wrdreg s6  }
0xb0: {  	[dreg:$0x3] =	wrdreg s7  }
0xb1: {  	[dreg:$0x4] =	wrdreg $0xC0  }
0xb2: {  	_ =	task [dreg:s10], $0x5FFFF  }
0xb3: {  	[dreg:$0x1] =	wrdreg $0xFFFFFFFF  }
0xb4: {  	[dreg:$0x0] =	wrdreg $0x60  }
0xb5: {  	[dreg:$0x2] =	wrdreg s16  }
0xb6: {  	[dreg:$0x3] =	wrdreg s4  }
0xb7: {  	[dreg:$0x4] =	wrdreg s18  }
0xb8: {  	[dreg:$0x5] =	wrdreg s17  }
0xb9: {  	[dreg:$0x6] =	wrdreg $0x9  }
0xba: {  	_ =	task.clear_ibuf [dreg:s10], $0x7FFFF;
	_ =	strace $0x90000046  }
0xbb: {  	s29 =	simm.s32 $0x9;
	_ =	strace $0x80000048  }
0xbc: {  	_ =	swait.ge [sflag:s29], $0x1  }
0xbd: {  	[sflag:s29] =	ssyncadd.s32 $0xFFFFFFFF  }
0xbe: {  	_ =	strace $0x90000048  }
0xbf: {  	_ =	sfence  }
0xc0: {  	s30 =	sld [smem:$0x0];
	_ =	sdelay $0x2  }
0xc1: {  	s31 =	sshll.u32 s1, $0xD;
	s1 =	sshrl.u32 s1, $0x2  }
0xc2: {  	s3 =	sand.u32 $0x4000, s31;
	s1 =	sadd.s32 s1, s30  }
0xc3: {  	s0 =	sor.u32 s3, s0;
	s1 =	sshll.u32 s1, $0x11  }
0xc4: {  	s0 =	sor.u32 s1, s0  }
0xc5: {  	s0 =	sadd.s32 $0x8F2B, s0  }
0xc6: {  	[sflag:s0] =	ssyncadd.remote.s32 $0x1  }
0xc7: {  	_ =	sfence.sel $0xFFFF  }
0xc8: {  	[dreg:$0x0] =	wrdreg $0xFFFFFFFF;
	(pc) =	sbr.abs _section_cstart, $3  }
0xc9: {  	[dreg:$0x1] =	wrdreg $0xFFFFFFFF  }
0xca: {  	_ =	task.clear_ibuf [dreg:s10], $0x2FFFF;
	_ =	strace $0x9FFFFFFF  }
0xcb: {  	(tm) =	ssettm $0x7FFFFFFF  }
tec
execute0_lowered:
.L_overlay_start_1:
0x0: {  	(tag) =	ssettag $0x1  }
0x1: {  	s1 =	rddreg [dreg:$0x0]  }
0x2: {  	s0 =	rddreg [dreg:$0x2];
	s3 =	srdreg.scid  }
0x3: {  	s2 =	stileid.u32;
	s12 =	rddreg [dreg:$0x3];
	s4 =	simm.s32 $0x0  }
0x4: {  	s17 =	simm.s32 $0x10000;
	s3 =	sand.u32 $0x1, s3;
	s5 =	sshll.u32 s2, $0x1  }
0x5: {  	s18 =	simm.s32 $0x1;
	s19 =	simm.s32 $0x2;
	s9 =	sor.u32 s3, s5  }
0x6: {  	s20 =	simm.s32 $0x1A000;
	s21 =	simm.s32 $0x1A080;
	s5 =	smul.u32 $0xC000, s9  }
0x7: {  	s22 =	simm.s32 $0x3;
	[smem:$0x7FF] =	sst s4;
	s10 =	smul.u32 $0x60000, s9  }
0x8: {  	_ =	strace $0x80000047;
	s3 =	ssub.s32 $0x2, s3;
	s11 =	smul.u32 $0x6, s9  }
0x9: {  	s6 =	sshrl.u32 s3, $0x1;
	s13 =	smul.u32 $0x3, s9;
	s29 =	sadd.s32 s1, s5  }
0xa: {  	s3 =	ssub.s32 s3, s6;
	s0 =	sadd.s32 s0, s11;
	[dreg:$0x5] =	wrdreg s29  }
.Ltmp0:
0xb: {  	s30 =	sadd.s32 s12, s13;
	[dreg:$0x8] =	wrdreg s0;
	(pc) =	sbr.rel .LBB2_1-.Ltmp0, $4  }
0xc: {  	s23 =	simm.s32 $0x0;
	s31 =	smax.u32 s3, $0x1;
	[dreg:$0x9] =	wrdreg s30  }
0xd: {  	s8 =	sor.u32 $0x18000, s10;
	s5 =	sadd.s32 $0x1000, s29;
	[dreg:$0xa] =	wrdreg s31  }
0xe: {  	s9 =	sadd.s32 $0x20000, s10;
	s2 =	sadd.s32 $0x2000, s29;
	[dreg:$0x6] =	wrdreg s5  }
0xf: {  	v0 =	vlaneseq.u32;
	s10 =	sadd.s32 $0x28000, s10;
	s3 =	simm.s32 $0x4;
	[dreg:$0x7] =	wrdreg s2  }
.LBB2_10:
0x10: {  	s0 =	rddreg [dreg:$0x8];
	s3 =	simm.s32 $0x4  }
0x11: {  	[hbm4b:s0+s4] =	stream.linear.scatter [tilespmem:s20], [sflag:$0x4], $0x30, $0x38;
	[tilespmem:$0x1A100] =	vst v63  }
0x12: {  	_ =	swait.ge [sflag:s3], $0x30  }
0x13: {  	[sflag:s3] =	ssyncset.done $0x0  }
0x14: {  	s30 =	rddreg [dreg:$0x9];
	[sflag:s3] =	ssyncadd.s32 $0xFFFFFFD0  }
0x15: {  	[hbm4b:s30+s4] =	stream.linear.scatter [tilespmem:s21], [sflag:$0x4], $0x18, $0x38;
	[tilespmem:$0x1A100] =	vst v63  }
0x16: {  	_ =	swait.ge [sflag:s3], $0x18  }
0x17: {  	s23 =	sadd.s32 $0x1, s23;
	s31 =	rddreg [dreg:$0xa]  }
0x18: {  	p0 =	sne.s32 s23, s31  }
.Ltmp1:
0x19: {  	_ = 	snop;
	(pc) =	sbr.rel @!p0 .LBB2_11-.Ltmp1, $3  }
0x1a: {  	_ =	sdelay $0x1  }
0x1b: {  	[sflag:s3] =	ssyncset.done $0x0  }
0x1c: {  	[sflag:s3] =	ssyncadd.s32 $0xFFFFFFE8  }
.LBB2_1:
0x1d: {  	s0 =	rddreg [dreg:$0x1];
	s2 =	simm.s32 $0x18000  }
0x1e: {  	[tilespmem:s2], [sflag:$0x4] =	stream.linear.gather [hbm4b:s0+s4], $0x2000, $0x38;
	[tilespmem:$0x1A100] =	vst v63  }
0x1f: {  	_ =	swait.ge [sflag:s3], $0x2000  }
0x20: {  	[sflag:s3] =	ssyncset.done $0x0  }
0x21: {  	s28 =	rddreg [dreg:$0x5];
	[sflag:s3] =	ssyncadd.s32 $0xFFFFE000  }
0x22: {  	[tilespmem:s4], [sflag:$0x1] =	stream.linear.gather [hbm4b:s28+s4], $0x8000, $0x38;
	[tilespmem:$0x1A100] =	vst v63  }
0x23: {  	s30 =	simm.s32 $0x8000;
	s29 =	rddreg [dreg:$0x6]  }
0x24: {  	[tilespmem:s30], [sflag:$0x2] =	stream.linear.gather [hbm4b:s29+s4], $0x8000, $0x38;
	[tilespmem:$0x1A100] =	vst v63  }
0x25: {  	s24 =	simm.s32 $0x0;
	s31 =	rddreg [dreg:$0x7]  }
0x26: {  	[tilespmem:s17], [sflag:$0x3] =	stream.linear.gather [hbm4b:s31+s4], $0x8000, $0x38;
	[tilespmem:$0x1A100] =	vst v63  }
.LBB2_2:
0x27: {  	_ =	swait.ge [sflag:s18], $0x8000;
	s0 =	simm.s32 $0x0  }
0x28: {  	[sflag:s18] =	ssyncset.done $0x0;
	s3 =	sand.u32 $0x70, s0;
	s25 =	sand.u32 $0x1C00, s0  }
0x29: {  	[sflag:s18] =	ssyncadd.s32 $0xFFFF8000;
	s30 =	sor.u32 s3, s25  }
0x2a: {  	v1 =	vld [tilespmem:s30+$0x4000]  }
0x2b: {  	v2 =	vld [tilespmem:s30+$0x4080]  }
0x2c: {  	v3 =	vld [tilespmem:s30+$0x0]  }
0x2d: {  	v4 =	vld [tilespmem:s30+$0x4100]  }
0x2e: {  	v5 =	vld [tilespmem:s30+$0x80]  }
0x2f: {  	v6 =	vld [tilespmem:s30+$0x4180]  }
0x30: {  	v7 =	vld [tilespmem:s30+$0x100]  }
0x31: {  	v8 =	vld [tilespmem:s30+$0x180];
	v1 =	vadd.f32 v2, v1  }
0x32: {  	v2 =	vld [tilespmem:s30+$0x4200]  }
0x33: {  	v3 =	vadd.f32 v5, v3;
	v5 =	vld [tilespmem:s30+$0x200];
	v1 =	vadd.f32 v4, v1  }
0x34: {  	v4 =	vld [tilespmem:s30+$0x4280]  }
0x35: {  	v3 =	vadd.f32 v7, v3;
	v7 =	vld [tilespmem:s30+$0x280];
	v1 =	vadd.f32 v6, v1  }
0x36: {  	v6 =	vld [tilespmem:s30+$0x4300]  }
0x37: {  	v1 =	vadd.f32 v2, v1;
	v2 =	vadd.f32 v8, v3;
	v3 =	vld [tilespmem:s30+$0x4380]  }
0x38: {  	s0 =	sor.u32 s0, s0;
	v8 =	vld [tilespmem:s30+$0x300]  }
0x39: {  	s0 =	sor.u32 $0x380, s0;
	v1 =	vadd.f32 v4, v1;
	v2 =	vadd.f32 v5, v2;
	v4 =	vld [tilespmem:s30+$0x6000]  }
0x3a: {  	v5 =	vld [tilespmem:s0+$0x0]  }
0x3b: {  	v1 =	vadd.f32 v6, v1;
	v2 =	vadd.f32 v7, v2;
	v6 =	vld [tilespmem:s30+$0x6080]  }
0x3c: {  	v7 =	vld [tilespmem:s30+$0x2000]  }
0x3d: {  	v1 =	vadd.f32 v3, v1;
	v2 =	vadd.f32 v8, v2;
	v3 =	vld [tilespmem:s30+$0x6100]  }
0x3e: {  	v8 =	vld [tilespmem:s30+$0x2080]  }
0x3f: {  	v1 =	vadd.f32 v4, v1;
	v2 =	vadd.f32 v5, v2;
	v4 =	vld [tilespmem:s30+$0x6180]  }
0x40: {  	v5 =	vld [tilespmem:s30+$0x2100]  }
0x41: {  	v1 =	vadd.f32 v6, v1;
	v2 =	vadd.f32 v7, v2;
	v6 =	vld [tilespmem:s30+$0x6200]  }
0x42: {  	v7 =	vld [tilespmem:s30+$0x2180]  }
0x43: {  	v1 =	vadd.f32 v3, v1;
	v2 =	vadd.f32 v8, v2;
	v3 =	vld [tilespmem:s30+$0x6280]  }
0x44: {  	v8 =	vld [tilespmem:s30+$0x2200]  }
0x45: {  	v1 =	vadd.f32 v4, v1;
	v2 =	vadd.f32 v5, v2;
	v4 =	vld [tilespmem:s30+$0x6300]  }
0x46: {  	v5 =	vld [tilespmem:s30+$0x2280]  }
0x47: {  	v1 =	vadd.f32 v6, v1;
	v2 =	vadd.f32 v7, v2;
	v6 =	vld [tilespmem:s30+$0x6380]  }
0x48: {  	v7 =	vld [tilespmem:s30+$0x2300]  }
0x49: {  	v1 =	vadd.f32 v3, v1;
	v2 =	vadd.f32 v8, v2  }
0x4a: {  	v3 =	vld [tilespmem:s30+$0x2380]  }
0x4b: {  	v9 =	vimm.f32 $0.0e+00;
	v17 =	vld [tilespmem:s30+$0x18000];
	v1 =	vadd.f32 v4, v1;
	v2 =	vadd.f32 v5, v2  }
0x4c: {  	v10 =	vimm.f32 $0.0e+00;
	v12 =	vimm.f32 $0.0e+00;
	v11 =	vimm.f32 $0.0e+00;
	v18 =	vld [tilespmem:s30+$0x18080]  }
0x4d: {  	v15 =	vld [tilespmem:s30+$0x18100];
	v8 =	vimm.f32 $0.0e+00;
	v4 =	vadd.f32 v6, v1;
	v2 =	vadd.f32 v7, v2  }
0x4e: {  	s16 =	simm.s32 $0x10;
	s26 =	simm.s32 $0x80;
	v13 =	vld [tilespmem:s30+$0x18180];
	v5 =	vimm.f32 $0.0e+00;
	v1 =	vimm.f32 $0.0e+00;
	v7 =	vimm.f32 $0.0e+00  }
0x4f: {  	s31 =	sand.u32 $0x1C00, s26;
	s25 =	sand.u32 $0x70, s16;
	v16 =	vld [tilespmem:s30+$0x18200];
	s0 =	sor.u32 s26, s16;
	v6 =	vimm.f32 $0.0e+00;
	v19 =	vmul.f32 $6.250000000e-02, v4;
	v20 =	vadd.f32 v3, v2  }
0x50: {  	s28 =	simm.s32 $0x20;
	s25 =	sor.u32 s25, s31;
	v14 =	vld [tilespmem:s30+$0x18280];
	s29 =	sor.u32 $0x380, s0;
	v4 =	vimm.f32 $0.0e+00;
	v3 =	vimm.f32 $0.0e+00;
	v2 =	vimm.f32 $0.0e+00  }
.LBB2_3:
0x51: {  	p0 =	sne.s32 s28, $0x3F0;
	v21 =	vld [tilespmem:s25+$0x4000];
	v22 =	vshrl.u32 v19, $0x10  }
0x52: {  	v23 =	vld [tilespmem:s25+$0x4080];
	v20 =	vmul.f32 $6.250000000e-02, v20;
	v22 =	vand.u32 $0x1, v22  }
0x53: {  	v24 =	vld [tilespmem:s25+$0x0];
	v19 =	vadd.s32 v22, v19  }
0x54: {  	v22 =	vld [tilespmem:s25+$0x4100];
	v25 =	vshrl.u32 v20, $0x10;
	v19 =	vadd.s32 $0x7FFF, v19  }
0x55: {  	v26 =	vld [tilespmem:s25+$0x80];
	v25 =	vand.u32 $0x1, v25;
	v19 =	vand.u32 $0xFFFF0000, v19  }
0x56: {  	v27 =	vld [tilespmem:s25+$0x4180];
	v20 =	vadd.s32 v25, v20;
	v25 =	vmul.f32 v19, v17;
	v28 =	vmul.f32 v19, v14  }
0x57: {  	v29 =	vld [tilespmem:s25+$0x100];
	v21 =	vadd.f32 v23, v21;
	v20 =	vadd.s32 $0x7FFF, v20;
	v23 =	vmul.f32 v19, v18  }
0x58: {  	v31 =	vmul.f32 v19, v15;
	v30 =	vld [tilespmem:s25+$0x4200];
	v20 =	vand.u32 $0xFFFF0000, v20;
	v1 =	vadd.f32 v28, v1  }
0x59: {  	v28 =	vld [tilespmem:s25+$0x180];
	v21 =	vadd.f32 v22, v21;
	v17 =	vmul.f32 v20, v17;
	v18 =	vmul.f32 v20, v18  }
0x5a: {  	v15 =	vmul.f32 v20, v15;
	v22 =	vadd.f32 v26, v24;
	v24 =	vld [tilespmem:s25+$0x4280];
	v26 =	vmul.f32 v20, v13  }
0x5b: {  	v14 =	vmul.f32 v20, v14;
	v32 =	vld [tilespmem:s25+$0x200];
	v21 =	vadd.f32 v27, v21;
	v27 =	vmul.f32 v20, v16  }
0x5c: {  	v13 =	vmul.f32 v19, v13;
	v16 =	vmul.f32 v19, v16;
	v20 =	vadd.f32 v29, v22;
	v22 =	vld [tilespmem:s25+$0x4300]  }
0x5d: {  	v9 =	vadd.f32 v17, v9;
	v19 =	vld [tilespmem:s25+$0x280];
	v21 =	vadd.f32 v30, v21  }
0x5e: {  	v10 =	vadd.f32 v18, v10;
	v17 =	vadd.f32 v28, v20;
	v20 =	vld [tilespmem:s25+$0x4380]  }
0x5f: {  	v12 =	vadd.f32 v15, v12;
	v18 =	vld [tilespmem:s25+$0x300];
	v21 =	vadd.f32 v24, v21  }
0x60: {  	v7 =	vadd.f32 v26, v7;
	v15 =	vadd.f32 v32, v17;
	v17 =	vld [tilespmem:s25+$0x6000]  }
0x61: {  	v8 =	vadd.f32 v27, v8;
	v24 =	vld [tilespmem:s29+$0x0];
	v21 =	vadd.f32 v22, v21  }
0x62: {  	v11 =	vadd.f32 v14, v11;
	v15 =	vadd.f32 v19, v15;
	v19 =	vld [tilespmem:s25+$0x6080]  }
0x63: {  	v6 =	vadd.f32 v25, v6;
	v14 =	vld [tilespmem:s25+$0x2000];
	v20 =	vadd.f32 v20, v21  }
0x64: {  	v5 =	vadd.f32 v23, v5;
	v15 =	vadd.f32 v18, v15;
	v18 =	vld [tilespmem:s25+$0x6100]  }
0x65: {  	v4 =	vadd.f32 v31, v4;
	v21 =	vld [tilespmem:s25+$0x2080];
	v17 =	vadd.f32 v17, v20  }
0x66: {  	v3 =	vadd.f32 v13, v3;
	v15 =	vadd.f32 v24, v15;
	v20 =	vld [tilespmem:s25+$0x6180]  }
0x67: {  	v2 =	vadd.f32 v16, v2;
	v13 =	vld [tilespmem:s25+$0x2100];
	v17 =	vadd.f32 v19, v17  }
0x68: {  	v14 =	vadd.f32 v14, v15;
	v15 =	vld [tilespmem:s25+$0x6200]  }
0x69: {  	v16 =	vld [tilespmem:s25+$0x2180];
	v17 =	vadd.f32 v18, v17  }
0x6a: {  	v14 =	vadd.f32 v21, v14;
	v18 =	vld [tilespmem:s25+$0x6280]  }
0x6b: {  	v19 =	vld [tilespmem:s25+$0x2200];
	v17 =	vadd.f32 v20, v17  }
0x6c: {  	v13 =	vadd.f32 v13, v14;
	v14 =	vld [tilespmem:s25+$0x6300]  }
0x6d: {  	v20 =	vld [tilespmem:s25+$0x2280];
	v15 =	vadd.f32 v15, v17  }
0x6e: {  	v13 =	vadd.f32 v16, v13;
	v16 =	vld [tilespmem:s25+$0x6380]  }
0x6f: {  	v21 =	vld [tilespmem:s25+$0x2300];
	v15 =	vadd.f32 v18, v15  }
0x70: {  	v13 =	vadd.f32 v19, v13;
	v22 =	vld [tilespmem:s25+$0x2380]  }
0x71: {  	v17 =	vld [tilespmem:s25+$0x18000];
	v14 =	vadd.f32 v14, v15  }
.Ltmp2:
0x72: {  	v18 =	vld [tilespmem:s25+$0x18080];
	v19 =	vadd.f32 v20, v13;
	(pc) =	sbr.rel @p0 .LBB2_3-.Ltmp2, $4  }
0x73: {  	v15 =	vld [tilespmem:s25+$0x18100];
	v14 =	vadd.f32 v16, v14  }
0x74: {  	s26 =	sadd.s32 $0x80, s26;
	v13 =	vld [tilespmem:s25+$0x18180];
	v20 =	vadd.f32 v21, v19  }
0x75: {  	s0 =	sand.u32 $0x70, s28;
	s3 =	sand.u32 $0x1C00, s26;
	s29 =	sor.u32 s26, s28;
	v16 =	vld [tilespmem:s25+$0x18200];
	v19 =	vmul.f32 $6.250000000e-02, v14  }
0x76: {  	s28 =	sadd.s32 $0x10, s28;
	s29 =	sor.u32 $0x380, s29;
	v14 =	vld [tilespmem:s25+$0x18280];
	s25 =	sor.u32 s0, s3;
	v20 =	vadd.f32 v22, v20  }
0x77: {  	v21 =	vld [tilespmem:s25+$0x0]  }
0x78: {  	v22 =	vld [tilespmem:s25+$0x80];
	_ =	sdelay $0x1  }
0x79: {  	v23 =	vld [tilespmem:s25+$0x100]  }
0x7a: {  	v24 =	vld [tilespmem:s25+$0x4000]  }
0x7b: {  	v25 =	vld [tilespmem:s25+$0x180]  }
0x7c: {  	v26 =	vld [tilespmem:s25+$0x4080];
	v21 =	vadd.f32 v22, v21  }
0x7d: {  	v22 =	vld [tilespmem:s25+$0x200]  }
0x7e: {  	v27 =	vld [tilespmem:s25+$0x4100];
	v21 =	vadd.f32 v23, v21  }
0x7f: {  	v23 =	vld [tilespmem:s25+$0x280]  }
0x80: {  	v28 =	vld [tilespmem:s25+$0x4180];
	v21 =	vadd.f32 v25, v21  }
0x81: {  	v40 =	vld [tilespmem:s25+$0x300]  }
0x82: {  	v41 =	vld [tilespmem:s25+$0x4200];
	v24 =	vadd.f32 v26, v24;
	v21 =	vadd.f32 v22, v21  }
0x83: {  	v22 =	vld [tilespmem:s29+$0x0]  }
0x84: {  	v42 =	vld [tilespmem:s25+$0x4280];
	v24 =	vadd.f32 v27, v24;
	v21 =	vadd.f32 v23, v21  }
0x85: {  	v23 =	vld [tilespmem:s25+$0x2000]  }
0x86: {  	v43 =	vld [tilespmem:s25+$0x4300];
	v24 =	vadd.f32 v28, v24;
	v21 =	vadd.f32 v40, v21  }
0x87: {  	v44 =	vld [tilespmem:s25+$0x2080]  }
0x88: {  	v45 =	vld [tilespmem:s25+$0x4380];
	v24 =	vadd.f32 v41, v24;
	v21 =	vadd.f32 v22, v21  }
0x89: {  	v22 =	vld [tilespmem:s25+$0x2100]  }
0x8a: {  	v46 =	vld [tilespmem:s25+$0x6000];
	v24 =	vadd.f32 v42, v24;
	v21 =	vadd.f32 v23, v21  }
0x8b: {  	v23 =	vld [tilespmem:s25+$0x2180]  }
0x8c: {  	v47 =	vld [tilespmem:s25+$0x6080];
	v24 =	vadd.f32 v43, v24;
	v21 =	vadd.f32 v44, v21  }
0x8d: {  	v48 =	vld [tilespmem:s25+$0x2200]  }
0x8e: {  	v49 =	vld [tilespmem:s25+$0x6100];
	v24 =	vadd.f32 v45, v24;
	v21 =	vadd.f32 v22, v21  }
0x8f: {  	v22 =	vld [tilespmem:s25+$0x2280]  }
0x90: {  	v50 =	vld [tilespmem:s25+$0x6180];
	v24 =	vadd.f32 v46, v24;
	v21 =	vadd.f32 v23, v21  }
0x91: {  	v23 =	vld [tilespmem:s25+$0x2300]  }
0x92: {  	v51 =	vld [tilespmem:s25+$0x6200];
	v24 =	vadd.f32 v47, v24;
	v21 =	vadd.f32 v48, v21  }
0x93: {  	v52 =	vshrl.u32 v19, $0x10;
	v29 =	vld [tilespmem:s25+$0x2380];
	v20 =	vmul.f32 $6.250000000e-02, v20  }
0x94: {  	v25 =	vand.u32 $0x1, v52;
	v24 =	vadd.f32 v49, v24;
	v21 =	vadd.f32 v22, v21  }
0x95: {  	v53 =	vld [tilespmem:s25+$0x6280];
	v19 =	vadd.s32 v25, v19  }
0x96: {  	v24 =	vadd.f32 v50, v24;
	v22 =	vshrl.u32 v20, $0x10;
	v21 =	vadd.f32 v23, v21  }
0x97: {  	v19 =	vadd.s32 $0x7FFF, v19;
	v22 =	vand.u32 $0x1, v22;
	v23 =	vld [tilespmem:s25+$0x6300]  }
0x98: {  	v20 =	vadd.s32 v22, v20;
	v22 =	vadd.f32 v51, v24;
	v21 =	vadd.f32 v29, v21  }
0x99: {  	v19 =	vand.u32 $0xFFFF0000, v19  }
0x9a: {  	v56 =	vld [tilespmem:s25+$0x6380];
	v20 =	vadd.s32 $0x7FFF, v20;
	v22 =	vadd.f32 v53, v22;
	v21 =	vmul.f32 $6.250000000e-02, v21  }
0x9b: {  	v54 =	vmul.f32 v19, v17;
	v55 =	vmul.f32 v19, v18;
	v20 =	vand.u32 $0xFFFF0000, v20  }
0x9c: {  	v58 =	vld [tilespmem:s25+$0x18000];
	v17 =	vmul.f32 v20, v17;
	v22 =	vadd.f32 v23, v22;
	v23 =	vshrl.u32 v21, $0x10  }
0x9d: {  	v31 =	vld [tilespmem:s25+$0x18080];
	v18 =	vmul.f32 v20, v18;
	v57 =	vmul.f32 v20, v15;
	v23 =	vand.u32 $0x1, v23  }
0x9e: {  	v32 =	vld [tilespmem:s25+$0x18100];
	v59 =	vmul.f32 v20, v13;
	v30 =	vmul.f32 v20, v16;
	v21 =	vadd.s32 v23, v21  }
0x9f: {  	v10 =	vadd.f32 v18, v10;
	v22 =	vadd.f32 v56, v22;
	v18 =	vadd.s32 $0x7FFF, v21  }
0xa0: {  	v20 =	vmul.f32 v20, v14;
	v9 =	vadd.f32 v17, v9;
	v17 =	vld [tilespmem:s25+$0x18180];
	v18 =	vand.u32 $0xFFFF0000, v18  }
0xa1: {  	v21 =	vld [tilespmem:s25+$0x18200];
	v22 =	vmul.f32 $6.250000000e-02, v22;
	v60 =	vmul.f32 v18, v58  }
0xa2: {  	v12 =	vadd.f32 v57, v12;
	v11 =	vadd.f32 v20, v11;
	v61 =	vmul.f32 v18, v31  }
0xa3: {  	v23 =	vld [tilespmem:s25+$0x18280];
	v20 =	vshrl.u32 v22, $0x10;
	v62 =	vmul.f32 v18, v32;
	v9 =	vadd.f32 v60, v9  }
0xa4: {  	v7 =	vadd.f32 v59, v7;
	v20 =	vand.u32 $0x1, v20;
	v10 =	vadd.f32 v61, v10  }
0xa5: {  	v20 =	vadd.s32 v20, v22;
	v22 =	vmul.f32 v18, v17;
	v12 =	vadd.f32 v62, v12;
	(xrf2) =	vadd.scan.msk.f32 $0xffff, v9  }
0xa6: {  	v8 =	vadd.f32 v30, v8;
	v63 =	vmul.f32 v18, v21;
	(xrf2) =	vadd.scan.msk.f32 $0xffff, v10  }
0xa7: {  	v6 =	vadd.f32 v54, v6;
	v20 =	vadd.s32 $0x7FFF, v20;
	v7 =	vadd.f32 v22, v7;
	(xrf2) =	vadd.scan.msk.f32 $0xffff, v12  }
0xa8: {  	v18 =	vmul.f32 v18, v23;
	v9 =	vand.u32 $0xFFFF0000, v20;
	v8 =	vadd.f32 v63, v8  }
0xa9: {  	v5 =	vadd.f32 v55, v5;
	v10 =	vmul.f32 v9, v58;
	v12 =	vmul.f32 v9, v31;
	(xrf2) =	vadd.scan.msk.f32 $0xffff, v7  }
0xaa: {  	v11 =	vadd.f32 v18, v11;
	(xrf2) =	vadd.scan.msk.f32 $0xffff, v8  }
0xab: {  	v6 =	vadd.f32 v10, v6;
	v5 =	vadd.f32 v12, v5  }
0xac: {  	(xrf2) =	vadd.scan.msk.f32 $0xffff, v11  }
0xad: {  	(xrf2) =	vadd.scan.msk.f32 $0xffff, v6;
	_ =	sdelay $0x1  }
0xae: {  	v6 =	vmul.f32 v19, v15;
	(xrf2) =	vadd.scan.msk.f32 $0xffff, v5;
	v5, _, _ =	vpop (xrf2)  }
0xaf: {  	v7, _, _ =	vpop (xrf2);
	(v2sf) =	vpush v5, $0xF  }
0xb0: {  	v4 =	vadd.f32 v6, v4;
	v6 =	vmul.f32 v9, v32;
	v5, _, _ =	vpop (xrf2);
	(v2sf) =	vpush v7, $0xF  }
0xb1: {  	(v2sf) =	vpush v5, $0xF  }
0xb2: {  	v8 =	vmul.f32 v19, v13;
	v4 =	vadd.f32 v6, v4;
	v7, _, _ =	vpop (xrf2)  }
0xb3: {  	v5, _, _ =	vpop (xrf2);
	(v2sf) =	vpush v7, $0xF  }
0xb4: {  	v3 =	vadd.f32 v8, v3;
	v6 =	vmul.f32 v9, v17;
	(xrf2) =	vadd.scan.msk.f32 $0xffff, v4;
	(v2sf) =	vpush v5, $0xF  }
0xb5: {  	v10 =	vmul.f32 v19, v16;
	v5, _, _ =	vpop (xrf2)  }
0xb6: {  	v3 =	vadd.f32 v6, v3;
	(v2sf) =	vpush v5, $0xF;
	v5, _, _ =	vpop (xrf2)  }
0xb7: {  	v2 =	vadd.f32 v10, v2;
	v7 =	vmul.f32 v9, v21;
	(v2sf) =	vpush v5, $0xF  }
0xb8: {  	(xrf2) =	vadd.scan.msk.f32 $0xffff, v3  }
0xb9: {  	v2 =	vadd.f32 v7, v2;
	_ =	sdelay $0x1  }
0xba: {  	v4, _, _ =	vpop (xrf2);
	(xrf2) =	vadd.scan.msk.f32 $0xffff, v2  }
0xbb: {  	(v2sf) =	vpush v4, $0xF  }
0xbc: {  	s2 =	simm.s32 $0x1;
	s14 =	simm.s32 $0x2  }
0xbd: {  	s6 =	simm.s32 $0x4;
	s7 =	simm.s32 $0x8;
	v2, _, _ =	vpop (xrf2);
	s0 =	spop (v2sf)  }
0xbe: {  	s11 =	simm.s32 $0x10;
	s5 =	smul.u32 $0xC, s24;
	(v2sf) =	vpush v2, $0xF;
	v2 =	vmul.f32 v19, v14;
	s3 =	spop (v2sf)  }
0xbf: {  	p0 =	sgt.f32 s0, $0.0e+00;
	s16 =	sand.u32 $0x7FFFFFFF, s0;
	s12 =	spop (v2sf)  }
0xc0: {  	v1 =	vadd.f32 v2, v1;
	v2 =	vmul.f32 v9, v23;
	p1 =	sgt.f32 s3, $0.0e+00;
	s3 =	sand.u32 $0x7FFFFFFF, s3;
	s0 =	smov.u32 s16  }
0xc1: {  	v3, _, _ =	vpop (xrf2);
	s29 =	spop (v2sf);
	s2 =	simm.s32 @!p0 $0x0;
	p0 =	slt.f32 s3, s16  }
0xc2: {  	(v2sf) =	vpush v3, $0xF;
	p2 =	sgt.f32 s12, $0.0e+00;
	s25 =	sand.u32 $0x7FFFFFFF, s12;
	s30 =	spop (v2sf);
	v1 =	vadd.f32 v2, v1  }
0xc3: {  	s14 =	simm.s32 @!p1 $0x0;
	p3 =	sgt.f32 s29, $0.0e+00;
	s29 =	sand.u32 $0x7FFFFFFF, s29  }
0xc4: {  	v3, _, _ =	vpop (xrf2);
	s31 =	spop (v2sf);
	s0 =	smov.u32 @p0 s3;
	s6 =	simm.s32 @!p2 $0x0;
	(xrf2) =	vadd.scan.msk.f32 $0xffff, v1  }
0xc5: {  	(v2sf) =	vpush v3, $0xF;
	s3 =	sadd.f32 s3, s16;
	s2 =	sor.u32 s2, s14;
	s26 =	spop (v2sf)  }
0xc6: {  	p1 =	slt.f32 s25, s0;
	s7 =	simm.s32 @!p3 $0x0;
	p3 =	sgt.f32 s30, $0.0e+00  }
0xc7: {  	s30 =	sand.u32 $0x7FFFFFFF, s30;
	s2 =	sor.u32 s6, s2;
	s3 =	sadd.f32 s25, s3  }
0xc8: {  	s2 =	sor.u32 s7, s2;
	s0 =	smov.u32 @p1 s25;
	s11 =	simm.s32 @!p3 $0x0  }
0xc9: {  	s25 =	simm.s32 $0x2;
	p2 =	slt.f32 s29, s0;
	s3 =	sadd.f32 s29, s3  }
0xca: {  	s28 =	spop (v2sf);
	s25 =	simm.s32 @!p0 $0x1;
	s2 =	sor.u32 s11, s2  }
0xcb: {  	s25 =	simm.s32 @p1 $0x4;
	s0 =	smov.u32 @p2 s29;
	s3 =	sadd.f32 s30, s3  }
0xcc: {  	p1 =	sgt.f32 s31, $0.0e+00;
	s31 =	sand.u32 $0x7FFFFFFF, s31;
	p0 =	slt.f32 s30, s0  }
0xcd: {  	s11 =	simm.s32 $0x4;
	s25 =	simm.s32 @p2 $0x8;
	s6 =	sadd.f32 s31, s3  }
0xce: {  	s0 =	smov.u32 @p0 s30;
	s25 =	simm.s32 @p0 $0x10;
	p0 =	sgt.f32 s26, $0.0e+00;
	v1, _, _ =	vpop (xrf2)  }
0xcf: {  	s26 =	sand.u32 $0x7FFFFFFF, s26;
	s13 =	spop (v2sf);
	p2 =	slt.f32 s31, s0;
	(v2sf) =	vpush v1, $0xF  }
0xd0: {  	s0 =	simm.s32 $0x20;
	s31 =	smul.u32 $0x6, s24;
	s30 =	smov.u32 s26  }
0xd1: {  	s6 =	smul.f32 $1.666666720e-01, s6;
	s29 =	spop (v2sf);
	s0 =	simm.s32 @!p1 $0x0  }
0xd2: {  	p1 =	sgt.f32 s28, $0.0e+00;
	s28 =	sand.u32 $0x7FFFFFFF, s28;
	s16 =	sand.u32 $0x7FFFFFFF, s13  }
0xd3: {  	s25 =	simm.s32 @p2 $0x20;
	s3 =	sor.u32 s0, s2;
	s0 =	simm.s32 $0x1  }
0xd4: {  	s2 =	simm.s32 $0x2;
	p2 =	sgt.f32 s13, $0.0e+00;
	s15 =	spop (v2sf)  }
0xd5: {  	s0 =	simm.s32 @!p0 $0x0;
	s2 =	simm.s32 @!p1 $0x0;
	p0 =	slt.f32 s28, s26  }
0xd6: {  	p1 =	sgt.f32 s29, $0.0e+00;
	s11 =	simm.s32 @!p2 $0x0;
	s0 =	sor.u32 s0, s2  }
0xd7: {  	s0 =	sor.u32 s11, s0;
	s11 =	simm.s32 $0x8;
	s30 =	smov.u32 @p0 s28  }
0xd8: {  	p2 =	sgt.f32 s15, $0.0e+00;
	s11 =	simm.s32 @!p1 $0x0;
	p1 =	slt.f32 s16, s30  }
0xd9: {  	s13 =	sor.u32 $0x1, s31;
	s26 =	sadd.f32 s28, s26;
	s28 =	simm.s32 $0x10  }
0xda: {  	s29 =	sand.u32 $0x7FFFFFFF, s29;
	s28 =	simm.s32 @!p2 $0x0;
	s30 =	smov.u32 @p1 s16  }
0xdb: {  	s0 =	sor.u32 s11, s0;
	s16 =	sadd.f32 s16, s26;
	p2 =	slt.f32 s29, s30  }
0xdc: {  	s14 =	sand.u32 $0x7FFFFFFF, s15;
	s26 =	simm.s32 $0x2;
	s0 =	sor.u32 s28, s0  }
0xdd: {  	s26 =	simm.s32 @!p0 $0x1;
	s16 =	sadd.f32 s29, s16;
	s30 =	smov.u32 @p2 s29  }
0xde: {  	s26 =	simm.s32 @p1 $0x4;
	p1 =	slt.f32 s14, s30;
	s12 =	spop (v2sf)  }
0xdf: {  	v1 =	vmov s31;
	s28 =	simm.s32 $0x20;
	s26 =	simm.s32 @p2 $0x8;
	p0 =	sgt.f32 s12, $0.0e+00  }
0xe0: {  	v2 =	vadd.s32 s5, v0;
	v1 =	vbroadcast v1, $0x0;
	s15 =	sadd.f32 s14, s16;
	s30 =	smov.u32 @p1 s14;
	s11 =	sand.u32 $0x7FFFFFFF, s12  }
0xe1: {  	s16 =	sshll.u32 s13, $0x1;
	s28 =	simm.s32 @!p0 $0x0;
	p0 =	slt.f32 s11, s30  }
0xe2: {  	s31 =	sxor.u32 s3, s25;
	v3 =	vadd.s32 s16, v0;
	s26 =	simm.s32 @p1 $0x10;
	s7 =	sadd.f32 s11, s15  }
0xe3: {  	vm0 =	veq.s32 v0, $0x0;
	v5 =	vmov s13;
	v4 =	vmov s31;
	s0 =	sor.u32 s28, s0;
	s26 =	simm.s32 @p0 $0x20;
	p0 =	seq.s32 s24, $0x3  }
0xe4: {  	v4 =	vsel vm0, s3, v4;
	s5 =	sxor.u32 s0, s26;
	s26 =	smul.u32 @!p0 $0x18000, s24  }
0xe5: {  	[tilespmem:v2+s20+$0x0] =	vst.idx.msk $0x3, v4;
	v2 =	vmov s6;
	s11 =	smul.f32 $1.666666720e-01, s7;
	v4 =	vmov s5  }
0xe6: {  	[tilespmem:v1+s21+$0x0] =	vst.idx.msk $0x1, v2;
	v1 =	vsel vm0, s0, v4;
	s0 =	sadd.s32 @!p0 s26, s8  }
0xe7: {  	[tilespmem:v3+s20+$0x0] =	vst.idx.msk $0x3, v1;
	v1 =	vmov s11;
	s0 =	sshrl.u32 @!p0 s0, $0x3  }
0xe8: {  	s2 =	simm.s32 @!p0 $0x0;
	[tilespmem:v5+s21+$0x0] =	vst.idx.msk $0x1, v1;
	s0 =	sadd.s32 @!p0 s1, s0  }
0xe9: {  	[tilespmem:s2], [sflag:$0x1] =	stream.linear.gather @!p0 [hbm4b:s0+s2], $0x8000, $0x38;
	[tilespmem:$0x1A100] =	vst v63  }
0xea: {  	s12 =	simm.s32 $0x0;
	_ =	swait.ge [sflag:s19], $0x8000  }
0xeb: {  	s13 =	sand.u32 $0x70, s12;
	s0 =	sand.u32 $0x1C00, s12;
	[sflag:s19] =	ssyncset.done $0x0  }
0xec: {  	s14 =	sor.u32 s13, s0;
	[sflag:s19] =	ssyncadd.s32 $0xFFFF8000  }
0xed: {  	v1 =	vld [tilespmem:s14+$0xC000]  }
0xee: {  	v2 =	vld [tilespmem:s14+$0xC080]  }
0xef: {  	v3 =	vld [tilespmem:s14+$0x8000]  }
0xf0: {  	v4 =	vld [tilespmem:s14+$0xC100]  }
0xf1: {  	v5 =	vld [tilespmem:s14+$0x8080]  }
0xf2: {  	v6 =	vld [tilespmem:s14+$0xC180]  }
0xf3: {  	v7 =	vld [tilespmem:s14+$0x8100]  }
0xf4: {  	v8 =	vld [tilespmem:s14+$0x8180];
	v1 =	vadd.f32 v2, v1  }
0xf5: {  	v2 =	vld [tilespmem:s14+$0xC200]  }
0xf6: {  	v3 =	vadd.f32 v5, v3;
	v5 =	vld [tilespmem:s14+$0x8200];
	v1 =	vadd.f32 v4, v1  }
0xf7: {  	v4 =	vld [tilespmem:s14+$0xC280]  }
0xf8: {  	v3 =	vadd.f32 v7, v3;
	v7 =	vld [tilespmem:s14+$0x8280];
	v1 =	vadd.f32 v6, v1  }
0xf9: {  	v6 =	vld [tilespmem:s14+$0xC300]  }
0xfa: {  	v1 =	vadd.f32 v2, v1;
	v2 =	vadd.f32 v8, v3;
	v3 =	vld [tilespmem:s14+$0xC380]  }
0xfb: {  	v8 =	vld [tilespmem:s14+$0x8300]  }
0xfc: {  	v1 =	vadd.f32 v4, v1;
	v2 =	vadd.f32 v5, v2;
	v4 =	vld [tilespmem:s14+$0xE000]  }
0xfd: {  	v5 =	vld [tilespmem:s14+$0x8380]  }
0xfe: {  	v1 =	vadd.f32 v6, v1;
	v2 =	vadd.f32 v7, v2;
	v6 =	vld [tilespmem:s14+$0xE080]  }
0xff: {  	v7 =	vld [tilespmem:s14+$0xA000]  }
0x100: {  	v1 =	vadd.f32 v3, v1;
	v2 =	vadd.f32 v8, v2;
	v3 =	vld [tilespmem:s14+$0xE100]  }
0x101: {  	v8 =	vld [tilespmem:s14+$0xA080]  }
0x102: {  	v1 =	vadd.f32 v4, v1;
	v2 =	vadd.f32 v5, v2;
	v4 =	vld [tilespmem:s14+$0xE180]  }
0x103: {  	v5 =	vld [tilespmem:s14+$0xA100]  }
0x104: {  	v1 =	vadd.f32 v6, v1;
	v2 =	vadd.f32 v7, v2;
	v6 =	vld [tilespmem:s14+$0xE200]  }
0x105: {  	v7 =	vld [tilespmem:s14+$0xA180]  }
0x106: {  	v1 =	vadd.f32 v3, v1;
	v2 =	vadd.f32 v8, v2;
	v3 =	vld [tilespmem:s14+$0xE280]  }
0x107: {  	v8 =	vld [tilespmem:s14+$0xA200]  }
0x108: {  	v1 =	vadd.f32 v4, v1;
	v2 =	vadd.f32 v5, v2;
	v4 =	vld [tilespmem:s14+$0xE300]  }
0x109: {  	v5 =	vld [tilespmem:s14+$0xA280]  }
0x10a: {  	v1 =	vadd.f32 v6, v1;
	v2 =	vadd.f32 v7, v2;
	v6 =	vld [tilespmem:s14+$0xE380]  }
0x10b: {  	v7 =	vld [tilespmem:s14+$0xA300]  }
0x10c: {  	v1 =	vadd.f32 v3, v1;
	v2 =	vadd.f32 v8, v2  }
0x10d: {  	v3 =	vld [tilespmem:s14+$0xA380]  }
0x10e: {  	v12 =	vimm.f32 $0.0e+00;
	v16 =	vld [tilespmem:s14+$0x18000];
	v1 =	vadd.f32 v4, v1;
	v2 =	vadd.f32 v5, v2  }
0x10f: {  	v10 =	vimm.f32 $0.0e+00;
	v11 =	vimm.f32 $0.0e+00;
	v9 =	vimm.f32 $0.0e+00;
	v17 =	vld [tilespmem:s14+$0x18080]  }
0x110: {  	v18 =	vld [tilespmem:s14+$0x18100];
	v8 =	vimm.f32 $0.0e+00;
	v4 =	vadd.f32 v6, v1;
	v2 =	vadd.f32 v7, v2  }
0x111: {  	s29 =	simm.s32 $0x80;
	s15 =	simm.s32 $0x10;
	v15 =	vld [tilespmem:s14+$0x18180];
	v5 =	vimm.f32 $0.0e+00;
	v1 =	vimm.f32 $0.0e+00;
	v7 =	vimm.f32 $0.0e+00  }
0x112: {  	s16 =	sand.u32 $0x1C00, s29;
	s0 =	sand.u32 $0x70, s15;
	v14 =	vld [tilespmem:s14+$0x18200];
	v6 =	vimm.f32 $0.0e+00;
	v19 =	vmul.f32 $6.250000000e-02, v4;
	v20 =	vadd.f32 v3, v2  }
0x113: {  	s25 =	smul.u32 $0x3, s24;
	s30 =	simm.s32 $0x20;
	s28 =	sor.u32 s0, s16;
	v13 =	vld [tilespmem:s14+$0x18280];
	v4 =	vimm.f32 $0.0e+00;
	v3 =	vimm.f32 $0.0e+00;
	v2 =	vimm.f32 $0.0e+00  }
.LBB2_5:
0x114: {  	p1 =	sne.s32 s30, $0x3F0;
	v21 =	vld [tilespmem:s28+$0xC000];
	v22 =	vshrl.u32 v19, $0x10  }
0x115: {  	v23 =	vld [tilespmem:s28+$0xC080];
	v20 =	vmul.f32 $6.250000000e-02, v20;
	v22 =	vand.u32 $0x1, v22  }
0x116: {  	v24 =	vld [tilespmem:s28+$0x8000];
	v19 =	vadd.s32 v22, v19  }
0x117: {  	v22 =	vld [tilespmem:s28+$0xC100];
	v25 =	vshrl.u32 v20, $0x10;
	v19 =	vadd.s32 $0x7FFF, v19  }
0x118: {  	v26 =	vld [tilespmem:s28+$0x8080];
	v25 =	vand.u32 $0x1, v25;
	v19 =	vand.u32 $0xFFFF0000, v19  }
0x119: {  	v27 =	vld [tilespmem:s28+$0xC180];
	v20 =	vadd.s32 v25, v20;
	v25 =	vmul.f32 v19, v16;
	v28 =	vmul.f32 v19, v13  }
0x11a: {  	v29 =	vld [tilespmem:s28+$0x8100];
	v21 =	vadd.f32 v23, v21;
	v20 =	vadd.s32 $0x7FFF, v20;
	v23 =	vmul.f32 v19, v17  }
0x11b: {  	v31 =	vmul.f32 v19, v18;
	v30 =	vld [tilespmem:s28+$0xC200];
	v20 =	vand.u32 $0xFFFF0000, v20;
	v1 =	vadd.f32 v28, v1  }
0x11c: {  	v28 =	vld [tilespmem:s28+$0x8180];
	v21 =	vadd.f32 v22, v21;
	v16 =	vmul.f32 v20, v16;
	v17 =	vmul.f32 v20, v17  }
0x11d: {  	v18 =	vmul.f32 v20, v18;
	v22 =	vadd.f32 v26, v24;
	v24 =	vld [tilespmem:s28+$0xC280];
	v26 =	vmul.f32 v20, v15  }
0x11e: {  	v13 =	vmul.f32 v20, v13;
	v32 =	vld [tilespmem:s28+$0x8200];
	v21 =	vadd.f32 v27, v21;
	v27 =	vmul.f32 v20, v14  }
0x11f: {  	v15 =	vmul.f32 v19, v15;
	v14 =	vmul.f32 v19, v14;
	v20 =	vadd.f32 v29, v22;
	v22 =	vld [tilespmem:s28+$0xC300]  }
0x120: {  	v10 =	vadd.f32 v16, v10;
	v19 =	vld [tilespmem:s28+$0x8280];
	v21 =	vadd.f32 v30, v21  }
0x121: {  	v11 =	vadd.f32 v17, v11;
	v16 =	vadd.f32 v28, v20;
	v20 =	vld [tilespmem:s28+$0xC380]  }
0x122: {  	v12 =	vadd.f32 v18, v12;
	v17 =	vld [tilespmem:s28+$0x8300];
	v21 =	vadd.f32 v24, v21  }
0x123: {  	v7 =	vadd.f32 v26, v7;
	v16 =	vadd.f32 v32, v16;
	v18 =	vld [tilespmem:s28+$0xE000]  }
0x124: {  	v8 =	vadd.f32 v27, v8;
	v24 =	vld [tilespmem:s28+$0x8380];
	v21 =	vadd.f32 v22, v21  }
0x125: {  	v9 =	vadd.f32 v13, v9;
	v16 =	vadd.f32 v19, v16;
	v19 =	vld [tilespmem:s28+$0xE080]  }
0x126: {  	v6 =	vadd.f32 v25, v6;
	v13 =	vld [tilespmem:s28+$0xA000];
	v20 =	vadd.f32 v20, v21  }
0x127: {  	v4 =	vadd.f32 v23, v4;
	v16 =	vadd.f32 v17, v16;
	v17 =	vld [tilespmem:s28+$0xE100]  }
0x128: {  	v5 =	vadd.f32 v31, v5;
	v21 =	vld [tilespmem:s28+$0xA080];
	v18 =	vadd.f32 v18, v20  }
0x129: {  	v3 =	vadd.f32 v15, v3;
	v16 =	vadd.f32 v24, v16;
	v20 =	vld [tilespmem:s28+$0xE180]  }
0x12a: {  	v2 =	vadd.f32 v14, v2;
	v15 =	vld [tilespmem:s28+$0xA100];
	v18 =	vadd.f32 v19, v18  }
0x12b: {  	v13 =	vadd.f32 v13, v16;
	v14 =	vld [tilespmem:s28+$0xE200]  }
0x12c: {  	v16 =	vld [tilespmem:s28+$0xA180];
	v17 =	vadd.f32 v17, v18  }
0x12d: {  	v13 =	vadd.f32 v21, v13;
	v18 =	vld [tilespmem:s28+$0xE280]  }
0x12e: {  	v19 =	vld [tilespmem:s28+$0xA200];
	v17 =	vadd.f32 v20, v17  }
0x12f: {  	v13 =	vadd.f32 v15, v13;
	v15 =	vld [tilespmem:s28+$0xE300]  }
0x130: {  	v20 =	vld [tilespmem:s28+$0xA280];
	v14 =	vadd.f32 v14, v17  }
0x131: {  	v13 =	vadd.f32 v16, v13;
	v21 =	vld [tilespmem:s28+$0xE380]  }
0x132: {  	v22 =	vld [tilespmem:s28+$0xA300];
	v14 =	vadd.f32 v18, v14  }
0x133: {  	v13 =	vadd.f32 v19, v13;
	v23 =	vld [tilespmem:s28+$0xA380]  }
0x134: {  	v16 =	vld [tilespmem:s28+$0x18000];
	v14 =	vadd.f32 v15, v14  }
.Ltmp3:
0x135: {  	v17 =	vld [tilespmem:s28+$0x18080];
	v13 =	vadd.f32 v20, v13;
	(pc) =	sbr.rel @p1 .LBB2_5-.Ltmp3, $4  }
0x136: {  	v18 =	vld [tilespmem:s28+$0x18100];
	v19 =	vadd.f32 v21, v14  }
0x137: {  	s29 =	sadd.s32 $0x80, s29;
	v15 =	vld [tilespmem:s28+$0x18180];
	v20 =	vadd.f32 v22, v13  }
0x138: {  	s0 =	sand.u32 $0x70, s30;
	s2 =	sand.u32 $0x1C00, s29;
	v14 =	vld [tilespmem:s28+$0x18200];
	v19 =	vmul.f32 $6.250000000e-02, v19  }
0x139: {  	s30 =	sadd.s32 $0x10, s30;
	v13 =	vld [tilespmem:s28+$0x18280];
	s28 =	sor.u32 s0, s2;
	v20 =	vadd.f32 v23, v20  }
0x13a: {  	v21 =	vld [tilespmem:s28+$0x8000]  }
0x13b: {  	v22 =	vld [tilespmem:s28+$0x8080];
	_ =	sdelay $0x1  }
0x13c: {  	v23 =	vld [tilespmem:s28+$0x8100]  }
0x13d: {  	v24 =	vld [tilespmem:s28+$0xC000]  }
0x13e: {  	v25 =	vld [tilespmem:s28+$0x8180]  }
0x13f: {  	v26 =	vld [tilespmem:s28+$0xC080];
	v21 =	vadd.f32 v22, v21  }
0x140: {  	v22 =	vld [tilespmem:s28+$0x8200]  }
0x141: {  	v27 =	vld [tilespmem:s28+$0xC100];
	v21 =	vadd.f32 v23, v21  }
0x142: {  	v23 =	vld [tilespmem:s28+$0x8280]  }
0x143: {  	v28 =	vld [tilespmem:s28+$0xC180];
	v21 =	vadd.f32 v25, v21  }
0x144: {  	v39 =	vld [tilespmem:s28+$0x8300];
	v24 =	vadd.f32 v26, v24  }
0x145: {  	v40 =	vld [tilespmem:s28+$0xC200];
	v21 =	vadd.f32 v22, v21  }
0x146: {  	v24 =	vadd.f32 v27, v24;
	v22 =	vld [tilespmem:s28+$0x8380]  }
0x147: {  	v41 =	vld [tilespmem:s28+$0xC280];
	v21 =	vadd.f32 v23, v21  }
0x148: {  	v24 =	vadd.f32 v28, v24;
	v23 =	vld [tilespmem:s28+$0xA000]  }
0x149: {  	v42 =	vld [tilespmem:s28+$0xC300];
	v21 =	vadd.f32 v39, v21  }
0x14a: {  	v43 =	vld [tilespmem:s28+$0xA080];
	v24 =	vadd.f32 v40, v24  }
0x14b: {  	v44 =	vld [tilespmem:s28+$0xC380];
	v21 =	vadd.f32 v22, v21  }
0x14c: {  	v24 =	vadd.f32 v41, v24;
	v22 =	vld [tilespmem:s28+$0xA100]  }
0x14d: {  	v45 =	vld [tilespmem:s28+$0xE000];
	v21 =	vadd.f32 v23, v21  }
0x14e: {  	v24 =	vadd.f32 v42, v24;
	v23 =	vld [tilespmem:s28+$0xA180]  }
0x14f: {  	v46 =	vld [tilespmem:s28+$0xE080];
	v21 =	vadd.f32 v43, v21  }
0x150: {  	v47 =	vld [tilespmem:s28+$0xA200];
	v24 =	vadd.f32 v44, v24  }
0x151: {  	v48 =	vld [tilespmem:s28+$0xE100];
	v21 =	vadd.f32 v22, v21  }
0x152: {  	v24 =	vadd.f32 v45, v24;
	v22 =	vld [tilespmem:s28+$0xA280]  }
0x153: {  	v49 =	vld [tilespmem:s28+$0xE180];
	v21 =	vadd.f32 v23, v21  }
0x154: {  	v29 =	vld [tilespmem:s28+$0xA300];
	v24 =	vadd.f32 v46, v24;
	v23 =	vshrl.u32 v19, $0x10  }
0x155: {  	v50 =	vld [tilespmem:s28+$0xE200];
	v23 =	vand.u32 $0x1, v23;
	v21 =	vadd.f32 v47, v21  }
0x156: {  	v24 =	vadd.f32 v48, v24;
	v19 =	vadd.s32 v23, v19;
	v23 =	vld [tilespmem:s28+$0xA380]  }
0x157: {  	v52 =	vld [tilespmem:s28+$0xE280];
	v20 =	vmul.f32 $6.250000000e-02, v20;
	v21 =	vadd.f32 v22, v21  }
0x158: {  	v24 =	vadd.f32 v49, v24  }
0x159: {  	v53 =	vld [tilespmem:s28+$0xE300];
	v51 =	vshrl.u32 v20, $0x10;
	v21 =	vadd.f32 v29, v21  }
0x15a: {  	v24 =	vadd.f32 v50, v24;
	v19 =	vadd.s32 $0x7FFF, v19;
	v22 =	vand.u32 $0x1, v51  }
0x15b: {  	v19 =	vand.u32 $0xFFFF0000, v19;
	v20 =	vadd.s32 v22, v20;
	v21 =	vadd.f32 v23, v21  }
0x15c: {  	v55 =	vld [tilespmem:s28+$0xE380];
	v24 =	vadd.f32 v52, v24;
	v22 =	vmul.f32 v19, v16;
	v20 =	vadd.s32 $0x7FFF, v20  }
0x15d: {  	v54 =	vmul.f32 v19, v18;
	v20 =	vand.u32 $0xFFFF0000, v20;
	v21 =	vmul.f32 $6.250000000e-02, v21  }
0x15e: {  	v24 =	vadd.f32 v53, v24;
	v23 =	vmul.f32 v19, v17;
	v16 =	vmul.f32 v20, v16  }
0x15f: {  	v57 =	vld [tilespmem:s28+$0x18000];
	v17 =	vmul.f32 v20, v17;
	v18 =	vmul.f32 v20, v18;
	v58 =	vshrl.u32 v21, $0x10  }
0x160: {  	v31 =	vld [tilespmem:s28+$0x18080];
	v56 =	vmul.f32 v20, v15;
	v30 =	vmul.f32 v20, v14;
	v26 =	vand.u32 $0x1, v58  }
0x161: {  	v32 =	vld [tilespmem:s28+$0x18100];
	v20 =	vmul.f32 v20, v13;
	v24 =	vadd.f32 v55, v24;
	v21 =	vadd.s32 v26, v21  }
0x162: {  	v10 =	vadd.f32 v16, v10;
	v11 =	vadd.f32 v17, v11;
	v16 =	vld [tilespmem:s28+$0x18180];
	v17 =	vadd.s32 $0x7FFF, v21  }
0x163: {  	v12 =	vadd.f32 v18, v12;
	v18 =	vld [tilespmem:s28+$0x18200];
	v21 =	vmul.f32 $6.250000000e-02, v24;
	v17 =	vand.u32 $0xFFFF0000, v17  }
0x164: {  	v6 =	vadd.f32 v22, v6;
	v7 =	vadd.f32 v56, v7;
	v60 =	vmul.f32 v17, v57  }
0x165: {  	v59 =	vld [tilespmem:s28+$0x18280];
	v9 =	vadd.f32 v20, v9;
	v20 =	vshrl.u32 v21, $0x10;
	v61 =	vmul.f32 v17, v31  }
0x166: {  	v62 =	vmul.f32 v17, v32;
	v20 =	vand.u32 $0x1, v20;
	v10 =	vadd.f32 v60, v10  }
0x167: {  	v20 =	vadd.s32 v20, v21;
	v21 =	vmul.f32 v17, v16;
	v11 =	vadd.f32 v61, v11  }
0x168: {  	v8 =	vadd.f32 v30, v8;
	v63 =	vmul.f32 v17, v18;
	v12 =	vadd.f32 v62, v12;
	(xrf2) =	vadd.scan.msk.f32 $0xffff, v10  }
0x169: {  	v15 =	vmul.f32 v19, v15;
	v20 =	vadd.s32 $0x7FFF, v20;
	v7 =	vadd.f32 v21, v7;
	(xrf2) =	vadd.scan.msk.f32 $0xffff, v11  }
0x16a: {  	v17 =	vmul.f32 v17, v59;
	v8 =	vadd.f32 v63, v8;
	v10 =	vand.u32 $0xFFFF0000, v20;
	(xrf2) =	vadd.scan.msk.f32 $0xffff, v12  }
0x16b: {  	v4 =	vadd.f32 v23, v4;
	v3 =	vadd.f32 v15, v3;
	v11 =	vmul.f32 v10, v57;
	(xrf2) =	vadd.scan.msk.f32 $0xffff, v7  }
0x16c: {  	v9 =	vadd.f32 v17, v9;
	v12 =	vmul.f32 v10, v31;
	(xrf2) =	vadd.scan.msk.f32 $0xffff, v8;
	v8 =	vmul.f32 v10, v16  }
0x16d: {  	v5 =	vadd.f32 v54, v5;
	v7 =	vmul.f32 v10, v32;
	v6 =	vadd.f32 v11, v6  }
0x16e: {  	v4 =	vadd.f32 v12, v4;
	(xrf2) =	vadd.scan.msk.f32 $0xffff, v9;
	v3 =	vadd.f32 v8, v3  }
0x16f: {  	v5 =	vadd.f32 v7, v5;
	(xrf2) =	vadd.scan.msk.f32 $0xffff, v6;
	v6 =	vmul.f32 v19, v14  }
0x170: {  	(xrf2) =	vadd.scan.msk.f32 $0xffff, v4  }
0x171: {  	v4 =	vmul.f32 v10, v18;
	(xrf2) =	vadd.scan.msk.f32 $0xffff, v5;
	v2 =	vadd.f32 v6, v2  }
0x172: {  	(xrf2) =	vadd.scan.msk.f32 $0xffff, v3;
	v3, _, _ =	vpop (xrf2)  }
0x173: {  	v2 =	vadd.f32 v4, v2;
	v5, _, _ =	vpop (xrf2);
	(v2sf) =	vpush v3, $0xF  }
0x174: {  	v3, _, _ =	vpop (xrf2);
	(v2sf) =	vpush v5, $0xF  }
0x175: {  	(v2sf) =	vpush v3, $0xF;
	v3, _, _ =	vpop (xrf2)  }
0x176: {  	(v2sf) =	vpush v3, $0xF  }
0x177: {  	(xrf2) =	vadd.scan.msk.f32 $0xffff, v2;
	v2, _, _ =	vpop (xrf2)  }
0x178: {  	v3, _, _ =	vpop (xrf2);
	(v2sf) =	vpush v2, $0xF  }
0x179: {  	(v2sf) =	vpush v3, $0xF  }
0x17a: {  	v2, _, _ =	vpop (xrf2)  }
0x17b: {  	(v2sf) =	vpush v2, $0xF  }
0x17c: {  	v3, _, _ =	vpop (xrf2)  }
0x17d: {  	(v2sf) =	vpush v3, $0xF  }
0x17e: {  	v2, _, _ =	vpop (xrf2)  }
0x17f: {  	(v2sf) =	vpush v2, $0xF  }
0x180: {  	v2 =	vmul.f32 v19, v13  }
0x181: {  	v3, _, _ =	vpop (xrf2)  }
0x182: {  	s31 =	simm.s32 $0x2;
	(v2sf) =	vpush v3, $0xF;
	v1 =	vadd.f32 v2, v1;
	v2 =	vmul.f32 v10, v59;
	s2 =	spop (v2sf)  }
0x183: {  	s5 =	simm.s32 $0x4;
	s15 =	simm.s32 $0x8;
	v3, _, _ =	vpop (xrf2);
	s6 =	spop (v2sf)  }
0x184: {  	(v2sf) =	vpush v3, $0xF;
	v1 =	vadd.f32 v2, v1;
	p1 =	sgt.f32 s2, $0.0e+00;
	s13 =	sand.u32 $0x7FFFFFFF, s2;
	s7 =	spop (v2sf)  }
0x185: {  	s28 =	simm.s32 $0x1;
	s2 =	smov.u32 s13;
	s11 =	spop (v2sf)  }
0x186: {  	(xrf2) =	vadd.scan.msk.f32 $0xffff, v1;
	s28 =	simm.s32 @!p1 $0x0;
	p1 =	sgt.f32 s6, $0.0e+00;
	s6 =	sand.u32 $0x7FFFFFFF, s6  }
0x187: {  	p3 =	sgt.f32 s7, $0.0e+00;
	s7 =	sand.u32 $0x7FFFFFFF, s7;
	s14 =	spop (v2sf)  }
0x188: {  	p4 =	sgt.f32 s11, $0.0e+00;
	s11 =	sand.u32 $0x7FFFFFFF, s11;
	s16 =	spop (v2sf)  }
0x189: {  	s31 =	simm.s32 @!p1 $0x0;
	p1 =	slt.f32 s6, s13;
	s5 =	simm.s32 @!p3 $0x0  }
0x18a: {  	p3 =	sgt.f32 s14, $0.0e+00;
	s14 =	sand.u32 $0x7FFFFFFF, s14;
	s12 =	spop (v2sf)  }
0x18b: {  	s31 =	sor.u32 s28, s31;
	s15 =	simm.s32 @!p4 $0x0;
	s2 =	smov.u32 @p1 s6  }
0x18c: {  	s28 =	simm.s32 $0x2;
	s0 =	spop (v2sf);
	p2 =	slt.f32 s7, s2  }
0x18d: {  	s6 =	sadd.f32 s6, s13;
	s13 =	simm.s32 $0x10;
	s5 =	sor.u32 s5, s31  }
0x18e: {  	s28 =	simm.s32 @!p1 $0x1;
	s3 =	spop (v2sf);
	s2 =	smov.u32 @p2 s7  }
0x18f: {  	s13 =	simm.s32 @!p3 $0x0;
	p3 =	sgt.f32 s16, $0.0e+00;
	p4 =	slt.f32 s11, s2  }
0x190: {  	s5 =	sor.u32 s15, s5;
	s16 =	sand.u32 $0x7FFFFFFF, s16;
	s15 =	sand.u32 $0x7FFFFFFF, s12;
	v1, _, _ =	vpop (xrf2)  }
0x191: {  	s29 =	spop (v2sf);
	s6 =	sadd.f32 s7, s6;
	(v2sf) =	vpush v1, $0xF;
	s2 =	smov.u32 @p4 s11  }
0x192: {  	s5 =	sor.u32 s13, s5;
	s13 =	simm.s32 $0x4;
	p1 =	slt.f32 s14, s2  }
0x193: {  	s28 =	simm.s32 @p2 $0x4;
	s6 =	sadd.f32 s11, s6;
	s30 =	spop (v2sf)  }
0x194: {  	s28 =	simm.s32 @p4 $0x8;
	s11 =	simm.s32 $0x20;
	s2 =	smov.u32 @p1 s14  }
0x195: {  	p4 =	sgt.f32 s30, $0.0e+00;
	s11 =	simm.s32 @!p3 $0x0;
	p2 =	slt.f32 s16, s2  }
0x196: {  	p3 =	sgt.f32 s3, $0.0e+00;
	s14 =	sadd.f32 s14, s6;
	s28 =	simm.s32 @p1 $0x10  }
0x197: {  	s6 =	sand.u32 $0x7FFFFFFF, s0;
	s28 =	simm.s32 @p2 $0x20;
	p2 =	sgt.f32 s12, $0.0e+00  }
0x198: {  	s31 =	sor.u32 s11, s5;
	s11 =	simm.s32 $0x1;
	p1 =	slt.f32 s6, s15  }
0x199: {  	s12 =	smov.u32 s15;
	s11 =	simm.s32 @!p2 $0x0;
	p2 =	sgt.f32 s0, $0.0e+00  }
0x19a: {  	s3 =	sand.u32 $0x7FFFFFFF, s3;
	s12 =	smov.u32 @p1 s6;
	s0 =	simm.s32 $0x2  }
0x19b: {  	s13 =	simm.s32 @!p3 $0x0;
	s0 =	simm.s32 @!p2 $0x0;
	p2 =	slt.f32 s3, s12  }
0x19c: {  	p3 =	sgt.f32 s29, $0.0e+00;
	s2 =	sadd.f32 s16, s14;
	s14 =	sand.u32 $0x7FFFFFFF, s29  }
0x19d: {  	s0 =	sor.u32 s11, s0;
	s11 =	simm.s32 $0x8;
	s12 =	smov.u32 @p2 s3  }
0x19e: {  	s5 =	sadd.f32 s6, s15;
	s11 =	simm.s32 @!p3 $0x0;
	p3 =	slt.f32 s14, s12  }
0x19f: {  	s15 =	sand.u32 $0x7FFFFFFF, s30;
	s6 =	simm.s32 $0x10;
	s2 =	smul.f32 $1.666666720e-01, s2  }
0x1a0: {  	s6 =	simm.s32 @!p4 $0x0;
	s7 =	spop (v2sf);
	s12 =	smov.u32 @p3 s14  }
0x1a1: {  	s0 =	sor.u32 s13, s0;
	s13 =	sadd.s32 $0x1, s25;
	p4 =	slt.f32 s15, s12  }
0x1a2: {  	s3 =	sadd.f32 s3, s5;
	s5 =	simm.s32 $0x20;
	p5 =	sgt.f32 s7, $0.0e+00  }
0x1a3: {  	s16 =	sshll.u32 s13, $0x1;
	s7 =	sand.u32 $0x7FFFFFFF, s7;
	s12 =	smov.u32 @p4 s15  }
0x1a4: {  	s5 =	simm.s32 @!p5 $0x0;
	p5 =	slt.f32 s7, s12;
	s12 =	simm.s32 $0x2  }
0x1a5: {  	s30 =	sshll.u32 s13, $0x2;
	v1 =	vmov s16;
	s3 =	sadd.f32 s14, s3;
	s12 =	simm.s32 @!p1 $0x1  }
0x1a6: {  	s0 =	sor.u32 s11, s0;
	v2 =	vadd.s32 s30, v0;
	v1 =	vbroadcast v1, $0x0;
	s14 =	sshllo.u32 s13, $0x1;
	s12 =	simm.s32 @p2 $0x4  }
0x1a7: {  	s3 =	sadd.f32 s15, s3;
	s16 =	sshll.u32 s14, $0x1;
	s12 =	simm.s32 @p3 $0x8  }
0x1a8: {  	s0 =	sor.u32 s6, s0;
	s30 =	sxor.u32 s31, s28;
	v3 =	vadd.s32 s16, v0;
	s12 =	simm.s32 @p4 $0x10  }
0x1a9: {  	vm0 =	veq.s32 v0, $0x0;
	v4 =	vmov s30;
	s0 =	sor.u32 s5, s0;
	v5 =	vmov s14;
	s3 =	sadd.f32 s7, s3;
	s12 =	simm.s32 @p5 $0x20  }
0x1aa: {  	v4 =	vsel vm0, s31, v4;
	s5 =	sxor.u32 s0, s12  }
0x1ab: {  	[tilespmem:v2+s20+$0x0] =	vst.idx.msk $0x3, v4;
	v2 =	vmov s2;
	s13 =	smul.f32 $1.666666720e-01, s3;
	v4 =	vmov s5  }
0x1ac: {  	[tilespmem:v1+s21+$0x0] =	vst.idx.msk $0x1, v2;
	v1 =	vsel vm0, s0, v4;
	s0 =	sadd.s32 @!p0 s26, s9  }
0x1ad: {  	[tilespmem:v3+s20+$0x0] =	vst.idx.msk $0x3, v1;
	v1 =	vmov s13;
	s0 =	sshrl.u32 @!p0 s0, $0x3  }
0x1ae: {  	s2 =	simm.s32 @!p0 $0x0;
	s3 =	simm.s32 @!p0 $0x8000;
	[tilespmem:v5+s21+$0x0] =	vst.idx.msk $0x1, v1;
	s0 =	sadd.s32 @!p0 s1, s0  }
0x1af: {  	[tilespmem:s3], [sflag:$0x2] =	stream.linear.gather @!p0 [hbm4b:s0+s2], $0x8000, $0x38;
	[tilespmem:$0x1A100] =	vst v63  }
0x1b0: {  	s14 =	simm.s32 $0x0;
	_ =	swait.ge [sflag:s22], $0x8000  }
0x1b1: {  	s15 =	sand.u32 $0x70, s14;
	s0 =	sand.u32 $0x1C00, s14;
	[sflag:s22] =	ssyncset.done $0x0  }
0x1b2: {  	s16 =	sor.u32 s15, s0;
	[sflag:s22] =	ssyncadd.s32 $0xFFFF8000  }
0x1b3: {  	v1 =	vld [tilespmem:s16+$0x14000]  }
0x1b4: {  	v2 =	vld [tilespmem:s16+$0x14080]  }
0x1b5: {  	v3 =	vld [tilespmem:s16+$0x10000]  }
0x1b6: {  	v4 =	vld [tilespmem:s16+$0x14100]  }
0x1b7: {  	v5 =	vld [tilespmem:s16+$0x10080]  }
0x1b8: {  	v6 =	vld [tilespmem:s16+$0x14180]  }
0x1b9: {  	v7 =	vld [tilespmem:s16+$0x10100]  }
0x1ba: {  	v8 =	vld [tilespmem:s16+$0x10180];
	v1 =	vadd.f32 v2, v1  }
0x1bb: {  	v2 =	vld [tilespmem:s16+$0x14200]  }
0x1bc: {  	v3 =	vadd.f32 v5, v3;
	v5 =	vld [tilespmem:s16+$0x10200];
	v1 =	vadd.f32 v4, v1  }
0x1bd: {  	v4 =	vld [tilespmem:s16+$0x14280]  }
0x1be: {  	v3 =	vadd.f32 v7, v3;
	v7 =	vld [tilespmem:s16+$0x10280];
	v1 =	vadd.f32 v6, v1  }
0x1bf: {  	v6 =	vld [tilespmem:s16+$0x14300]  }
0x1c0: {  	v1 =	vadd.f32 v2, v1;
	v2 =	vadd.f32 v8, v3;
	v3 =	vld [tilespmem:s16+$0x14380]  }
0x1c1: {  	v8 =	vld [tilespmem:s16+$0x10300]  }
0x1c2: {  	v1 =	vadd.f32 v4, v1;
	v2 =	vadd.f32 v5, v2;
	v4 =	vld [tilespmem:s16+$0x16000]  }
0x1c3: {  	v5 =	vld [tilespmem:s16+$0x10380]  }
0x1c4: {  	v1 =	vadd.f32 v6, v1;
	v2 =	vadd.f32 v7, v2;
	v6 =	vld [tilespmem:s16+$0x16080]  }
0x1c5: {  	v7 =	vld [tilespmem:s16+$0x12000]  }
0x1c6: {  	v1 =	vadd.f32 v3, v1;
	v2 =	vadd.f32 v8, v2;
	v3 =	vld [tilespmem:s16+$0x16100]  }
0x1c7: {  	v8 =	vld [tilespmem:s16+$0x12080]  }
0x1c8: {  	v1 =	vadd.f32 v4, v1;
	v2 =	vadd.f32 v5, v2;
	v4 =	vld [tilespmem:s16+$0x16180]  }
0x1c9: {  	v5 =	vld [tilespmem:s16+$0x12100]  }
0x1ca: {  	v1 =	vadd.f32 v6, v1;
	v2 =	vadd.f32 v7, v2;
	v6 =	vld [tilespmem:s16+$0x16200]  }
0x1cb: {  	v7 =	vld [tilespmem:s16+$0x12180]  }
0x1cc: {  	v1 =	vadd.f32 v3, v1;
	v2 =	vadd.f32 v8, v2;
	v3 =	vld [tilespmem:s16+$0x16280]  }
0x1cd: {  	v8 =	vld [tilespmem:s16+$0x12200]  }
0x1ce: {  	v1 =	vadd.f32 v4, v1;
	v2 =	vadd.f32 v5, v2;
	v4 =	vld [tilespmem:s16+$0x16300]  }
0x1cf: {  	v5 =	vld [tilespmem:s16+$0x12280]  }
0x1d0: {  	v1 =	vadd.f32 v6, v1;
	v2 =	vadd.f32 v7, v2;
	v6 =	vld [tilespmem:s16+$0x16380]  }
0x1d1: {  	v7 =	vld [tilespmem:s16+$0x12300]  }
0x1d2: {  	v1 =	vadd.f32 v3, v1;
	v2 =	vadd.f32 v8, v2  }
0x1d3: {  	v3 =	vld [tilespmem:s16+$0x12380]  }
0x1d4: {  	v11 =	vimm.f32 $0.0e+00;
	v16 =	vld [tilespmem:s16+$0x18000];
	v1 =	vadd.f32 v4, v1;
	v2 =	vadd.f32 v5, v2  }
0x1d5: {  	v12 =	vimm.f32 $0.0e+00;
	v9 =	vimm.f32 $0.0e+00;
	v10 =	vimm.f32 $0.0e+00;
	v17 =	vld [tilespmem:s16+$0x18080]  }
0x1d6: {  	v18 =	vld [tilespmem:s16+$0x18100];
	v8 =	vimm.f32 $0.0e+00;
	v4 =	vadd.f32 v6, v1;
	v2 =	vadd.f32 v7, v2  }
0x1d7: {  	s28 =	simm.s32 $0x80;
	s26 =	simm.s32 $0x10;
	v15 =	vld [tilespmem:s16+$0x18180];
	v5 =	vimm.f32 $0.0e+00;
	v1 =	vimm.f32 $0.0e+00;
	v7 =	vimm.f32 $0.0e+00  }
0x1d8: {  	s31 =	sand.u32 $0x1C00, s28;
	s0 =	sand.u32 $0x70, s26;
	v14 =	vld [tilespmem:s16+$0x18200];
	v6 =	vimm.f32 $0.0e+00;
	v19 =	vmul.f32 $6.250000000e-02, v4;
	v20 =	vadd.f32 v3, v2  }
0x1d9: {  	s29 =	simm.s32 $0x20;
	s26 =	sor.u32 s0, s31;
	v13 =	vld [tilespmem:s16+$0x18280];
	v4 =	vimm.f32 $0.0e+00;
	v3 =	vimm.f32 $0.0e+00;
	v2 =	vimm.f32 $0.0e+00  }
.LBB2_7:
0x1da: {  	p1 =	sne.s32 s29, $0x3F0;
	v21 =	vld [tilespmem:s26+$0x14000];
	v22 =	vshrl.u32 v19, $0x10  }
0x1db: {  	v23 =	vld [tilespmem:s26+$0x14080];
	v20 =	vmul.f32 $6.250000000e-02, v20;
	v22 =	vand.u32 $0x1, v22  }
0x1dc: {  	v24 =	vld [tilespmem:s26+$0x10000];
	v19 =	vadd.s32 v22, v19  }
0x1dd: {  	v22 =	vld [tilespmem:s26+$0x14100];
	v25 =	vshrl.u32 v20, $0x10;
	v19 =	vadd.s32 $0x7FFF, v19  }
0x1de: {  	v26 =	vld [tilespmem:s26+$0x10080];
	v25 =	vand.u32 $0x1, v25;
	v19 =	vand.u32 $0xFFFF0000, v19  }
0x1df: {  	v27 =	vld [tilespmem:s26+$0x14180];
	v20 =	vadd.s32 v25, v20;
	v25 =	vmul.f32 v19, v16;
	v28 =	vmul.f32 v19, v13  }
0x1e0: {  	v29 =	vld [tilespmem:s26+$0x10100];
	v21 =	vadd.f32 v23, v21;
	v20 =	vadd.s32 $0x7FFF, v20;
	v23 =	vmul.f32 v19, v17  }
0x1e1: {  	v31 =	vmul.f32 v19, v18;
	v30 =	vld [tilespmem:s26+$0x14200];
	v20 =	vand.u32 $0xFFFF0000, v20;
	v1 =	vadd.f32 v28, v1  }
0x1e2: {  	v28 =	vld [tilespmem:s26+$0x10180];
	v21 =	vadd.f32 v22, v21;
	v16 =	vmul.f32 v20, v16;
	v17 =	vmul.f32 v20, v17  }
0x1e3: {  	v18 =	vmul.f32 v20, v18;
	v22 =	vadd.f32 v26, v24;
	v24 =	vld [tilespmem:s26+$0x14280];
	v26 =	vmul.f32 v20, v15  }
0x1e4: {  	v13 =	vmul.f32 v20, v13;
	v32 =	vld [tilespmem:s26+$0x10200];
	v21 =	vadd.f32 v27, v21;
	v27 =	vmul.f32 v20, v14  }
0x1e5: {  	v15 =	vmul.f32 v19, v15;
	v14 =	vmul.f32 v19, v14;
	v20 =	vadd.f32 v29, v22;
	v22 =	vld [tilespmem:s26+$0x14300]  }
0x1e6: {  	v10 =	vadd.f32 v16, v10;
	v19 =	vld [tilespmem:s26+$0x10280];
	v21 =	vadd.f32 v30, v21  }
0x1e7: {  	v11 =	vadd.f32 v17, v11;
	v16 =	vadd.f32 v28, v20;
	v20 =	vld [tilespmem:s26+$0x14380]  }
0x1e8: {  	v12 =	vadd.f32 v18, v12;
	v17 =	vld [tilespmem:s26+$0x10300];
	v21 =	vadd.f32 v24, v21  }
0x1e9: {  	v7 =	vadd.f32 v26, v7;
	v16 =	vadd.f32 v32, v16;
	v18 =	vld [tilespmem:s26+$0x16000]  }
0x1ea: {  	v8 =	vadd.f32 v27, v8;
	v24 =	vld [tilespmem:s26+$0x10380];
	v21 =	vadd.f32 v22, v21  }
0x1eb: {  	v9 =	vadd.f32 v13, v9;
	v16 =	vadd.f32 v19, v16;
	v19 =	vld [tilespmem:s26+$0x16080]  }
0x1ec: {  	v6 =	vadd.f32 v25, v6;
	v13 =	vld [tilespmem:s26+$0x12000];
	v20 =	vadd.f32 v20, v21  }
0x1ed: {  	v4 =	vadd.f32 v23, v4;
	v16 =	vadd.f32 v17, v16;
	v17 =	vld [tilespmem:s26+$0x16100]  }
0x1ee: {  	v5 =	vadd.f32 v31, v5;
	v21 =	vld [tilespmem:s26+$0x12080];
	v18 =	vadd.f32 v18, v20  }
0x1ef: {  	v3 =	vadd.f32 v15, v3;
	v16 =	vadd.f32 v24, v16;
	v20 =	vld [tilespmem:s26+$0x16180]  }
0x1f0: {  	v2 =	vadd.f32 v14, v2;
	v15 =	vld [tilespmem:s26+$0x12100];
	v18 =	vadd.f32 v19, v18  }
0x1f1: {  	v13 =	vadd.f32 v13, v16;
	v14 =	vld [tilespmem:s26+$0x16200]  }
0x1f2: {  	v16 =	vld [tilespmem:s26+$0x12180];
	v17 =	vadd.f32 v17, v18  }
0x1f3: {  	v13 =	vadd.f32 v21, v13;
	v18 =	vld [tilespmem:s26+$0x16280]  }
0x1f4: {  	v19 =	vld [tilespmem:s26+$0x12200];
	v17 =	vadd.f32 v20, v17  }
0x1f5: {  	v13 =	vadd.f32 v15, v13;
	v15 =	vld [tilespmem:s26+$0x16300]  }
0x1f6: {  	v20 =	vld [tilespmem:s26+$0x12280];
	v14 =	vadd.f32 v14, v17  }
0x1f7: {  	v13 =	vadd.f32 v16, v13;
	v21 =	vld [tilespmem:s26+$0x16380]  }
0x1f8: {  	v22 =	vld [tilespmem:s26+$0x12300];
	v14 =	vadd.f32 v18, v14  }
0x1f9: {  	v13 =	vadd.f32 v19, v13;
	v23 =	vld [tilespmem:s26+$0x12380]  }
0x1fa: {  	v16 =	vld [tilespmem:s26+$0x18000];
	v14 =	vadd.f32 v15, v14  }
.Ltmp4:
0x1fb: {  	v17 =	vld [tilespmem:s26+$0x18080];
	v13 =	vadd.f32 v20, v13;
	(pc) =	sbr.rel @p1 .LBB2_7-.Ltmp4, $4  }
0x1fc: {  	v18 =	vld [tilespmem:s26+$0x18100];
	v19 =	vadd.f32 v21, v14  }
0x1fd: {  	s28 =	sadd.s32 $0x80, s28;
	v15 =	vld [tilespmem:s26+$0x18180];
	v20 =	vadd.f32 v22, v13  }
0x1fe: {  	s0 =	sand.u32 $0x70, s29;
	s2 =	sand.u32 $0x1C00, s28;
	v14 =	vld [tilespmem:s26+$0x18200];
	v19 =	vmul.f32 $6.250000000e-02, v19  }
0x1ff: {  	s29 =	sadd.s32 $0x10, s29;
	v13 =	vld [tilespmem:s26+$0x18280];
	s26 =	sor.u32 s0, s2;
	v20 =	vadd.f32 v23, v20  }
0x200: {  	v21 =	vld [tilespmem:s26+$0x10000]  }
0x201: {  	v22 =	vld [tilespmem:s26+$0x10080];
	_ =	sdelay $0x1  }
0x202: {  	v23 =	vld [tilespmem:s26+$0x10100];
	_ =	sdelay $0x1  }
0x203: {  	v25 =	vld [tilespmem:s26+$0x10180]  }
0x204: {  	v24 =	vld [tilespmem:s26+$0x14000];
	v21 =	vadd.f32 v22, v21  }
0x205: {  	v33 =	vld [tilespmem:s26+$0x10200]  }
0x206: {  	v26 =	vld [tilespmem:s26+$0x14080];
	v21 =	vadd.f32 v23, v21  }
0x207: {  	v34 =	vld [tilespmem:s26+$0x10280]  }
0x208: {  	v27 =	vld [tilespmem:s26+$0x14100];
	v21 =	vadd.f32 v25, v21  }
0x209: {  	v35 =	vld [tilespmem:s26+$0x10300]  }
0x20a: {  	v28 =	vld [tilespmem:s26+$0x14180];
	v21 =	vadd.f32 v33, v21  }
0x20b: {  	v37 =	vld [tilespmem:s26+$0x10380];
	v24 =	vadd.f32 v26, v24  }
0x20c: {  	v36 =	vld [tilespmem:s26+$0x14200];
	v21 =	vadd.f32 v34, v21  }
0x20d: {  	v39 =	vld [tilespmem:s26+$0x12000];
	v24 =	vadd.f32 v27, v24  }
0x20e: {  	v38 =	vld [tilespmem:s26+$0x14280];
	v21 =	vadd.f32 v35, v21  }
0x20f: {  	v41 =	vld [tilespmem:s26+$0x12080];
	v24 =	vadd.f32 v28, v24  }
0x210: {  	v40 =	vld [tilespmem:s26+$0x14300];
	v21 =	vadd.f32 v37, v21  }
0x211: {  	v43 =	vld [tilespmem:s26+$0x12100];
	v24 =	vadd.f32 v36, v24  }
0x212: {  	v42 =	vld [tilespmem:s26+$0x14380];
	v21 =	vadd.f32 v39, v21  }
0x213: {  	v45 =	vld [tilespmem:s26+$0x12180];
	v24 =	vadd.f32 v38, v24  }
0x214: {  	v44 =	vld [tilespmem:s26+$0x16000];
	v21 =	vadd.f32 v41, v21  }
0x215: {  	v47 =	vld [tilespmem:s26+$0x12200];
	v24 =	vadd.f32 v40, v24  }
0x216: {  	v46 =	vld [tilespmem:s26+$0x16080];
	v21 =	vadd.f32 v43, v21  }
0x217: {  	v49 =	vld [tilespmem:s26+$0x12280];
	v24 =	vadd.f32 v42, v24  }
0x218: {  	v48 =	vld [tilespmem:s26+$0x16100];
	v21 =	vadd.f32 v45, v21  }
0x219: {  	v29 =	vld [tilespmem:s26+$0x12300];
	v20 =	vmul.f32 $6.250000000e-02, v20;
	v24 =	vadd.f32 v44, v24  }
0x21a: {  	v50 =	vld [tilespmem:s26+$0x16180];
	v21 =	vadd.f32 v47, v21  }
0x21b: {  	v54 =	vld [tilespmem:s26+$0x12380];
	v55 =	vshrl.u32 v20, $0x10;
	v24 =	vadd.f32 v46, v24  }
0x21c: {  	v52 =	vld [tilespmem:s26+$0x16200];
	v56 =	vand.u32 $0x1, v55;
	v21 =	vadd.f32 v49, v21  }
0x21d: {  	v20 =	vadd.s32 v56, v20;
	v24 =	vadd.f32 v48, v24  }
0x21e: {  	v51 =	vshrl.u32 v19, $0x10;
	v57 =	vld [tilespmem:s26+$0x16280];
	v20 =	vadd.s32 $0x7FFF, v20;
	v21 =	vadd.f32 v29, v21  }
0x21f: {  	v23 =	vand.u32 $0x1, v51;
	v20 =	vand.u32 $0xFFFF0000, v20;
	v24 =	vadd.f32 v50, v24  }
0x220: {  	v59 =	vld [tilespmem:s26+$0x16300];
	v53 =	vadd.s32 v23, v19;
	v63 =	vmul.f32 v20, v16;
	v21 =	vadd.f32 v54, v21  }
0x221: {  	v30 =	vmul.f32 v20, v14;
	v19 =	vadd.s32 $0x7FFF, v53;
	v24 =	vadd.f32 v52, v24  }
0x222: {  	v62 =	vld [tilespmem:s26+$0x16380];
	v19 =	vand.u32 $0xFFFF0000, v19;
	v10 =	vadd.f32 v63, v10;
	v21 =	vmul.f32 $6.250000000e-02, v21  }
0x223: {  	v8 =	vadd.f32 v30, v8;
	v58 =	vmul.f32 v19, v16;
	v24 =	vadd.f32 v57, v24  }
0x224: {  	v60 =	vmul.f32 v19, v17;
	v36 =	vmul.f32 v20, v17;
	v39 =	vld [tilespmem:s26+$0x18000];
	v40 =	vshrl.u32 v21, $0x10  }
0x225: {  	v31 =	vld [tilespmem:s26+$0x18080];
	v61 =	vmul.f32 v19, v18;
	v24 =	vadd.f32 v59, v24;
	v26 =	vand.u32 $0x1, v40  }
0x226: {  	v32 =	vld [tilespmem:s26+$0x18100];
	v38 =	vmul.f32 v20, v15;
	v11 =	vadd.f32 v36, v11;
	v21 =	vadd.s32 v26, v21  }
0x227: {  	v6 =	vadd.f32 v58, v6;
	v42 =	vld [tilespmem:s26+$0x18180];
	v24 =	vadd.f32 v62, v24;
	v43 =	vadd.s32 $0x7FFF, v21  }
0x228: {  	v37 =	vmul.f32 v20, v18;
	v20 =	vmul.f32 v20, v13;
	v17 =	vand.u32 $0xFFFF0000, v43  }
0x229: {  	v7 =	vadd.f32 v38, v7;
	v44 =	vld [tilespmem:s26+$0x18200];
	v45 =	vmul.f32 $6.250000000e-02, v24;
	v47 =	vmul.f32 v17, v39  }
0x22a: {  	v12 =	vadd.f32 v37, v12;
	v9 =	vadd.f32 v20, v9;
	v46 =	vld [tilespmem:s26+$0x18280];
	v49 =	vmul.f32 v17, v31  }
0x22b: {  	v48 =	vshrl.u32 v45, $0x10;
	v50 =	vmul.f32 v17, v32;
	v10 =	vadd.f32 v47, v10  }
0x22c: {  	v20 =	vand.u32 $0x1, v48;
	v51 =	vmul.f32 v17, v42;
	v11 =	vadd.f32 v49, v11  }
0x22d: {  	v41 =	vmul.f32 v19, v15;
	v20 =	vadd.s32 v20, v45;
	v12 =	vadd.f32 v50, v12;
	(xrf2) =	vadd.scan.msk.f32 $0xffff, v10  }
0x22e: {  	v20 =	vadd.s32 $0x7FFF, v20;
	v52 =	vmul.f32 v17, v44;
	v7 =	vadd.f32 v51, v7;
	(xrf2) =	vadd.scan.msk.f32 $0xffff, v11  }
0x22f: {  	v4 =	vadd.f32 v60, v4;
	v53 =	vand.u32 $0xFFFF0000, v20;
	v17 =	vmul.f32 v17, v46;
	(xrf2) =	vadd.scan.msk.f32 $0xffff, v12  }
0x230: {  	v3 =	vadd.f32 v41, v3;
	v54 =	vmul.f32 v53, v39;
	v8 =	vadd.f32 v52, v8;
	(xrf2) =	vadd.scan.msk.f32 $0xffff, v7  }
0x231: {  	v55 =	vmul.f32 v53, v31;
	v57 =	vmul.f32 v53, v42;
	v9 =	vadd.f32 v17, v9  }
0x232: {  	v5 =	vadd.f32 v61, v5;
	v56 =	vmul.f32 v53, v32;
	v6 =	vadd.f32 v54, v6;
	(xrf2) =	vadd.scan.msk.f32 $0xffff, v8  }
0x233: {  	v4 =	vadd.f32 v55, v4;
	v3 =	vadd.f32 v57, v3;
	(xrf2) =	vadd.scan.msk.f32 $0xffff, v9  }
0x234: {  	v58 =	vmul.f32 v19, v14;
	v5 =	vadd.f32 v56, v5;
	(xrf2) =	vadd.scan.msk.f32 $0xffff, v6  }
0x235: {  	(xrf2) =	vadd.scan.msk.f32 $0xffff, v4  }
0x236: {  	v2 =	vadd.f32 v58, v2;
	v59 =	vmul.f32 v53, v44;
	(xrf2) =	vadd.scan.msk.f32 $0xffff, v5  }
0x237: {  	(xrf2) =	vadd.scan.msk.f32 $0xffff, v3;
	v3, _, _ =	vpop (xrf2)  }
0x238: {  	v2 =	vadd.f32 v59, v2;
	v60, _, _ =	vpop (xrf2);
	(v2sf) =	vpush v3, $0xF  }
0x239: {  	v3, _, _ =	vpop (xrf2);
	(v2sf) =	vpush v60, $0xF  }
0x23a: {  	(v2sf) =	vpush v3, $0xF;
	v3, _, _ =	vpop (xrf2)  }
0x23b: {  	(v2sf) =	vpush v3, $0xF  }
0x23c: {  	(xrf2) =	vadd.scan.msk.f32 $0xffff, v2;
	v2, _, _ =	vpop (xrf2)  }
0x23d: {  	v3, _, _ =	vpop (xrf2);
	(v2sf) =	vpush v2, $0xF  }
0x23e: {  	(v2sf) =	vpush v3, $0xF  }
0x23f: {  	v2, _, _ =	vpop (xrf2)  }
0x240: {  	(v2sf) =	vpush v2, $0xF  }
0x241: {  	v3, _, _ =	vpop (xrf2)  }
0x242: {  	(v2sf) =	vpush v3, $0xF;
	_ =	sdelay $0x1  }
0x243: {  	v2, _, _ =	vpop (xrf2)  }
0x244: {  	v3, _, _ =	vpop (xrf2);
	(v2sf) =	vpush v2, $0xF;
	v2 =	vmul.f32 v19, v13  }
0x245: {  	s14 =	simm.s32 $0x1;
	s15 =	simm.s32 $0x2;
	(v2sf) =	vpush v3, $0xF;
	v3, _, _ =	vpop (xrf2)  }
0x246: {  	s30 =	simm.s32 $0x4;
	s31 =	simm.s32 $0x8;
	v1 =	vadd.f32 v2, v1;
	v2 =	vmul.f32 v53, v46;
	(v2sf) =	vpush v3, $0xF;
	s2 =	spop (v2sf)  }
0x247: {  	s5 =	spop (v2sf);
	p1 =	sgt.f32 s2, $0.0e+00;
	s2 =	sand.u32 $0x7FFFFFFF, s2  }
0x248: {  	s26 =	simm.s32 $0x2;
	v1 =	vadd.f32 v2, v1;
	s6 =	spop (v2sf);
	s16 =	smov.u32 s2  }
0x249: {  	s7 =	spop (v2sf);
	s14 =	simm.s32 @!p1 $0x0;
	p1 =	sgt.f32 s5, $0.0e+00  }
0x24a: {  	(xrf2) =	vadd.scan.msk.f32 $0xffff, v1;
	s5 =	sand.u32 $0x7FFFFFFF, s5;
	p3 =	sgt.f32 s6, $0.0e+00;
	s6 =	sand.u32 $0x7FFFFFFF, s6  }
0x24b: {  	s11 =	spop (v2sf);
	p4 =	sgt.f32 s7, $0.0e+00;
	s7 =	sand.u32 $0x7FFFFFFF, s7  }
0x24c: {  	s12 =	spop (v2sf);
	s15 =	simm.s32 @!p1 $0x0;
	p1 =	slt.f32 s5, s2  }
0x24d: {  	s30 =	simm.s32 @!p3 $0x0;
	p3 =	sgt.f32 s11, $0.0e+00;
	s2 =	sadd.f32 s5, s2  }
0x24e: {  	s11 =	sand.u32 $0x7FFFFFFF, s11;
	s13 =	spop (v2sf);
	s16 =	smov.u32 @p1 s5  }
0x24f: {  	s14 =	sor.u32 s14, s15;
	s31 =	simm.s32 @!p4 $0x0;
	p2 =	slt.f32 s6, s16  }
0x250: {  	s0 =	spop (v2sf);
	s5 =	simm.s32 $0x10;
	s2 =	sadd.f32 s6, s2  }
0x251: {  	s30 =	sor.u32 s30, s14;
	s26 =	simm.s32 @!p1 $0x1;
	s16 =	smov.u32 @p2 s6  }
0x252: {  	s14 =	sand.u32 $0x7FFFFFFF, s12;
	s15 =	sand.u32 $0x7FFFFFFF, s13;
	p4 =	slt.f32 s7, s16  }
0x253: {  	s3 =	spop (v2sf);
	s5 =	simm.s32 @!p3 $0x0;
	p3 =	sgt.f32 s12, $0.0e+00  }
0x254: {  	s28 =	spop (v2sf);
	v1, _, _ =	vpop (xrf2);
	s2 =	sadd.f32 s7, s2;
	s16 =	smov.u32 @p4 s7  }
0x255: {  	s12 =	simm.s32 $0x20;
	s29 =	spop (v2sf);
	(v2sf) =	vpush v1, $0xF;
	p1 =	slt.f32 s11, s16  }
0x256: {  	s6 =	sor.u32 s31, s30;
	s26 =	simm.s32 @p2 $0x4;
	s12 =	simm.s32 @!p3 $0x0  }
0x257: {  	p3 =	sgt.f32 s3, $0.0e+00;
	s3 =	sand.u32 $0x7FFFFFFF, s3;
	s16 =	smov.u32 @p1 s11  }
0x258: {  	s2 =	sadd.f32 s11, s2;
	s26 =	simm.s32 @p4 $0x8;
	p2 =	slt.f32 s14, s16  }
0x259: {  	s5 =	sor.u32 s5, s6;
	s6 =	sand.u32 $0x7FFFFFFF, s0;
	s26 =	simm.s32 @p1 $0x10  }
0x25a: {  	s30 =	sor.u32 s12, s5;
	s26 =	simm.s32 @p2 $0x20;
	p2 =	sgt.f32 s13, $0.0e+00  }
0x25b: {  	s12 =	smov.u32 s15;
	s11 =	simm.s32 $0x1;
	p1 =	slt.f32 s6, s15  }
0x25c: {  	s5 =	sadd.f32 s6, s15;
	s11 =	simm.s32 @!p2 $0x0;
	p2 =	sgt.f32 s0, $0.0e+00  }
0x25d: {  	s2 =	sadd.f32 s14, s2;
	s12 =	smov.u32 @p1 s6;
	s0 =	simm.s32 $0x2  }
0x25e: {  	s13 =	simm.s32 $0x4;
	s0 =	simm.s32 @!p2 $0x0;
	p2 =	slt.f32 s3, s12  }
0x25f: {  	s14 =	sand.u32 $0x7FFFFFFF, s28;
	s13 =	simm.s32 @!p3 $0x0;
	p3 =	sgt.f32 s28, $0.0e+00  }
0x260: {  	s0 =	sor.u32 s11, s0;
	s11 =	simm.s32 $0x8;
	s12 =	smov.u32 @p2 s3  }
0x261: {  	p4 =	sgt.f32 s29, $0.0e+00;
	s11 =	simm.s32 @!p3 $0x0;
	p3 =	slt.f32 s14, s12  }
0x262: {  	s2 =	smul.f32 $1.666666720e-01, s2;
	s15 =	sand.u32 $0x7FFFFFFF, s29;
	s6 =	simm.s32 $0x10  }
0x263: {  	s6 =	simm.s32 @!p4 $0x0;
	s28 =	sadd.s32 $0x2, s25;
	s12 =	smov.u32 @p3 s14  }
0x264: {  	s31 =	sshll.u32 s28, $0x1;
	s16 =	spop (v2sf);
	p4 =	slt.f32 s15, s12  }
0x265: {  	s0 =	sor.u32 s13, s0;
	s3 =	sadd.f32 s3, s5;
	p5 =	sgt.f32 s16, $0.0e+00  }
0x266: {  	s5 =	simm.s32 $0x20;
	s7 =	sand.u32 $0x7FFFFFFF, s16;
	s12 =	smov.u32 @p4 s15  }
0x267: {  	s5 =	simm.s32 @!p5 $0x0;
	p5 =	slt.f32 s7, s12;
	s12 =	simm.s32 $0x2  }
0x268: {  	v1 =	vmov s31;
	s16 =	sshll.u32 s28, $0x2;
	s3 =	sadd.f32 s14, s3;
	s12 =	simm.s32 @!p1 $0x1  }
0x269: {  	s25 =	sshllo.u32 s28, $0x1;
	v1 =	vbroadcast v1, $0x0;
	s0 =	sor.u32 s11, s0;
	v2 =	vadd.s32 s16, v0;
	s12 =	simm.s32 @p2 $0x4  }
0x26a: {  	s28 =	sshll.u32 s25, $0x1;
	s3 =	sadd.f32 s15, s3;
	s12 =	simm.s32 @p3 $0x8  }
0x26b: {  	s29 =	sxor.u32 s30, s26;
	s0 =	sor.u32 s6, s0;
	v3 =	vadd.s32 s28, v0;
	s12 =	simm.s32 @p4 $0x10  }
0x26c: {  	vm0 =	veq.s32 v0, $0x0;
	v61 =	vmov s29;
	v62 =	vmov s25;
	s0 =	sor.u32 s5, s0;
	s3 =	sadd.f32 s7, s3;
	s12 =	simm.s32 @p5 $0x20  }
.Ltmp5:
0x26d: {  	v4 =	vsel vm0, s30, v61;
	s5 =	sxor.u32 s0, s12;
	(pc) =	sbr.rel @p0 .LBB2_10-.Ltmp5, $4  }
0x26e: {  	[tilespmem:v2+s20+$0x0] =	vst.idx.msk $0x3, v4;
	v2 =	vmov s2;
	s31 =	smul.f32 $1.666666720e-01, s3;
	v63 =	vmov s5  }
0x26f: {  	[tilespmem:v1+s21+$0x0] =	vst.idx.msk $0x1, v2;
	v1 =	vsel vm0, s0, v63  }
0x270: {  	[tilespmem:v3+s20+$0x0] =	vst.idx.msk $0x3, v1;
	v1 =	vmov s31  }
0x271: {  	[tilespmem:v62+s21+$0x0] =	vst.idx.msk $0x1, v1  }
0x272: {  	s0 =	smul.u32 $0x18000, s24  }
.Ltmp6:
0x273: {  	_ = 	snop;
	(pc) =	sbr.rel .LBB2_2-.Ltmp6, $4  }
0x274: {  	s0 =	sadd.s32 s0, s10  }
0x275: {  	s0 =	sshrl.u32 s0, $0x3  }
0x276: {  	s24 =	sadd.s32 $0x1, s24;
	s0 =	sadd.s32 s1, s0  }
0x277: {  	[tilespmem:s17], [sflag:$0x3] =	stream.linear.gather [hbm4b:s0+s4], $0x8000, $0x38;
	[tilespmem:$0x1A100] =	vst v63  }
.LBB2_11:
0x278: {  	_ =	sfence.sel $0x180000  }
0x279: {  	[bflag:$0x0] =	sbarrier.arrive $0xFFFF  }
0x27a: {  	_ =	strace $0x90000047  }
0x27b: {  	s0 =	stileid.u32;
	[bflag:$0x2] =	sbarrier.arrive $0xFFFF  }
0x27c: {  	p0 =	sne.s32 s0, $0x0;
	s0 =	rddreg [dreg:$0x4]  }
0x27d: {  	s0 =	sadd.s32 @!p0 $0x100000, s0  }
0x27e: {  	[sflag:s0] =	ssyncadd.tile.s32 @!p0 $0x1;
	_ =	shalt  }
.Lfunc_end2:
_tile_overlayer_lowered:
.L_overlay_start_2:
0x27f: {  	(tag) =	ssettag $0x2  }
0x280: {  	s0 =	rddreg [dreg:$0x0];
	s2 =	stileid.u32  }
0x281: {  	s1 =	rddreg [dreg:$0x1];
	p0 =	sne.s32 s2, $0x0  }
0x282: {  	s3 =	rddreg [dreg:$0x2];
	[bflag:$0x3] =	sbarrier.arrive $0xFFFF;
	s2 =	simm.s32 @!p0 $0x1C04  }
0x283: {  	[timem:s3], [sflag:s2] =	dma.local @!p0 [hbm:s0], s1  }
0x284: {  	s0 =	simm.s32 @!p0 $0x4  }
0x285: {  	_ =	swait.ge @!p0 [sflag:s0], s1  }
0x286: {  	s1 =	ssub.s32 @!p0 $0x0, s1;
	[sflag:s0] =	ssyncset.done @!p0 $0x0  }
0x287: {  	[sflag:s0] =	ssyncadd.s32 @!p0 s1  }
0x288: {  	[bflag:$0x3] =	sbarrier.arrive $0xFFFF  }
0x289: {  	_ =	shalt  }

</sc_bundles>
